<compile_context>
chip_gen: v7x
topology: tpu7x:2x2x1
jax: 0.10.2.dev20260603
libtpu: 0.0.44.dev20260713+nightly
codegen_flags: <defaults>
</compile_context>

<pallas_src>
import jax
import jax.numpy as jnp
from jax import lax
from jax.experimental import pallas as pl
from jax.experimental.pallas import tpu as pltpu
from jax.experimental.pallas import tpu_sc as plsc

N_NODES = 10000
N_INC = 320000
D = 128

NC = 2
NS = 16
L = 16
NW = NC * NS
GCH = 32
NB = 6
NG = 54
STEPS = NB * NG
P_INC = NW * STEPS * GCH
ROWS_PAD = 10112
RPT = ROWS_PAD // NS
BM = 1264



def _linear_body(x_ref, wt_ref, b_ref, o_ref):
    o_ref[...] = (
        jnp.dot(x_ref[...], wt_ref[...], preferred_element_type=jnp.float32)
        + b_ref[...]
    )


def _linear(x, wt, b):
    m = x.shape[0]
    return pl.pallas_call(
        _linear_body,
        grid=(m // BM,),
        in_specs=[
            pl.BlockSpec((BM, D), lambda i: (i, 0)),
            pl.BlockSpec((D, D), lambda i: (0, 0)),
            pl.BlockSpec((1, D), lambda i: (0, 0)),
        ],
        out_specs=pl.BlockSpec((BM, D), lambda i: (i, 0)),
        out_shape=jax.ShapeDtypeStruct((m, D), jnp.float32),
    )(x, wt, b)


def _mid_body(p_ref, c_ref, wt_ref, b_ref, o_ref):
    s = p_ref[0] + p_ref[1]
    cnt = c_ref[0, :, 0:1] + c_ref[1, :, 0:1]
    mean = jnp.maximum(s / jnp.maximum(cnt, 1.0), 0.0)
    o_ref[...] = (
        jnp.dot(mean, wt_ref[...], preferred_element_type=jnp.float32)
        + b_ref[...]
    )


def _mid(p, c, wt, b):
    return pl.pallas_call(
        _mid_body,
        grid=(ROWS_PAD // BM,),
        in_specs=[
            pl.BlockSpec((NC, BM, D), lambda i: (0, i, 0)),
            pl.BlockSpec((NC, BM, L), lambda i: (0, i, 0)),
            pl.BlockSpec((D, D), lambda i: (0, 0)),
            pl.BlockSpec((1, D), lambda i: (0, 0)),
        ],
        out_specs=pl.BlockSpec((BM, D), lambda i: (i, 0)),
        out_shape=jax.ShapeDtypeStruct((ROWS_PAD, D), jnp.float32),
    )(p, c, wt, b)


def _final_body(q_ref, c_ref, o_ref):
    s = q_ref[0] + q_ref[1]
    cnt = c_ref[0, :, 0:1] + c_ref[1, :, 0:1]
    o_ref[...] = jnp.maximum(s / jnp.maximum(cnt, 1.0), 0.0)


_FBM = 1000


def _final(q, c):
    return pl.pallas_call(
        _final_body,
        grid=(N_NODES // _FBM,),
        in_specs=[
            pl.BlockSpec((NC, _FBM, D), lambda i: (0, i, 0)),
            pl.BlockSpec((NC, _FBM, L), lambda i: (0, i, 0)),
        ],
        out_specs=pl.BlockSpec((_FBM, D), lambda i: (i, 0)),
        out_shape=jax.ShapeDtypeStruct((N_NODES, D), jnp.float32),
    )(q, c)



_MESH = plsc.VectorSubcoreMesh(core_axis_name="c", subcore_axis_name="s")
_SC_PARAMS = pltpu.CompilerParams(use_tc_tiling_on_sc=False)


def _counts_body(gidx_hbm, sidx_hbm, ecnt_hbm, vcnt_hbm,
                 gidx_v, sidx_v, ones_v, zcnt_v, ecnt_sh, vcnt_sh, csem):
    co = lax.axis_index("c")
    s = lax.axis_index("s")
    w = co * NS + s
    pltpu.sync_copy(gidx_hbm.at[w], gidx_v)
    pltpu.sync_copy(sidx_hbm.at[w], sidx_v)

    @pl.loop(0, GCH)
    def _(i):
        ones_v[i, :] = jnp.ones((L,), jnp.float32)

    @pl.loop(0, RPT)
    def _(i):
        zcnt_v[i, :] = jnp.zeros((L,), jnp.float32)

    base = s * RPT
    pltpu.sync_copy(zcnt_v, ecnt_sh.at[pl.ds(base, RPT)])
    pltpu.sync_copy(zcnt_v, vcnt_sh.at[pl.ds(base, RPT)])

    plsc.subcore_barrier()

    @pl.loop(0, STEPS)
    def _(j):
        pltpu.async_copy(ones_v, ecnt_sh.at[sidx_v.at[j]], csem, add=True)
        pltpu.async_copy(ones_v, vcnt_sh.at[gidx_v.at[j]], csem, add=True)

    @pl.loop(0, STEPS)
    def _(j):
        pltpu.make_async_copy(ones_v, ecnt_sh.at[sidx_v.at[j]], csem).wait()
        pltpu.make_async_copy(ones_v, vcnt_sh.at[gidx_v.at[j]], csem).wait()

    plsc.subcore_barrier()

    pltpu.sync_copy(ecnt_sh.at[pl.ds(base, RPT)], ecnt_hbm.at[co, pl.ds(base, RPT)])
    pltpu.sync_copy(vcnt_sh.at[pl.ds(base, RPT)], vcnt_hbm.at[co, pl.ds(base, RPT)])


def _counts(gidx, sidx):
    f = pl.kernel(
        _counts_body,
        out_type=[
            jax.ShapeDtypeStruct((NC, ROWS_PAD, L), jnp.float32),
            jax.ShapeDtypeStruct((NC, ROWS_PAD, L), jnp.float32),
        ],
        mesh=_MESH,
        scratch_types=[
            pltpu.VMEM((STEPS, GCH), jnp.int32),
            pltpu.VMEM((STEPS, GCH), jnp.int32),
            pltpu.VMEM((GCH, L), jnp.float32),
            pltpu.VMEM((RPT, L), jnp.float32),
            pltpu.VMEM_SHARED((ROWS_PAD, L), jnp.float32),
            pltpu.VMEM_SHARED((ROWS_PAD, L), jnp.float32),
            pltpu.SemaphoreType.DMA,
        ],
        compiler_params=_SC_PARAMS,
    )
    return f(gidx, sidx)


def _agg_body(h_hbm, gidx_hbm, sidx_hbm, out_hbm,
              gidx_v, sidx_v, rows_v, zbuf_v, acc_sh, gsem, ssem):
    co = lax.axis_index("c")
    s = lax.axis_index("s")
    w = co * NS + s
    pltpu.sync_copy(gidx_hbm.at[w], gidx_v)
    pltpu.sync_copy(sidx_hbm.at[w], sidx_v)

    @pl.loop(0, 32)
    def _(i):
        for jj in range(D // L):
            zbuf_v[i, pl.ds(jj * L, L)] = jnp.zeros((L,), jnp.float32)

    base = s * RPT

    @pl.loop(0, 19)
    def _(k):
        pltpu.sync_copy(zbuf_v, acc_sh.at[pl.ds(base + k * 32, 32)])

    pltpu.sync_copy(zbuf_v.at[pl.ds(0, RPT - 608)],
                    acc_sh.at[pl.ds(base + 608, RPT - 608)])

    plsc.subcore_barrier()

    for b in range(NB):
        pltpu.async_copy(h_hbm.at[gidx_v.at[b]], rows_v.at[b], gsem.at[b])

    @pl.loop(0, NG)
    def _(g):
        j0 = g * NB
        for b in range(NB):
            pltpu.make_async_copy(
                h_hbm.at[gidx_v.at[j0 + b]], rows_v.at[b], gsem.at[b]
            ).wait()
            pltpu.async_copy(
                rows_v.at[b], acc_sh.at[sidx_v.at[j0 + b]], ssem.at[b],
                add=True)
        for b in range(NB):
            pltpu.make_async_copy(
                rows_v.at[b], acc_sh.at[sidx_v.at[j0 + b]], ssem.at[b]
            ).wait()

            @pl.when(g < NG - 1)
            def _():
                pltpu.async_copy(
                    h_hbm.at[gidx_v.at[j0 + NB + b]], rows_v.at[b], gsem.at[b])

    plsc.subcore_barrier()

    pltpu.sync_copy(acc_sh.at[pl.ds(base, RPT)],
                    out_hbm.at[co, pl.ds(base, RPT)])


def _agg(h, gidx, sidx):
    f = pl.kernel(
        _agg_body,
        out_type=jax.ShapeDtypeStruct((NC, ROWS_PAD, D), jnp.float32),
        mesh=_MESH,
        scratch_types=[
            pltpu.VMEM((STEPS, GCH), jnp.int32),
            pltpu.VMEM((STEPS, GCH), jnp.int32),
            pltpu.VMEM((NB, GCH, D), jnp.float32),
            pltpu.VMEM((32, D), jnp.float32),
            pltpu.VMEM_SHARED((ROWS_PAD, D), jnp.float32),
            pltpu.SemaphoreType.DMA((NB,)),
            pltpu.SemaphoreType.DMA((NB,)),
        ],
        compiler_params=_SC_PARAMS,
    )
    return f(h, gidx, sidx)



def kernel(x, hyperedge_index, W_v2e, b_v2e, W_e2v, b_e2v):
    nidx = hyperedge_index[0].astype(jnp.int32)
    eidx = hyperedge_index[1].astype(jnp.int32)
    pad = P_INC - N_INC
    fill = N_NODES + jnp.arange(pad, dtype=jnp.int32) % (ROWS_PAD - N_NODES)
    nidx_p = jnp.concatenate([nidx, fill])
    eidx_p = jnp.concatenate([eidx, fill])
    nidx_g = nidx_p.reshape(NW, STEPS, GCH)
    eidx_g = eidx_p.reshape(NW, STEPS, GCH)
    x_p = jnp.pad(x, ((0, ROWS_PAD - N_NODES), (0, 0)))

    h = _linear(x_p, W_v2e.T, b_v2e.reshape(1, D))
    ecnt, vcnt = _counts(nidx_g, eidx_g)
    esum = _agg(h, nidx_g, eidx_g)
    e = _mid(esum, ecnt, W_e2v.T, b_e2v.reshape(1, D))
    vsum = _agg(e, eidx_g, nidx_g)
    return _final(vsum, vcnt)

# --- scband reference (transcript-rebuilt; emitter-appended) ---
"""Pipeline reference for scband-hnhnconv-37254546325797 (READ-ONLY COPY).

The authoritative reference and input builder live on the scoring server;
editing this copy changes nothing except your own understanding.
"""

import jax, jax.numpy as jnp
import numpy as np

N_NODES = 10000
N_EDGES = 10000  # number of hyperedges
N_INC = 320000   # number of incidences
D_IN = 128
D_OUT = 128


def setup_inputs(seed: int = 0) -> dict:
    key = jax.random.key(seed)
    k1, k2, k3, k4, k5, k6, k7 = jax.random.split(key, 7)
    x = jax.random.normal(k1, (N_NODES, D_IN), dtype=jnp.float32)
    node_idx = jax.random.randint(k2, (N_INC,), 0, N_NODES)
    edge_idx = jax.random.randint(k3, (N_INC,), 0, N_EDGES)
    hyperedge_index = jnp.stack([node_idx, edge_idx], axis=0)
    # learned parameters (nn.Linear: y = x @ W.T + b)
    s_in = 1.0 / np.sqrt(D_IN)
    s_out = 1.0 / np.sqrt(D_OUT)
    W_v2e = jax.random.uniform(k4, (D_OUT, D_IN), jnp.float32, -s_in, s_in)
    b_v2e = jax.random.uniform(k5, (D_OUT,), jnp.float32, -s_in, s_in)
    W_e2v = jax.random.uniform(k6, (D_OUT, D_OUT), jnp.float32, -s_out, s_out)
    b_e2v = jax.random.uniform(k7, (D_OUT,), jnp.float32, -s_out, s_out)
    return {"x": x, "hyperedge_index": hyperedge_index,
            "W_v2e": W_v2e, "b_v2e": b_v2e, "W_e2v": W_e2v, "b_e2v": b_e2v}


def reference(x, hyperedge_index, W_v2e, b_v2e, W_e2v, b_e2v):
    node_idx = hyperedge_index[0]
    edge_idx = hyperedge_index[1]
    # theta_v2e
    h = x @ W_v2e.T + b_v2e
    # node -> hyperedge mean aggregation
    gathered = jnp.take(h, node_idx, axis=0)
    e_sum = jax.ops.segment_sum(gathered, edge_idx, num_segments=N_EDGES)
    e_cnt = jax.ops.segment_sum(jnp.ones((N_INC, 1), jnp.float32), edge_idx, num_segments=N_EDGES)
    e = e_sum / jnp.clip(e_cnt, 1.0)
    # activation on hyperedge embeddings
    e = jax.nn.relu(e)
    # theta_e2v
    e = e @ W_e2v.T + b_e2v
    # hyperedge -> node mean aggregation
    g2 = jnp.take(e, edge_idx, axis=0)
    v_sum = jax.ops.segment_sum(g2, node_idx, num_segments=N_NODES)
    v_cnt = jax.ops.segment_sum(jnp.ones((N_INC, 1), jnp.float32), node_idx, num_segments=N_NODES)
    out = v_sum / jnp.clip(v_cnt, 1.0)
    # is_last=False: final activation; dropout is identity in eval; no batch norm
    out = jax.nn.relu(out)
    return out

if __name__ == "__main__":
    import jax
    _d = setup_inputs()
    print(jax.jit(kernel)(*tuple(_d.values())))

</pallas_src>

<mosaic_0001>
#map = affine_map<(d0, d1) -> (0, 0)>
#map1 = affine_map<(d0, d1) -> (0, 0, 0)>
module attributes {stable_mosaic.version = 14 : i64} {
  func.func @_agg_body(%arg0: i32, %arg1: i32, %arg2: memref<10112x128xf32, #tpu.memory_space<hbm>>, %arg3: memref<32x324x32xi32, #tpu.memory_space<hbm>>, %arg4: memref<32x324x32xi32, #tpu.memory_space<hbm>>, %arg5: memref<2x10112x128xf32, #tpu.memory_space<hbm>>, %arg6: memref<324x32xi32, #tpu.memory_space<vmem>>, %arg7: memref<324x32xi32, #tpu.memory_space<vmem>>, %arg8: memref<6x32x128xf32, #tpu.memory_space<vmem>>, %arg9: memref<32x128xf32, #tpu.memory_space<vmem>>, %arg10: memref<10112x128xf32, #tpu.memory_space<vmem_shared>>, %arg11: memref<6x!tpu.dma_semaphore, #tpu.memory_space<semaphore_mem>>, %arg12: memref<6x!tpu.dma_semaphore, #tpu.memory_space<semaphore_mem>>) attributes {dimension_semantics = [#tpu.dimension_semantics<core_parallel>, #tpu.dimension_semantics<subcore_parallel>], iteration_bounds = array<i64: 2, 16>, scalar_prefetch = 0 : i64, scratch_operands = 7 : i64, tpu.core_type = #tpu.core_type<sc_vector_subcore>, window_params = [{transform_indices = #map}, {transform_indices = #map1}, {transform_indices = #map1}, {transform_indices = #map1}]} {
    %mul3A = arith.constant 16 : i32
    %mul3A_0 = arith.muli %arg0, %mul3A : i32
    %add3A = arith.addi %mul3A_0, %arg1 : i32
    "tpu.region"() ({
      %run_scoped3A = tpu.sem_alloc : memref<!tpu.dma_semaphore, #tpu.memory_space<semaphore_mem>>
      %dma_start3A_109 = arith.constant 0 : i32
      %dma_start3A_110 = arith.constant 0 : i32
      %dma_start3A_111 = tpu.memref_slice %arg3[%add3A, %dma_start3A_109, %dma_start3A_110] : memref<32x324x32xi32, #tpu.memory_space<hbm>> -> memref<1x324x32xi32, #tpu.memory_space<hbm>>
      %dma_start3A_112 = tpu.memref_squeeze %dma_start3A_111 : memref<1x324x32xi32, #tpu.memory_space<hbm>> -> memref<324x32xi32, #tpu.memory_space<hbm>>
      %dma_start3A_113 = arith.constant 0 : i32
      %dma_start3A_114 = arith.constant 0 : i32
      %dma_start3A_115 = tpu.memref_slice %arg3[%add3A, %dma_start3A_113, %dma_start3A_114] : memref<32x324x32xi32, #tpu.memory_space<hbm>> -> memref<1x324x32xi32, #tpu.memory_space<hbm>>
      %dma_start3A_116 = tpu.memref_squeeze %dma_start3A_115 : memref<1x324x32xi32, #tpu.memory_space<hbm>> -> memref<324x32xi32, #tpu.memory_space<hbm>>
      tpu.enqueue_dma source(%dma_start3A_116 : memref<324x32xi32, #tpu.memory_space<hbm>>) target(%arg6 : memref<324x32xi32, #tpu.memory_space<vmem>>) target_semaphore(%run_scoped3A : memref<!tpu.dma_semaphore, #tpu.memory_space<semaphore_mem>>)
      %dma_wait3A = arith.constant 0 : i32
      %dma_wait3A_117 = arith.constant 0 : i32
      %dma_wait3A_118 = tpu.memref_slice %arg3[%add3A, %dma_wait3A, %dma_wait3A_117] : memref<32x324x32xi32, #tpu.memory_space<hbm>> -> memref<1x324x32xi32, #tpu.memory_space<hbm>>
      %dma_wait3A_119 = tpu.memref_squeeze %dma_wait3A_118 : memref<1x324x32xi32, #tpu.memory_space<hbm>> -> memref<324x32xi32, #tpu.memory_space<hbm>>
      %dma_wait3A_120 = arith.constant 0 : i32
      %dma_wait3A_121 = arith.constant 0 : i32
      %dma_wait3A_122 = tpu.memref_slice %arg3[%add3A, %dma_wait3A_120, %dma_wait3A_121] : memref<32x324x32xi32, #tpu.memory_space<hbm>> -> memref<1x324x32xi32, #tpu.memory_space<hbm>>
      %dma_wait3A_123 = tpu.memref_squeeze %dma_wait3A_122 : memref<1x324x32xi32, #tpu.memory_space<hbm>> -> memref<324x32xi32, #tpu.memory_space<hbm>>
      tpu.wait_dma2 semaphore(%run_scoped3A : memref<!tpu.dma_semaphore, #tpu.memory_space<semaphore_mem>>) src(%dma_wait3A_123 : memref<324x32xi32, #tpu.memory_space<hbm>>) dst(%arg6 : memref<324x32xi32, #tpu.memory_space<vmem>>)
      tpu.yield
    }) : () -> ()
    "tpu.region"() ({
      %run_scoped3A = tpu.sem_alloc : memref<!tpu.dma_semaphore, #tpu.memory_space<semaphore_mem>>
      %dma_start3A_109 = arith.constant 0 : i32
      %dma_start3A_110 = arith.constant 0 : i32
      %dma_start3A_111 = tpu.memref_slice %arg4[%add3A, %dma_start3A_109, %dma_start3A_110] : memref<32x324x32xi32, #tpu.memory_space<hbm>> -> memref<1x324x32xi32, #tpu.memory_space<hbm>>
      %dma_start3A_112 = tpu.memref_squeeze %dma_start3A_111 : memref<1x324x32xi32, #tpu.memory_space<hbm>> -> memref<324x32xi32, #tpu.memory_space<hbm>>
      %dma_start3A_113 = arith.constant 0 : i32
      %dma_start3A_114 = arith.constant 0 : i32
      %dma_start3A_115 = tpu.memref_slice %arg4[%add3A, %dma_start3A_113, %dma_start3A_114] : memref<32x324x32xi32, #tpu.memory_space<hbm>> -> memref<1x324x32xi32, #tpu.memory_space<hbm>>
      %dma_start3A_116 = tpu.memref_squeeze %dma_start3A_115 : memref<1x324x32xi32, #tpu.memory_space<hbm>> -> memref<324x32xi32, #tpu.memory_space<hbm>>
      tpu.enqueue_dma source(%dma_start3A_116 : memref<324x32xi32, #tpu.memory_space<hbm>>) target(%arg7 : memref<324x32xi32, #tpu.memory_space<vmem>>) target_semaphore(%run_scoped3A : memref<!tpu.dma_semaphore, #tpu.memory_space<semaphore_mem>>)
      %dma_wait3A = arith.constant 0 : i32
      %dma_wait3A_117 = arith.constant 0 : i32
      %dma_wait3A_118 = tpu.memref_slice %arg4[%add3A, %dma_wait3A, %dma_wait3A_117] : memref<32x324x32xi32, #tpu.memory_space<hbm>> -> memref<1x324x32xi32, #tpu.memory_space<hbm>>
      %dma_wait3A_119 = tpu.memref_squeeze %dma_wait3A_118 : memref<1x324x32xi32, #tpu.memory_space<hbm>> -> memref<324x32xi32, #tpu.memory_space<hbm>>
      %dma_wait3A_120 = arith.constant 0 : i32
      %dma_wait3A_121 = arith.constant 0 : i32
      %dma_wait3A_122 = tpu.memref_slice %arg4[%add3A, %dma_wait3A_120, %dma_wait3A_121] : memref<32x324x32xi32, #tpu.memory_space<hbm>> -> memref<1x324x32xi32, #tpu.memory_space<hbm>>
      %dma_wait3A_123 = tpu.memref_squeeze %dma_wait3A_122 : memref<1x324x32xi32, #tpu.memory_space<hbm>> -> memref<324x32xi32, #tpu.memory_space<hbm>>
      tpu.wait_dma2 semaphore(%run_scoped3A : memref<!tpu.dma_semaphore, #tpu.memory_space<semaphore_mem>>) src(%dma_wait3A_123 : memref<324x32xi32, #tpu.memory_space<hbm>>) dst(%arg7 : memref<324x32xi32, #tpu.memory_space<vmem>>)
      tpu.yield
    }) : () -> ()
    %scan3A = arith.constant 0 : i32
    %scan3A_1 = arith.constant 32 : i32
    %scan3A_2 = arith.addi %scan3A, %scan3A_1 : i32
    %scan3A_3 = arith.constant 1 : i32
    scf.for %scan3A_109 = %scan3A to %scan3A_2 step %scan3A_3  : i32 {
      %mul3A_110 = arith.constant 1 : i32
      %mul3A_111 = arith.muli %scan3A_109, %mul3A_110 : i32
      %add3A_112 = arith.constant 0 : i32
      %add3A_113 = arith.addi %add3A_112, %mul3A_111 : i32
      %broadcast_in_dim3A = arith.constant 0.000000e+00 : f32
      %broadcast_in_dim3A_114 = vector.broadcast %broadcast_in_dim3A : f32 to vector<16xf32>
      %swap3A = arith.index_cast %add3A_113 : i32 to index
      %swap3A_115 = arith.constant 0 : index
      %swap3A_116 = tpu.vector_load %arg9[%swap3A, %swap3A_115] {strides = array<i32>} : memref<32x128xf32, #tpu.memory_space<vmem>>, vector<1x16xf32>,
      %swap3A_117 = vector.shape_cast %swap3A_116 : vector<1x16xf32> to vector<16xf32>
      %swap3A_118 = vector.shape_cast %broadcast_in_dim3A_114 : vector<16xf32> to vector<1x16xf32>
      tpu.vector_store %arg9[%swap3A, %swap3A_115], %swap3A_118 {strides = array<i32>} : memref<32x128xf32, #tpu.memory_space<vmem>>, vector<1x16xf32>,
      %broadcast_in_dim3A_119 = arith.constant 0.000000e+00 : f32
      %broadcast_in_dim3A_120 = vector.broadcast %broadcast_in_dim3A_119 : f32 to vector<16xf32>
      %swap3A_121 = arith.index_cast %add3A_113 : i32 to index
      %swap3A_122 = arith.constant 16 : index
      %swap3A_123 = tpu.vector_load %arg9[%swap3A_121, %swap3A_122] {strides = array<i32>} : memref<32x128xf32, #tpu.memory_space<vmem>>, vector<1x16xf32>,
      %swap3A_124 = vector.shape_cast %swap3A_123 : vector<1x16xf32> to vector<16xf32>
      %swap3A_125 = vector.shape_cast %broadcast_in_dim3A_120 : vector<16xf32> to vector<1x16xf32>
      tpu.vector_store %arg9[%swap3A_121, %swap3A_122], %swap3A_125 {strides = array<i32>} : memref<32x128xf32, #tpu.memory_space<vmem>>, vector<1x16xf32>,
      %broadcast_in_dim3A_126 = arith.constant 0.000000e+00 : f32
      %broadcast_in_dim3A_127 = vector.broadcast %broadcast_in_dim3A_126 : f32 to vector<16xf32>
      %swap3A_128 = arith.index_cast %add3A_113 : i32 to index
      %swap3A_129 = arith.constant 32 : index
      %swap3A_130 = tpu.vector_load %arg9[%swap3A_128, %swap3A_129] {strides = array<i32>} : memref<32x128xf32, #tpu.memory_space<vmem>>, vector<1x16xf32>,
      %swap3A_131 = vector.shape_cast %swap3A_130 : vector<1x16xf32> to vector<16xf32>
      %swap3A_132 = vector.shape_cast %broadcast_in_dim3A_127 : vector<16xf32> to vector<1x16xf32>
      tpu.vector_store %arg9[%swap3A_128, %swap3A_129], %swap3A_132 {strides = array<i32>} : memref<32x128xf32, #tpu.memory_space<vmem>>, vector<1x16xf32>,
      %broadcast_in_dim3A_133 = arith.constant 0.000000e+00 : f32
      %broadcast_in_dim3A_134 = vector.broadcast %broadcast_in_dim3A_133 : f32 to vector<16xf32>
      %swap3A_135 = arith.index_cast %add3A_113 : i32 to index
      %swap3A_136 = arith.constant 48 : index
      %swap3A_137 = tpu.vector_load %arg9[%swap3A_135, %swap3A_136] {strides = array<i32>} : memref<32x128xf32, #tpu.memory_space<vmem>>, vector<1x16xf32>,
      %swap3A_138 = vector.shape_cast %swap3A_137 : vector<1x16xf32> to vector<16xf32>
      %swap3A_139 = vector.shape_cast %broadcast_in_dim3A_134 : vector<16xf32> to vector<1x16xf32>
      tpu.vector_store %arg9[%swap3A_135, %swap3A_136], %swap3A_139 {strides = array<i32>} : memref<32x128xf32, #tpu.memory_space<vmem>>, vector<1x16xf32>,
      %broadcast_in_dim3A_140 = arith.constant 0.000000e+00 : f32
      %broadcast_in_dim3A_141 = vector.broadcast %broadcast_in_dim3A_140 : f32 to vector<16xf32>
      %swap3A_142 = arith.index_cast %add3A_113 : i32 to index
      %swap3A_143 = arith.constant 64 : index
      %swap3A_144 = tpu.vector_load %arg9[%swap3A_142, %swap3A_143] {strides = array<i32>} : memref<32x128xf32, #tpu.memory_space<vmem>>, vector<1x16xf32>,
      %swap3A_145 = vector.shape_cast %swap3A_144 : vector<1x16xf32> to vector<16xf32>
      %swap3A_146 = vector.shape_cast %broadcast_in_dim3A_141 : vector<16xf32> to vector<1x16xf32>
      tpu.vector_store %arg9[%swap3A_142, %swap3A_143], %swap3A_146 {strides = array<i32>} : memref<32x128xf32, #tpu.memory_space<vmem>>, vector<1x16xf32>,
      %broadcast_in_dim3A_147 = arith.constant 0.000000e+00 : f32
      %broadcast_in_dim3A_148 = vector.broadcast %broadcast_in_dim3A_147 : f32 to vector<16xf32>
      %swap3A_149 = arith.index_cast %add3A_113 : i32 to index
      %swap3A_150 = arith.constant 80 : index
      %swap3A_151 = tpu.vector_load %arg9[%swap3A_149, %swap3A_150] {strides = array<i32>} : memref<32x128xf32, #tpu.memory_space<vmem>>, vector<1x16xf32>,
      %swap3A_152 = vector.shape_cast %swap3A_151 : vector<1x16xf32> to vector<16xf32>
      %swap3A_153 = vector.shape_cast %broadcast_in_dim3A_148 : vector<16xf32> to vector<1x16xf32>
      tpu.vector_store %arg9[%swap3A_149, %swap3A_150], %swap3A_153 {strides = array<i32>} : memref<32x128xf32, #tpu.memory_space<vmem>>, vector<1x16xf32>,
      %broadcast_in_dim3A_154 = arith.constant 0.000000e+00 : f32
      %broadcast_in_dim3A_155 = vector.broadcast %broadcast_in_dim3A_154 : f32 to vector<16xf32>
      %swap3A_156 = arith.index_cast %add3A_113 : i32 to index
      %swap3A_157 = arith.constant 96 : index
      %swap3A_158 = tpu.vector_load %arg9[%swap3A_156, %swap3A_157] {strides = array<i32>} : memref<32x128xf32, #tpu.memory_space<vmem>>, vector<1x16xf32>,
      %swap3A_159 = vector.shape_cast %swap3A_158 : vector<1x16xf32> to vector<16xf32>
      %swap3A_160 = vector.shape_cast %broadcast_in_dim3A_155 : vector<16xf32> to vector<1x16xf32>
      tpu.vector_store %arg9[%swap3A_156, %swap3A_157], %swap3A_160 {strides = array<i32>} : memref<32x128xf32, #tpu.memory_space<vmem>>, vector<1x16xf32>,
      %broadcast_in_dim3A_161 = arith.constant 0.000000e+00 : f32
      %broadcast_in_dim3A_162 = vector.broadcast %broadcast_in_dim3A_161 : f32 to vector<16xf32>
      %swap3A_163 = arith.index_cast %add3A_113 : i32 to index
      %swap3A_164 = arith.constant 112 : index
      %swap3A_165 = tpu.vector_load %arg9[%swap3A_163, %swap3A_164] {strides = array<i32>} : memref<32x128xf32, #tpu.memory_space<vmem>>, vector<1x16xf32>,
      %swap3A_166 = vector.shape_cast %swap3A_165 : vector<1x16xf32> to vector<16xf32>
      %swap3A_167 = vector.shape_cast %broadcast_in_dim3A_162 : vector<16xf32> to vector<1x16xf32>
      tpu.vector_store %arg9[%swap3A_163, %swap3A_164], %swap3A_167 {strides = array<i32>} : memref<32x128xf32, #tpu.memory_space<vmem>>, vector<1x16xf32>,
    }
    %scan3A_4 = arith.constant 32 : i32
    %mul3A_5 = arith.constant 632 : i32
    %mul3A_6 = arith.muli %arg1, %mul3A_5 : i32
    %scan3A_7 = arith.constant 0 : i32
    %scan3A_8 = arith.constant 19 : i32
    %scan3A_9 = arith.addi %scan3A_7, %scan3A_8 : i32
    %scan3A_10 = arith.constant 1 : i32
    scf.for %scan3A_109 = %scan3A_7 to %scan3A_9 step %scan3A_10  : i32 {
      %mul3A_110 = arith.constant 1 : i32
      %mul3A_111 = arith.muli %scan3A_109, %mul3A_110 : i32
      %add3A_112 = arith.constant 0 : i32
      %add3A_113 = arith.addi %add3A_112, %mul3A_111 : i32
      %mul3A_114 = arith.constant 32 : i32
      %mul3A_115 = arith.muli %add3A_113, %mul3A_114 : i32
      %add3A_116 = arith.addi %mul3A_6, %mul3A_115 : i32
      "tpu.region"() ({
        %run_scoped3A = tpu.sem_alloc : memref<!tpu.dma_semaphore, #tpu.memory_space<semaphore_mem>>
        %dma_start3A_117 = arith.constant 0 : i32
        %dma_start3A_118 = tpu.memref_slice %arg10[%add3A_116, %dma_start3A_117] : memref<10112x128xf32, #tpu.memory_space<vmem_shared>> -> memref<32x128xf32, #tpu.memory_space<vmem_shared>>
        %dma_start3A_119 = arith.constant 0 : i32
        %dma_start3A_120 = tpu.memref_slice %arg10[%add3A_116, %dma_start3A_119] : memref<10112x128xf32, #tpu.memory_space<vmem_shared>> -> memref<32x128xf32, #tpu.memory_space<vmem_shared>>
        tpu.enqueue_dma source(%arg9 : memref<32x128xf32, #tpu.memory_space<vmem>>) target(%dma_start3A_120 : memref<32x128xf32, #tpu.memory_space<vmem_shared>>) target_semaphore(%run_scoped3A : memref<!tpu.dma_semaphore, #tpu.memory_space<semaphore_mem>>)
        %dma_wait3A = arith.constant 0 : i32
        %dma_wait3A_121 = tpu.memref_slice %arg10[%add3A_116, %dma_wait3A] : memref<10112x128xf32, #tpu.memory_space<vmem_shared>> -> memref<32x128xf32, #tpu.memory_space<vmem_shared>>
        %dma_wait3A_122 = arith.constant 0 : i32
        %dma_wait3A_123 = tpu.memref_slice %arg10[%add3A_116, %dma_wait3A_122] : memref<10112x128xf32, #tpu.memory_space<vmem_shared>> -> memref<32x128xf32, #tpu.memory_space<vmem_shared>>
        tpu.wait_dma2 semaphore(%run_scoped3A : memref<!tpu.dma_semaphore, #tpu.memory_space<semaphore_mem>>) src(%arg9 : memref<32x128xf32, #tpu.memory_space<vmem>>) dst(%dma_wait3A_123 : memref<32x128xf32, #tpu.memory_space<vmem_shared>>)
        tpu.yield
      }) : () -> ()
    }
    %scan3A_11 = arith.constant 19 : i32
    %add3A_12 = arith.constant 608 : i32
    %add3A_13 = arith.addi %mul3A_6, %add3A_12 : i32
    "tpu.region"() ({
      %run_scoped3A = tpu.sem_alloc : memref<!tpu.dma_semaphore, #tpu.memory_space<semaphore_mem>>
      %dma_start3A_109 = arith.constant 0 : i32
      %dma_start3A_110 = arith.constant 0 : i32
      %dma_start3A_111 = tpu.memref_slice %arg9[%dma_start3A_109, %dma_start3A_110] : memref<32x128xf32, #tpu.memory_space<vmem>> -> memref<24x128xf32, #tpu.memory_space<vmem>>
      %dma_start3A_112 = arith.constant 0 : i32
      %dma_start3A_113 = tpu.memref_slice %arg10[%add3A_13, %dma_start3A_112] : memref<10112x128xf32, #tpu.memory_space<vmem_shared>> -> memref<24x128xf32, #tpu.memory_space<vmem_shared>>
      %dma_start3A_114 = arith.constant 0 : i32
      %dma_start3A_115 = tpu.memref_slice %arg10[%add3A_13, %dma_start3A_114] : memref<10112x128xf32, #tpu.memory_space<vmem_shared>> -> memref<24x128xf32, #tpu.memory_space<vmem_shared>>
      %dma_start3A_116 = arith.constant 0 : i32
      %dma_start3A_117 = arith.constant 0 : i32
      %dma_start3A_118 = tpu.memref_slice %arg9[%dma_start3A_116, %dma_start3A_117] : memref<32x128xf32, #tpu.memory_space<vmem>> -> memref<24x128xf32, #tpu.memory_space<vmem>>
      tpu.enqueue_dma source(%dma_start3A_118 : memref<24x128xf32, #tpu.memory_space<vmem>>) target(%dma_start3A_115 : memref<24x128xf32, #tpu.memory_space<vmem_shared>>) target_semaphore(%run_scoped3A : memref<!tpu.dma_semaphore, #tpu.memory_space<semaphore_mem>>)
      %dma_wait3A = arith.constant 0 : i32
      %dma_wait3A_119 = arith.constant 0 : i32
      %dma_wait3A_120 = tpu.memref_slice %arg9[%dma_wait3A, %dma_wait3A_119] : memref<32x128xf32, #tpu.memory_space<vmem>> -> memref<24x128xf32, #tpu.memory_space<vmem>>
      %dma_wait3A_121 = arith.constant 0 : i32
      %dma_wait3A_122 = tpu.memref_slice %arg10[%add3A_13, %dma_wait3A_121] : memref<10112x128xf32, #tpu.memory_space<vmem_shared>> -> memref<24x128xf32, #tpu.memory_space<vmem_shared>>
      %dma_wait3A_123 = arith.constant 0 : i32
      %dma_wait3A_124 = tpu.memref_slice %arg10[%add3A_13, %dma_wait3A_123] : memref<10112x128xf32, #tpu.memory_space<vmem_shared>> -> memref<24x128xf32, #tpu.memory_space<vmem_shared>>
      %dma_wait3A_125 = arith.constant 0 : i32
      %dma_wait3A_126 = arith.constant 0 : i32
      %dma_wait3A_127 = tpu.memref_slice %arg9[%dma_wait3A_125, %dma_wait3A_126] : memref<32x128xf32, #tpu.memory_space<vmem>> -> memref<24x128xf32, #tpu.memory_space<vmem>>
      tpu.wait_dma2 semaphore(%run_scoped3A : memref<!tpu.dma_semaphore, #tpu.memory_space<semaphore_mem>>) src(%dma_wait3A_127 : memref<24x128xf32, #tpu.memory_space<vmem>>) dst(%dma_wait3A_124 : memref<24x128xf32, #tpu.memory_space<vmem_shared>>)
      tpu.yield
    }) : () -> ()
    %barrier3A = arith.constant 0 : index
    tpu.barrier barrier_id(%barrier3A)
    %dma_start3A = arith.constant 0 : i32
    %dma_start3A_14 = arith.constant 0 : i32
    %dma_start3A_15 = arith.constant 0 : i32
    %dma_start3A_16 = arith.constant 0 : i32
    %dma_start3A_17 = arith.constant 0 : i32
    %dma_start3A_18 = tpu.memref_slice %arg8[%dma_start3A_14, %dma_start3A_16, %dma_start3A_17] : memref<6x32x128xf32, #tpu.memory_space<vmem>> -> memref<1x32x128xf32, #tpu.memory_space<vmem>>
    %dma_start3A_19 = tpu.memref_squeeze %dma_start3A_18 : memref<1x32x128xf32, #tpu.memory_space<vmem>> -> memref<32x128xf32, #tpu.memory_space<vmem>>
    %dma_start3A_20 = arith.constant 0 : i32
    %dma_start3A_21 = tpu.memref_slice %arg6[%dma_start3A, %dma_start3A_20] : memref<324x32xi32, #tpu.memory_space<vmem>> -> memref<1x32xi32, #tpu.memory_space<vmem>>
    %dma_start3A_22 = tpu.memref_squeeze %dma_start3A_21 : memref<1x32xi32, #tpu.memory_space<vmem>> -> memref<32xi32, #tpu.memory_space<vmem>>
    %dma_start3A_23 = arith.constant 0 : i32
    %dma_start3A_24 = arith.constant 0 : i32
    %dma_start3A_25 = tpu.memref_slice %arg2[%dma_start3A_23, %dma_start3A_24] : memref<10112x128xf32, #tpu.memory_space<hbm>> -> memref<10112x128xf32, #tpu.memory_space<hbm>>
    %dma_start3A_26 = tpu.memref_slice %arg11[%dma_start3A_15] : memref<6x!tpu.dma_semaphore, #tpu.memory_space<semaphore_mem>> -> memref<1x!tpu.dma_semaphore, #tpu.memory_space<semaphore_mem>>
    %dma_start3A_27 = tpu.memref_squeeze %dma_start3A_26 : memref<1x!tpu.dma_semaphore, #tpu.memory_space<semaphore_mem>> -> memref<!tpu.dma_semaphore, #tpu.memory_space<semaphore_mem>>
    tpu.enqueue_indirect_dma source(%dma_start3A_25 : memref<10112x128xf32, #tpu.memory_space<hbm>>) target(%dma_start3A_19 : memref<32x128xf32, #tpu.memory_space<vmem>>) offsets(%dma_start3A_22 : memref<32xi32, #tpu.memory_space<vmem>>) semaphore(%dma_start3A_27 : memref<!tpu.dma_semaphore, #tpu.memory_space<semaphore_mem>>)
    %dma_start3A_28 = arith.constant 1 : i32
    %dma_start3A_29 = arith.constant 1 : i32
    %dma_start3A_30 = arith.constant 1 : i32
    %dma_start3A_31 = arith.constant 0 : i32
    %dma_start3A_32 = arith.constant 0 : i32
    %dma_start3A_33 = tpu.memref_slice %arg8[%dma_start3A_29, %dma_start3A_31, %dma_start3A_32] : memref<6x32x128xf32, #tpu.memory_space<vmem>> -> memref<1x32x128xf32, #tpu.memory_space<vmem>>
    %dma_start3A_34 = tpu.memref_squeeze %dma_start3A_33 : memref<1x32x128xf32, #tpu.memory_space<vmem>> -> memref<32x128xf32, #tpu.memory_space<vmem>>
    %dma_start3A_35 = arith.constant 0 : i32
    %dma_start3A_36 = tpu.memref_slice %arg6[%dma_start3A_28, %dma_start3A_35] : memref<324x32xi32, #tpu.memory_space<vmem>> -> memref<1x32xi32, #tpu.memory_space<vmem>>
    %dma_start3A_37 = tpu.memref_squeeze %dma_start3A_36 : memref<1x32xi32, #tpu.memory_space<vmem>> -> memref<32xi32, #tpu.memory_space<vmem>>
    %dma_start3A_38 = arith.constant 0 : i32
    %dma_start3A_39 = arith.constant 0 : i32
    %dma_start3A_40 = tpu.memref_slice %arg2[%dma_start3A_38, %dma_start3A_39] : memref<10112x128xf32, #tpu.memory_space<hbm>> -> memref<10112x128xf32, #tpu.memory_space<hbm>>
    %dma_start3A_41 = tpu.memref_slice %arg11[%dma_start3A_30] : memref<6x!tpu.dma_semaphore, #tpu.memory_space<semaphore_mem>> -> memref<1x!tpu.dma_semaphore, #tpu.memory_space<semaphore_mem>>
    %dma_start3A_42 = tpu.memref_squeeze %dma_start3A_41 : memref<1x!tpu.dma_semaphore, #tpu.memory_space<semaphore_mem>> -> memref<!tpu.dma_semaphore, #tpu.memory_space<semaphore_mem>>
    tpu.enqueue_indirect_dma source(%dma_start3A_40 : memref<10112x128xf32, #tpu.memory_space<hbm>>) target(%dma_start3A_34 : memref<32x128xf32, #tpu.memory_space<vmem>>) offsets(%dma_start3A_37 : memref<32xi32, #tpu.memory_space<vmem>>) semaphore(%dma_start3A_42 : memref<!tpu.dma_semaphore, #tpu.memory_space<semaphore_mem>>)
    %dma_start3A_43 = arith.constant 2 : i32
    %dma_start3A_44 = arith.constant 2 : i32
    %dma_start3A_45 = arith.constant 2 : i32
    %dma_start3A_46 = arith.constant 0 : i32
    %dma_start3A_47 = arith.constant 0 : i32
    %dma_start3A_48 = tpu.memref_slice %arg8[%dma_start3A_44, %dma_start3A_46, %dma_start3A_47] : memref<6x32x128xf32, #tpu.memory_space<vmem>> -> memref<1x32x128xf32, #tpu.memory_space<vmem>>
    %dma_start3A_49 = tpu.memref_squeeze %dma_start3A_48 : memref<1x32x128xf32, #tpu.memory_space<vmem>> -> memref<32x128xf32, #tpu.memory_space<vmem>>
    %dma_start3A_50 = arith.constant 0 : i32
    %dma_start3A_51 = tpu.memref_slice %arg6[%dma_start3A_43, %dma_start3A_50] : memref<324x32xi32, #tpu.memory_space<vmem>> -> memref<1x32xi32, #tpu.memory_space<vmem>>
    %dma_start3A_52 = tpu.memref_squeeze %dma_start3A_51 : memref<1x32xi32, #tpu.memory_space<vmem>> -> memref<32xi32, #tpu.memory_space<vmem>>
    %dma_start3A_53 = arith.constant 0 : i32
    %dma_start3A_54 = arith.constant 0 : i32
    %dma_start3A_55 = tpu.memref_slice %arg2[%dma_start3A_53, %dma_start3A_54] : memref<10112x128xf32, #tpu.memory_space<hbm>> -> memref<10112x128xf32, #tpu.memory_space<hbm>>
    %dma_start3A_56 = tpu.memref_slice %arg11[%dma_start3A_45] : memref<6x!tpu.dma_semaphore, #tpu.memory_space<semaphore_mem>> -> memref<1x!tpu.dma_semaphore, #tpu.memory_space<semaphore_mem>>
    %dma_start3A_57 = tpu.memref_squeeze %dma_start3A_56 : memref<1x!tpu.dma_semaphore, #tpu.memory_space<semaphore_mem>> -> memref<!tpu.dma_semaphore, #tpu.memory_space<semaphore_mem>>
    tpu.enqueue_indirect_dma source(%dma_start3A_55 : memref<10112x128xf32, #tpu.memory_space<hbm>>) target(%dma_start3A_49 : memref<32x128xf32, #tpu.memory_space<vmem>>) offsets(%dma_start3A_52 : memref<32xi32, #tpu.memory_space<vmem>>) semaphore(%dma_start3A_57 : memref<!tpu.dma_semaphore, #tpu.memory_space<semaphore_mem>>)
    %dma_start3A_58 = arith.constant 3 : i32
    %dma_start3A_59 = arith.constant 3 : i32
    %dma_start3A_60 = arith.constant 3 : i32
    %dma_start3A_61 = arith.constant 0 : i32
    %dma_start3A_62 = arith.constant 0 : i32
    %dma_start3A_63 = tpu.memref_slice %arg8[%dma_start3A_59, %dma_start3A_61, %dma_start3A_62] : memref<6x32x128xf32, #tpu.memory_space<vmem>> -> memref<1x32x128xf32, #tpu.memory_space<vmem>>
    %dma_start3A_64 = tpu.memref_squeeze %dma_start3A_63 : memref<1x32x128xf32, #tpu.memory_space<vmem>> -> memref<32x128xf32, #tpu.memory_space<vmem>>
    %dma_start3A_65 = arith.constant 0 : i32
    %dma_start3A_66 = tpu.memref_slice %arg6[%dma_start3A_58, %dma_start3A_65] : memref<324x32xi32, #tpu.memory_space<vmem>> -> memref<1x32xi32, #tpu.memory_space<vmem>>
    %dma_start3A_67 = tpu.memref_squeeze %dma_start3A_66 : memref<1x32xi32, #tpu.memory_space<vmem>> -> memref<32xi32, #tpu.memory_space<vmem>>
    %dma_start3A_68 = arith.constant 0 : i32
    %dma_start3A_69 = arith.constant 0 : i32
    %dma_start3A_70 = tpu.memref_slice %arg2[%dma_start3A_68, %dma_start3A_69] : memref<10112x128xf32, #tpu.memory_space<hbm>> -> memref<10112x128xf32, #tpu.memory_space<hbm>>
    %dma_start3A_71 = tpu.memref_slice %arg11[%dma_start3A_60] : memref<6x!tpu.dma_semaphore, #tpu.memory_space<semaphore_mem>> -> memref<1x!tpu.dma_semaphore, #tpu.memory_space<semaphore_mem>>
    %dma_start3A_72 = tpu.memref_squeeze %dma_start3A_71 : memref<1x!tpu.dma_semaphore, #tpu.memory_space<semaphore_mem>> -> memref<!tpu.dma_semaphore, #tpu.memory_space<semaphore_mem>>
    tpu.enqueue_indirect_dma source(%dma_start3A_70 : memref<10112x128xf32, #tpu.memory_space<hbm>>) target(%dma_start3A_64 : memref<32x128xf32, #tpu.memory_space<vmem>>) offsets(%dma_start3A_67 : memref<32xi32, #tpu.memory_space<vmem>>) semaphore(%dma_start3A_72 : memref<!tpu.dma_semaphore, #tpu.memory_space<semaphore_mem>>)
    %dma_start3A_73 = arith.constant 4 : i32
    %dma_start3A_74 = arith.constant 4 : i32
    %dma_start3A_75 = arith.constant 4 : i32
    %dma_start3A_76 = arith.constant 0 : i32
    %dma_start3A_77 = arith.constant 0 : i32
    %dma_start3A_78 = tpu.memref_slice %arg8[%dma_start3A_74, %dma_start3A_76, %dma_start3A_77] : memref<6x32x128xf32, #tpu.memory_space<vmem>> -> memref<1x32x128xf32, #tpu.memory_space<vmem>>
    %dma_start3A_79 = tpu.memref_squeeze %dma_start3A_78 : memref<1x32x128xf32, #tpu.memory_space<vmem>> -> memref<32x128xf32, #tpu.memory_space<vmem>>
    %dma_start3A_80 = arith.constant 0 : i32
    %dma_start3A_81 = tpu.memref_slice %arg6[%dma_start3A_73, %dma_start3A_80] : memref<324x32xi32, #tpu.memory_space<vmem>> -> memref<1x32xi32, #tpu.memory_space<vmem>>
    %dma_start3A_82 = tpu.memref_squeeze %dma_start3A_81 : memref<1x32xi32, #tpu.memory_space<vmem>> -> memref<32xi32, #tpu.memory_space<vmem>>
    %dma_start3A_83 = arith.constant 0 : i32
    %dma_start3A_84 = arith.constant 0 : i32
    %dma_start3A_85 = tpu.memref_slice %arg2[%dma_start3A_83, %dma_start3A_84] : memref<10112x128xf32, #tpu.memory_space<hbm>> -> memref<10112x128xf32, #tpu.memory_space<hbm>>
    %dma_start3A_86 = tpu.memref_slice %arg11[%dma_start3A_75] : memref<6x!tpu.dma_semaphore, #tpu.memory_space<semaphore_mem>> -> memref<1x!tpu.dma_semaphore, #tpu.memory_space<semaphore_mem>>
    %dma_start3A_87 = tpu.memref_squeeze %dma_start3A_86 : memref<1x!tpu.dma_semaphore, #tpu.memory_space<semaphore_mem>> -> memref<!tpu.dma_semaphore, #tpu.memory_space<semaphore_mem>>
    tpu.enqueue_indirect_dma source(%dma_start3A_85 : memref<10112x128xf32, #tpu.memory_space<hbm>>) target(%dma_start3A_79 : memref<32x128xf32, #tpu.memory_space<vmem>>) offsets(%dma_start3A_82 : memref<32xi32, #tpu.memory_space<vmem>>) semaphore(%dma_start3A_87 : memref<!tpu.dma_semaphore, #tpu.memory_space<semaphore_mem>>)
    %dma_start3A_88 = arith.constant 5 : i32
    %dma_start3A_89 = arith.constant 5 : i32
    %dma_start3A_90 = arith.constant 5 : i32
    %dma_start3A_91 = arith.constant 0 : i32
    %dma_start3A_92 = arith.constant 0 : i32
    %dma_start3A_93 = tpu.memref_slice %arg8[%dma_start3A_89, %dma_start3A_91, %dma_start3A_92] : memref<6x32x128xf32, #tpu.memory_space<vmem>> -> memref<1x32x128xf32, #tpu.memory_space<vmem>>
    %dma_start3A_94 = tpu.memref_squeeze %dma_start3A_93 : memref<1x32x128xf32, #tpu.memory_space<vmem>> -> memref<32x128xf32, #tpu.memory_space<vmem>>
    %dma_start3A_95 = arith.constant 0 : i32
    %dma_start3A_96 = tpu.memref_slice %arg6[%dma_start3A_88, %dma_start3A_95] : memref<324x32xi32, #tpu.memory_space<vmem>> -> memref<1x32xi32, #tpu.memory_space<vmem>>
    %dma_start3A_97 = tpu.memref_squeeze %dma_start3A_96 : memref<1x32xi32, #tpu.memory_space<vmem>> -> memref<32xi32, #tpu.memory_space<vmem>>
    %dma_start3A_98 = arith.constant 0 : i32
    %dma_start3A_99 = arith.constant 0 : i32
    %dma_start3A_100 = tpu.memref_slice %arg2[%dma_start3A_98, %dma_start3A_99] : memref<10112x128xf32, #tpu.memory_space<hbm>> -> memref<10112x128xf32, #tpu.memory_space<hbm>>
    %dma_start3A_101 = tpu.memref_slice %arg11[%dma_start3A_90] : memref<6x!tpu.dma_semaphore, #tpu.memory_space<semaphore_mem>> -> memref<1x!tpu.dma_semaphore, #tpu.memory_space<semaphore_mem>>
    %dma_start3A_102 = tpu.memref_squeeze %dma_start3A_101 : memref<1x!tpu.dma_semaphore, #tpu.memory_space<semaphore_mem>> -> memref<!tpu.dma_semaphore, #tpu.memory_space<semaphore_mem>>
    tpu.enqueue_indirect_dma source(%dma_start3A_100 : memref<10112x128xf32, #tpu.memory_space<hbm>>) target(%dma_start3A_94 : memref<32x128xf32, #tpu.memory_space<vmem>>) offsets(%dma_start3A_97 : memref<32xi32, #tpu.memory_space<vmem>>) semaphore(%dma_start3A_102 : memref<!tpu.dma_semaphore, #tpu.memory_space<semaphore_mem>>)
    %scan3A_103 = arith.constant 0 : i32
    %scan3A_104 = arith.constant 54 : i32
    %scan3A_105 = arith.addi %scan3A_103, %scan3A_104 : i32
    %scan3A_106 = arith.constant 1 : i32
    scf.for %scan3A_109 = %scan3A_103 to %scan3A_105 step %scan3A_106  : i32 {
      %mul3A_110 = arith.constant 1 : i32
      %mul3A_111 = arith.muli %scan3A_109, %mul3A_110 : i32
      %add3A_112 = arith.constant 0 : i32
      %add3A_113 = arith.addi %add3A_112, %mul3A_111 : i32
      %mul3A_114 = arith.constant 6 : i32
      %mul3A_115 = arith.muli %add3A_113, %mul3A_114 : i32
      %add3A_116 = arith.constant 0 : i32
      %add3A_117 = arith.addi %mul3A_115, %add3A_116 : i32
      %dma_wait3A = arith.constant 0 : i32
      %dma_wait3A_118 = arith.constant 0 : i32
      %dma_wait3A_119 = arith.constant 0 : i32
      %dma_wait3A_120 = arith.constant 0 : i32
      %dma_wait3A_121 = tpu.memref_slice %arg8[%dma_wait3A, %dma_wait3A_119, %dma_wait3A_120] : memref<6x32x128xf32, #tpu.memory_space<vmem>> -> memref<1x32x128xf32, #tpu.memory_space<vmem>>
      %dma_wait3A_122 = tpu.memref_squeeze %dma_wait3A_121 : memref<1x32x128xf32, #tpu.memory_space<vmem>> -> memref<32x128xf32, #tpu.memory_space<vmem>>
      %dma_wait3A_123 = arith.constant 0 : i32
      %dma_wait3A_124 = tpu.memref_slice %arg6[%add3A_117, %dma_wait3A_123] : memref<324x32xi32, #tpu.memory_space<vmem>> -> memref<1x32xi32, #tpu.memory_space<vmem>>
      %dma_wait3A_125 = tpu.memref_squeeze %dma_wait3A_124 : memref<1x32xi32, #tpu.memory_space<vmem>> -> memref<32xi32, #tpu.memory_space<vmem>>
      %dma_wait3A_126 = arith.constant 0 : i32
      %dma_wait3A_127 = arith.constant 0 : i32
      %dma_wait3A_128 = tpu.memref_slice %arg2[%dma_wait3A_126, %dma_wait3A_127] : memref<10112x128xf32, #tpu.memory_space<hbm>> -> memref<10112x128xf32, #tpu.memory_space<hbm>>
      %dma_wait3A_129 = tpu.memref_slice %arg11[%dma_wait3A_118] : memref<6x!tpu.dma_semaphore, #tpu.memory_space<semaphore_mem>> -> memref<1x!tpu.dma_semaphore, #tpu.memory_space<semaphore_mem>>
      %dma_wait3A_130 = tpu.memref_squeeze %dma_wait3A_129 : memref<1x!tpu.dma_semaphore, #tpu.memory_space<semaphore_mem>> -> memref<!tpu.dma_semaphore, #tpu.memory_space<semaphore_mem>>
      tpu.wait_indirect_dma semaphore(%dma_wait3A_130 : memref<!tpu.dma_semaphore, #tpu.memory_space<semaphore_mem>>) src(%dma_wait3A_128 : memref<10112x128xf32, #tpu.memory_space<hbm>>) dst(%dma_wait3A_122 : memref<32x128xf32, #tpu.memory_space<vmem>>)
      %add3A_131 = arith.constant 0 : i32
      %add3A_132 = arith.addi %mul3A_115, %add3A_131 : i32
      %dma_start3A_133 = arith.constant 0 : i32
      %dma_start3A_134 = arith.constant 0 : i32
      %dma_start3A_135 = arith.constant 0 : i32
      %dma_start3A_136 = arith.constant 0 : i32
      %dma_start3A_137 = tpu.memref_slice %arg8[%dma_start3A_133, %dma_start3A_135, %dma_start3A_136] : memref<6x32x128xf32, #tpu.memory_space<vmem>> -> memref<1x32x128xf32, #tpu.memory_space<vmem>>
      %dma_start3A_138 = tpu.memref_squeeze %dma_start3A_137 : memref<1x32x128xf32, #tpu.memory_space<vmem>> -> memref<32x128xf32, #tpu.memory_space<vmem>>
      %dma_start3A_139 = arith.constant 0 : i32
      %dma_start3A_140 = tpu.memref_slice %arg7[%add3A_132, %dma_start3A_139] : memref<324x32xi32, #tpu.memory_space<vmem>> -> memref<1x32xi32, #tpu.memory_space<vmem>>
      %dma_start3A_141 = tpu.memref_squeeze %dma_start3A_140 : memref<1x32xi32, #tpu.memory_space<vmem>> -> memref<32xi32, #tpu.memory_space<vmem>>
      %dma_start3A_142 = arith.constant 0 : i32
      %dma_start3A_143 = arith.constant 0 : i32
      %dma_start3A_144 = tpu.memref_slice %arg10[%dma_start3A_142, %dma_start3A_143] : memref<10112x128xf32, #tpu.memory_space<vmem_shared>> -> memref<10112x128xf32, #tpu.memory_space<vmem_shared>>
      %dma_start3A_145 = tpu.memref_slice %arg12[%dma_start3A_134] : memref<6x!tpu.dma_semaphore, #tpu.memory_space<semaphore_mem>> -> memref<1x!tpu.dma_semaphore, #tpu.memory_space<semaphore_mem>>
      %dma_start3A_146 = tpu.memref_squeeze %dma_start3A_145 : memref<1x!tpu.dma_semaphore, #tpu.memory_space<semaphore_mem>> -> memref<!tpu.dma_semaphore, #tpu.memory_space<semaphore_mem>>
      tpu.enqueue_indirect_dma source(%dma_start3A_138 : memref<32x128xf32, #tpu.memory_space<vmem>>) target(%dma_start3A_144 : memref<10112x128xf32, #tpu.memory_space<vmem_shared>>) offsets(%dma_start3A_141 : memref<32xi32, #tpu.memory_space<vmem>>) semaphore(%dma_start3A_146 : memref<!tpu.dma_semaphore, #tpu.memory_space<semaphore_mem>>) {add = true}
      %add3A_147 = arith.constant 1 : i32
      %add3A_148 = arith.addi %mul3A_115, %add3A_147 : i32
      %dma_wait3A_149 = arith.constant 1 : i32
      %dma_wait3A_150 = arith.constant 1 : i32
      %dma_wait3A_151 = arith.constant 0 : i32
      %dma_wait3A_152 = arith.constant 0 : i32
      %dma_wait3A_153 = tpu.memref_slice %arg8[%dma_wait3A_149, %dma_wait3A_151, %dma_wait3A_152] : memref<6x32x128xf32, #tpu.memory_space<vmem>> -> memref<1x32x128xf32, #tpu.memory_space<vmem>>
      %dma_wait3A_154 = tpu.memref_squeeze %dma_wait3A_153 : memref<1x32x128xf32, #tpu.memory_space<vmem>> -> memref<32x128xf32, #tpu.memory_space<vmem>>
      %dma_wait3A_155 = arith.constant 0 : i32
      %dma_wait3A_156 = tpu.memref_slice %arg6[%add3A_148, %dma_wait3A_155] : memref<324x32xi32, #tpu.memory_space<vmem>> -> memref<1x32xi32, #tpu.memory_space<vmem>>
      %dma_wait3A_157 = tpu.memref_squeeze %dma_wait3A_156 : memref<1x32xi32, #tpu.memory_space<vmem>> -> memref<32xi32, #tpu.memory_space<vmem>>
      %dma_wait3A_158 = arith.constant 0 : i32
      %dma_wait3A_159 = arith.constant 0 : i32
      %dma_wait3A_160 = tpu.memref_slice %arg2[%dma_wait3A_158, %dma_wait3A_159] : memref<10112x128xf32, #tpu.memory_space<hbm>> -> memref<10112x128xf32, #tpu.memory_space<hbm>>
      %dma_wait3A_161 = tpu.memref_slice %arg11[%dma_wait3A_150] : memref<6x!tpu.dma_semaphore, #tpu.memory_space<semaphore_mem>> -> memref<1x!tpu.dma_semaphore, #tpu.memory_space<semaphore_mem>>
      %dma_wait3A_162 = tpu.memref_squeeze %dma_wait3A_161 : memref<1x!tpu.dma_semaphore, #tpu.memory_space<semaphore_mem>> -> memref<!tpu.dma_semaphore, #tpu.memory_space<semaphore_mem>>
      tpu.wait_indirect_dma semaphore(%dma_wait3A_162 : memref<!tpu.dma_semaphore, #tpu.memory_space<semaphore_mem>>) src(%dma_wait3A_160 : memref<10112x128xf32, #tpu.memory_space<hbm>>) dst(%dma_wait3A_154 : memref<32x128xf32, #tpu.memory_space<vmem>>)
      %add3A_163 = arith.constant 1 : i32
      %add3A_164 = arith.addi %mul3A_115, %add3A_163 : i32
      %dma_start3A_165 = arith.constant 1 : i32
      %dma_start3A_166 = arith.constant 1 : i32
      %dma_start3A_167 = arith.constant 0 : i32
      %dma_start3A_168 = arith.constant 0 : i32
      %dma_start3A_169 = tpu.memref_slice %arg8[%dma_start3A_165, %dma_start3A_167, %dma_start3A_168] : memref<6x32x128xf32, #tpu.memory_space<vmem>> -> memref<1x32x128xf32, #tpu.memory_space<vmem>>
      %dma_start3A_170 = tpu.memref_squeeze %dma_start3A_169 : memref<1x32x128xf32, #tpu.memory_space<vmem>> -> memref<32x128xf32, #tpu.memory_space<vmem>>
      %dma_start3A_171 = arith.constant 0 : i32
      %dma_start3A_172 = tpu.memref_slice %arg7[%add3A_164, %dma_start3A_171] : memref<324x32xi32, #tpu.memory_space<vmem>> -> memref<1x32xi32, #tpu.memory_space<vmem>>
      %dma_start3A_173 = tpu.memref_squeeze %dma_start3A_172 : memref<1x32xi32, #tpu.memory_space<vmem>> -> memref<32xi32, #tpu.memory_space<vmem>>
      %dma_start3A_174 = arith.constant 0 : i32
      %dma_start3A_175 = arith.constant 0 : i32
      %dma_start3A_176 = tpu.memref_slice %arg10[%dma_start3A_174, %dma_start3A_175] : memref<10112x128xf32, #tpu.memory_space<vmem_shared>> -> memref<10112x128xf32, #tpu.memory_space<vmem_shared>>
      %dma_start3A_177 = tpu.memref_slice %arg12[%dma_start3A_166] : memref<6x!tpu.dma_semaphore, #tpu.memory_space<semaphore_mem>> -> memref<1x!tpu.dma_semaphore, #tpu.memory_space<semaphore_mem>>
      %dma_start3A_178 = tpu.memref_squeeze %dma_start3A_177 : memref<1x!tpu.dma_semaphore, #tpu.memory_space<semaphore_mem>> -> memref<!tpu.dma_semaphore, #tpu.memory_space<semaphore_mem>>
      tpu.enqueue_indirect_dma source(%dma_start3A_170 : memref<32x128xf32, #tpu.memory_space<vmem>>) target(%dma_start3A_176 : memref<10112x128xf32, #tpu.memory_space<vmem_shared>>) offsets(%dma_start3A_173 : memref<32xi32, #tpu.memory_space<vmem>>) semaphore(%dma_start3A_178 : memref<!tpu.dma_semaphore, #tpu.memory_space<semaphore_mem>>) {add = true}
      %add3A_179 = arith.constant 2 : i32
      %add3A_180 = arith.addi %mul3A_115, %add3A_179 : i32
      %dma_wait3A_181 = arith.constant 2 : i32
      %dma_wait3A_182 = arith.constant 2 : i32
      %dma_wait3A_183 = arith.constant 0 : i32
      %dma_wait3A_184 = arith.constant 0 : i32
      %dma_wait3A_185 = tpu.memref_slice %arg8[%dma_wait3A_181, %dma_wait3A_183, %dma_wait3A_184] : memref<6x32x128xf32, #tpu.memory_space<vmem>> -> memref<1x32x128xf32, #tpu.memory_space<vmem>>
      %dma_wait3A_186 = tpu.memref_squeeze %dma_wait3A_185 : memref<1x32x128xf32, #tpu.memory_space<vmem>> -> memref<32x128xf32, #tpu.memory_space<vmem>>
      %dma_wait3A_187 = arith.constant 0 : i32
      %dma_wait3A_188 = tpu.memref_slice %arg6[%add3A_180, %dma_wait3A_187] : memref<324x32xi32, #tpu.memory_space<vmem>> -> memref<1x32xi32, #tpu.memory_space<vmem>>
      %dma_wait3A_189 = tpu.memref_squeeze %dma_wait3A_188 : memref<1x32xi32, #tpu.memory_space<vmem>> -> memref<32xi32, #tpu.memory_space<vmem>>
      %dma_wait3A_190 = arith.constant 0 : i32
      %dma_wait3A_191 = arith.constant 0 : i32
      %dma_wait3A_192 = tpu.memref_slice %arg2[%dma_wait3A_190, %dma_wait3A_191] : memref<10112x128xf32, #tpu.memory_space<hbm>> -> memref<10112x128xf32, #tpu.memory_space<hbm>>
      %dma_wait3A_193 = tpu.memref_slice %arg11[%dma_wait3A_182] : memref<6x!tpu.dma_semaphore, #tpu.memory_space<semaphore_mem>> -> memref<1x!tpu.dma_semaphore, #tpu.memory_space<semaphore_mem>>
      %dma_wait3A_194 = tpu.memref_squeeze %dma_wait3A_193 : memref<1x!tpu.dma_semaphore, #tpu.memory_space<semaphore_mem>> -> memref<!tpu.dma_semaphore, #tpu.memory_space<semaphore_mem>>
      tpu.wait_indirect_dma semaphore(%dma_wait3A_194 : memref<!tpu.dma_semaphore, #tpu.memory_space<semaphore_mem>>) src(%dma_wait3A_192 : memref<10112x128xf32, #tpu.memory_space<hbm>>) dst(%dma_wait3A_186 : memref<32x128xf32, #tpu.memory_space<vmem>>)
      %add3A_195 = arith.constant 2 : i32
      %add3A_196 = arith.addi %mul3A_115, %add3A_195 : i32
      %dma_start3A_197 = arith.constant 2 : i32
      %dma_start3A_198 = arith.constant 2 : i32
      %dma_start3A_199 = arith.constant 0 : i32
      %dma_start3A_200 = arith.constant 0 : i32
      %dma_start3A_201 = tpu.memref_slice %arg8[%dma_start3A_197, %dma_start3A_199, %dma_start3A_200] : memref<6x32x128xf32, #tpu.memory_space<vmem>> -> memref<1x32x128xf32, #tpu.memory_space<vmem>>
      %dma_start3A_202 = tpu.memref_squeeze %dma_start3A_201 : memref<1x32x128xf32, #tpu.memory_space<vmem>> -> memref<32x128xf32, #tpu.memory_space<vmem>>
      %dma_start3A_203 = arith.constant 0 : i32
      %dma_start3A_204 = tpu.memref_slice %arg7[%add3A_196, %dma_start3A_203] : memref<324x32xi32, #tpu.memory_space<vmem>> -> memref<1x32xi32, #tpu.memory_space<vmem>>
      %dma_start3A_205 = tpu.memref_squeeze %dma_start3A_204 : memref<1x32xi32, #tpu.memory_space<vmem>> -> memref<32xi32, #tpu.memory_space<vmem>>
      %dma_start3A_206 = arith.constant 0 : i32
      %dma_start3A_207 = arith.constant 0 : i32
      %dma_start3A_208 = tpu.memref_slice %arg10[%dma_start3A_206, %dma_start3A_207] : memref<10112x128xf32, #tpu.memory_space<vmem_shared>> -> memref<10112x128xf32, #tpu.memory_space<vmem_shared>>
      %dma_start3A_209 = tpu.memref_slice %arg12[%dma_start3A_198] : memref<6x!tpu.dma_semaphore, #tpu.memory_space<semaphore_mem>> -> memref<1x!tpu.dma_semaphore, #tpu.memory_space<semaphore_mem>>
      %dma_start3A_210 = tpu.memref_squeeze %dma_start3A_209 : memref<1x!tpu.dma_semaphore, #tpu.memory_space<semaphore_mem>> -> memref<!tpu.dma_semaphore, #tpu.memory_space<semaphore_mem>>
      tpu.enqueue_indirect_dma source(%dma_start3A_202 : memref<32x128xf32, #tpu.memory_space<vmem>>) target(%dma_start3A_208 : memref<10112x128xf32, #tpu.memory_space<vmem_shared>>) offsets(%dma_start3A_205 : memref<32xi32, #tpu.memory_space<vmem>>) semaphore(%dma_start3A_210 : memref<!tpu.dma_semaphore, #tpu.memory_space<semaphore_mem>>) {add = true}
      %add3A_211 = arith.constant 3 : i32
      %add3A_212 = arith.addi %mul3A_115, %add3A_211 : i32
      %dma_wait3A_213 = arith.constant 3 : i32
      %dma_wait3A_214 = arith.constant 3 : i32
      %dma_wait3A_215 = arith.constant 0 : i32
      %dma_wait3A_216 = arith.constant 0 : i32
      %dma_wait3A_217 = tpu.memref_slice %arg8[%dma_wait3A_213, %dma_wait3A_215, %dma_wait3A_216] : memref<6x32x128xf32, #tpu.memory_space<vmem>> -> memref<1x32x128xf32, #tpu.memory_space<vmem>>
      %dma_wait3A_218 = tpu.memref_squeeze %dma_wait3A_217 : memref<1x32x128xf32, #tpu.memory_space<vmem>> -> memref<32x128xf32, #tpu.memory_space<vmem>>
      %dma_wait3A_219 = arith.constant 0 : i32
      %dma_wait3A_220 = tpu.memref_slice %arg6[%add3A_212, %dma_wait3A_219] : memref<324x32xi32, #tpu.memory_space<vmem>> -> memref<1x32xi32, #tpu.memory_space<vmem>>
      %dma_wait3A_221 = tpu.memref_squeeze %dma_wait3A_220 : memref<1x32xi32, #tpu.memory_space<vmem>> -> memref<32xi32, #tpu.memory_space<vmem>>
      %dma_wait3A_222 = arith.constant 0 : i32
      %dma_wait3A_223 = arith.constant 0 : i32
      %dma_wait3A_224 = tpu.memref_slice %arg2[%dma_wait3A_222, %dma_wait3A_223] : memref<10112x128xf32, #tpu.memory_space<hbm>> -> memref<10112x128xf32, #tpu.memory_space<hbm>>
      %dma_wait3A_225 = tpu.memref_slice %arg11[%dma_wait3A_214] : memref<6x!tpu.dma_semaphore, #tpu.memory_space<semaphore_mem>> -> memref<1x!tpu.dma_semaphore, #tpu.memory_space<semaphore_mem>>
      %dma_wait3A_226 = tpu.memref_squeeze %dma_wait3A_225 : memref<1x!tpu.dma_semaphore, #tpu.memory_space<semaphore_mem>> -> memref<!tpu.dma_semaphore, #tpu.memory_space<semaphore_mem>>
      tpu.wait_indirect_dma semaphore(%dma_wait3A_226 : memref<!tpu.dma_semaphore, #tpu.memory_space<semaphore_mem>>) src(%dma_wait3A_224 : memref<10112x128xf32, #tpu.memory_space<hbm>>) dst(%dma_wait3A_218 : memref<32x128xf32, #tpu.memory_space<vmem>>)
      %add3A_227 = arith.constant 3 : i32
      %add3A_228 = arith.addi %mul3A_115, %add3A_227 : i32
      %dma_start3A_229 = arith.constant 3 : i32
      %dma_start3A_230 = arith.constant 3 : i32
      %dma_start3A_231 = arith.constant 0 : i32
      %dma_start3A_232 = arith.constant 0 : i32
      %dma_start3A_233 = tpu.memref_slice %arg8[%dma_start3A_229, %dma_start3A_231, %dma_start3A_232] : memref<6x32x128xf32, #tpu.memory_space<vmem>> -> memref<1x32x128xf32, #tpu.memory_space<vmem>>
      %dma_start3A_234 = tpu.memref_squeeze %dma_start3A_233 : memref<1x32x128xf32, #tpu.memory_space<vmem>> -> memref<32x128xf32, #tpu.memory_space<vmem>>
      %dma_start3A_235 = arith.constant 0 : i32
      %dma_start3A_236 = tpu.memref_slice %arg7[%add3A_228, %dma_start3A_235] : memref<324x32xi32, #tpu.memory_space<vmem>> -> memref<1x32xi32, #tpu.memory_space<vmem>>
      %dma_start3A_237 = tpu.memref_squeeze %dma_start3A_236 : memref<1x32xi32, #tpu.memory_space<vmem>> -> memref<32xi32, #tpu.memory_space<vmem>>
      %dma_start3A_238 = arith.constant 0 : i32
      %dma_start3A_239 = arith.constant 0 : i32
      %dma_start3A_240 = tpu.memref_slice %arg10[%dma_start3A_238, %dma_start3A_239] : memref<10112x128xf32, #tpu.memory_space<vmem_shared>> -> memref<10112x128xf32, #tpu.memory_space<vmem_shared>>
      %dma_start3A_241 = tpu.memref_slice %arg12[%dma_start3A_230] : memref<6x!tpu.dma_semaphore, #tpu.memory_space<semaphore_mem>> -> memref<1x!tpu.dma_semaphore, #tpu.memory_space<semaphore_mem>>
      %dma_start3A_242 = tpu.memref_squeeze %dma_start3A_241 : memref<1x!tpu.dma_semaphore, #tpu.memory_space<semaphore_mem>> -> memref<!tpu.dma_semaphore, #tpu.memory_space<semaphore_mem>>
      tpu.enqueue_indirect_dma source(%dma_start3A_234 : memref<32x128xf32, #tpu.memory_space<vmem>>) target(%dma_start3A_240 : memref<10112x128xf32, #tpu.memory_space<vmem_shared>>) offsets(%dma_start3A_237 : memref<32xi32, #tpu.memory_space<vmem>>) semaphore(%dma_start3A_242 : memref<!tpu.dma_semaphore, #tpu.memory_space<semaphore_mem>>) {add = true}
      %add3A_243 = arith.constant 4 : i32
      %add3A_244 = arith.addi %mul3A_115, %add3A_243 : i32
      %dma_wait3A_245 = arith.constant 4 : i32
      %dma_wait3A_246 = arith.constant 4 : i32
      %dma_wait3A_247 = arith.constant 0 : i32
      %dma_wait3A_248 = arith.constant 0 : i32
      %dma_wait3A_249 = tpu.memref_slice %arg8[%dma_wait3A_245, %dma_wait3A_247, %dma_wait3A_248] : memref<6x32x128xf32, #tpu.memory_space<vmem>> -> memref<1x32x128xf32, #tpu.memory_space<vmem>>
      %dma_wait3A_250 = tpu.memref_squeeze %dma_wait3A_249 : memref<1x32x128xf32, #tpu.memory_space<vmem>> -> memref<32x128xf32, #tpu.memory_space<vmem>>
      %dma_wait3A_251 = arith.constant 0 : i32
      %dma_wait3A_252 = tpu.memref_slice %arg6[%add3A_244, %dma_wait3A_251] : memref<324x32xi32, #tpu.memory_space<vmem>> -> memref<1x32xi32, #tpu.memory_space<vmem>>
      %dma_wait3A_253 = tpu.memref_squeeze %dma_wait3A_252 : memref<1x32xi32, #tpu.memory_space<vmem>> -> memref<32xi32, #tpu.memory_space<vmem>>
      %dma_wait3A_254 = arith.constant 0 : i32
      %dma_wait3A_255 = arith.constant 0 : i32
      %dma_wait3A_256 = tpu.memref_slice %arg2[%dma_wait3A_254, %dma_wait3A_255] : memref<10112x128xf32, #tpu.memory_space<hbm>> -> memref<10112x128xf32, #tpu.memory_space<hbm>>
      %dma_wait3A_257 = tpu.memref_slice %arg11[%dma_wait3A_246] : memref<6x!tpu.dma_semaphore, #tpu.memory_space<semaphore_mem>> -> memref<1x!tpu.dma_semaphore, #tpu.memory_space<semaphore_mem>>
      %dma_wait3A_258 = tpu.memref_squeeze %dma_wait3A_257 : memref<1x!tpu.dma_semaphore, #tpu.memory_space<semaphore_mem>> -> memref<!tpu.dma_semaphore, #tpu.memory_space<semaphore_mem>>
      tpu.wait_indirect_dma semaphore(%dma_wait3A_258 : memref<!tpu.dma_semaphore, #tpu.memory_space<semaphore_mem>>) src(%dma_wait3A_256 : memref<10112x128xf32, #tpu.memory_space<hbm>>) dst(%dma_wait3A_250 : memref<32x128xf32, #tpu.memory_space<vmem>>)
      %add3A_259 = arith.constant 4 : i32
      %add3A_260 = arith.addi %mul3A_115, %add3A_259 : i32
      %dma_start3A_261 = arith.constant 4 : i32
      %dma_start3A_262 = arith.constant 4 : i32
      %dma_start3A_263 = arith.constant 0 : i32
      %dma_start3A_264 = arith.constant 0 : i32
      %dma_start3A_265 = tpu.memref_slice %arg8[%dma_start3A_261, %dma_start3A_263, %dma_start3A_264] : memref<6x32x128xf32, #tpu.memory_space<vmem>> -> memref<1x32x128xf32, #tpu.memory_space<vmem>>
      %dma_start3A_266 = tpu.memref_squeeze %dma_start3A_265 : memref<1x32x128xf32, #tpu.memory_space<vmem>> -> memref<32x128xf32, #tpu.memory_space<vmem>>
      %dma_start3A_267 = arith.constant 0 : i32
      %dma_start3A_268 = tpu.memref_slice %arg7[%add3A_260, %dma_start3A_267] : memref<324x32xi32, #tpu.memory_space<vmem>> -> memref<1x32xi32, #tpu.memory_space<vmem>>
      %dma_start3A_269 = tpu.memref_squeeze %dma_start3A_268 : memref<1x32xi32, #tpu.memory_space<vmem>> -> memref<32xi32, #tpu.memory_space<vmem>>
      %dma_start3A_270 = arith.constant 0 : i32
      %dma_start3A_271 = arith.constant 0 : i32
      %dma_start3A_272 = tpu.memref_slice %arg10[%dma_start3A_270, %dma_start3A_271] : memref<10112x128xf32, #tpu.memory_space<vmem_shared>> -> memref<10112x128xf32, #tpu.memory_space<vmem_shared>>
      %dma_start3A_273 = tpu.memref_slice %arg12[%dma_start3A_262] : memref<6x!tpu.dma_semaphore, #tpu.memory_space<semaphore_mem>> -> memref<1x!tpu.dma_semaphore, #tpu.memory_space<semaphore_mem>>
      %dma_start3A_274 = tpu.memref_squeeze %dma_start3A_273 : memref<1x!tpu.dma_semaphore, #tpu.memory_space<semaphore_mem>> -> memref<!tpu.dma_semaphore, #tpu.memory_space<semaphore_mem>>
      tpu.enqueue_indirect_dma source(%dma_start3A_266 : memref<32x128xf32, #tpu.memory_space<vmem>>) target(%dma_start3A_272 : memref<10112x128xf32, #tpu.memory_space<vmem_shared>>) offsets(%dma_start3A_269 : memref<32xi32, #tpu.memory_space<vmem>>) semaphore(%dma_start3A_274 : memref<!tpu.dma_semaphore, #tpu.memory_space<semaphore_mem>>) {add = true}
      %add3A_275 = arith.constant 5 : i32
      %add3A_276 = arith.addi %mul3A_115, %add3A_275 : i32
      %dma_wait3A_277 = arith.constant 5 : i32
      %dma_wait3A_278 = arith.constant 5 : i32
      %dma_wait3A_279 = arith.constant 0 : i32
      %dma_wait3A_280 = arith.constant 0 : i32
      %dma_wait3A_281 = tpu.memref_slice %arg8[%dma_wait3A_277, %dma_wait3A_279, %dma_wait3A_280] : memref<6x32x128xf32, #tpu.memory_space<vmem>> -> memref<1x32x128xf32, #tpu.memory_space<vmem>>
      %dma_wait3A_282 = tpu.memref_squeeze %dma_wait3A_281 : memref<1x32x128xf32, #tpu.memory_space<vmem>> -> memref<32x128xf32, #tpu.memory_space<vmem>>
      %dma_wait3A_283 = arith.constant 0 : i32
      %dma_wait3A_284 = tpu.memref_slice %arg6[%add3A_276, %dma_wait3A_283] : memref<324x32xi32, #tpu.memory_space<vmem>> -> memref<1x32xi32, #tpu.memory_space<vmem>>
      %dma_wait3A_285 = tpu.memref_squeeze %dma_wait3A_284 : memref<1x32xi32, #tpu.memory_space<vmem>> -> memref<32xi32, #tpu.memory_space<vmem>>
      %dma_wait3A_286 = arith.constant 0 : i32
      %dma_wait3A_287 = arith.constant 0 : i32
      %dma_wait3A_288 = tpu.memref_slice %arg2[%dma_wait3A_286, %dma_wait3A_287] : memref<10112x128xf32, #tpu.memory_space<hbm>> -> memref<10112x128xf32, #tpu.memory_space<hbm>>
      %dma_wait3A_289 = tpu.memref_slice %arg11[%dma_wait3A_278] : memref<6x!tpu.dma_semaphore, #tpu.memory_space<semaphore_mem>> -> memref<1x!tpu.dma_semaphore, #tpu.memory_space<semaphore_mem>>
      %dma_wait3A_290 = tpu.memref_squeeze %dma_wait3A_289 : memref<1x!tpu.dma_semaphore, #tpu.memory_space<semaphore_mem>> -> memref<!tpu.dma_semaphore, #tpu.memory_space<semaphore_mem>>
      tpu.wait_indirect_dma semaphore(%dma_wait3A_290 : memref<!tpu.dma_semaphore, #tpu.memory_space<semaphore_mem>>) src(%dma_wait3A_288 : memref<10112x128xf32, #tpu.memory_space<hbm>>) dst(%dma_wait3A_282 : memref<32x128xf32, #tpu.memory_space<vmem>>)
      %add3A_291 = arith.constant 5 : i32
      %add3A_292 = arith.addi %mul3A_115, %add3A_291 : i32
      %dma_start3A_293 = arith.constant 5 : i32
      %dma_start3A_294 = arith.constant 5 : i32
      %dma_start3A_295 = arith.constant 0 : i32
      %dma_start3A_296 = arith.constant 0 : i32
      %dma_start3A_297 = tpu.memref_slice %arg8[%dma_start3A_293, %dma_start3A_295, %dma_start3A_296] : memref<6x32x128xf32, #tpu.memory_space<vmem>> -> memref<1x32x128xf32, #tpu.memory_space<vmem>>
      %dma_start3A_298 = tpu.memref_squeeze %dma_start3A_297 : memref<1x32x128xf32, #tpu.memory_space<vmem>> -> memref<32x128xf32, #tpu.memory_space<vmem>>
      %dma_start3A_299 = arith.constant 0 : i32
      %dma_start3A_300 = tpu.memref_slice %arg7[%add3A_292, %dma_start3A_299] : memref<324x32xi32, #tpu.memory_space<vmem>> -> memref<1x32xi32, #tpu.memory_space<vmem>>
      %dma_start3A_301 = tpu.memref_squeeze %dma_start3A_300 : memref<1x32xi32, #tpu.memory_space<vmem>> -> memref<32xi32, #tpu.memory_space<vmem>>
      %dma_start3A_302 = arith.constant 0 : i32
      %dma_start3A_303 = arith.constant 0 : i32
      %dma_start3A_304 = tpu.memref_slice %arg10[%dma_start3A_302, %dma_start3A_303] : memref<10112x128xf32, #tpu.memory_space<vmem_shared>> -> memref<10112x128xf32, #tpu.memory_space<vmem_shared>>
      %dma_start3A_305 = tpu.memref_slice %arg12[%dma_start3A_294] : memref<6x!tpu.dma_semaphore, #tpu.memory_space<semaphore_mem>> -> memref<1x!tpu.dma_semaphore, #tpu.memory_space<semaphore_mem>>
      %dma_start3A_306 = tpu.memref_squeeze %dma_start3A_305 : memref<1x!tpu.dma_semaphore, #tpu.memory_space<semaphore_mem>> -> memref<!tpu.dma_semaphore, #tpu.memory_space<semaphore_mem>>
      tpu.enqueue_indirect_dma source(%dma_start3A_298 : memref<32x128xf32, #tpu.memory_space<vmem>>) target(%dma_start3A_304 : memref<10112x128xf32, #tpu.memory_space<vmem_shared>>) offsets(%dma_start3A_301 : memref<32xi32, #tpu.memory_space<vmem>>) semaphore(%dma_start3A_306 : memref<!tpu.dma_semaphore, #tpu.memory_space<semaphore_mem>>) {add = true}
      %add3A_307 = arith.constant 0 : i32
      %add3A_308 = arith.addi %mul3A_115, %add3A_307 : i32
      %dma_wait3A_309 = arith.constant 0 : i32
      %dma_wait3A_310 = arith.constant 0 : i32
      %dma_wait3A_311 = arith.constant 0 : i32
      %dma_wait3A_312 = arith.constant 0 : i32
      %dma_wait3A_313 = tpu.memref_slice %arg8[%dma_wait3A_309, %dma_wait3A_311, %dma_wait3A_312] : memref<6x32x128xf32, #tpu.memory_space<vmem>> -> memref<1x32x128xf32, #tpu.memory_space<vmem>>
      %dma_wait3A_314 = tpu.memref_squeeze %dma_wait3A_313 : memref<1x32x128xf32, #tpu.memory_space<vmem>> -> memref<32x128xf32, #tpu.memory_space<vmem>>
      %dma_wait3A_315 = arith.constant 0 : i32
      %dma_wait3A_316 = tpu.memref_slice %arg7[%add3A_308, %dma_wait3A_315] : memref<324x32xi32, #tpu.memory_space<vmem>> -> memref<1x32xi32, #tpu.memory_space<vmem>>
      %dma_wait3A_317 = tpu.memref_squeeze %dma_wait3A_316 : memref<1x32xi32, #tpu.memory_space<vmem>> -> memref<32xi32, #tpu.memory_space<vmem>>
      %dma_wait3A_318 = arith.constant 0 : i32
      %dma_wait3A_319 = arith.constant 0 : i32
      %dma_wait3A_320 = tpu.memref_slice %arg10[%dma_wait3A_318, %dma_wait3A_319] : memref<10112x128xf32, #tpu.memory_space<vmem_shared>> -> memref<10112x128xf32, #tpu.memory_space<vmem_shared>>
      %dma_wait3A_321 = tpu.memref_slice %arg12[%dma_wait3A_310] : memref<6x!tpu.dma_semaphore, #tpu.memory_space<semaphore_mem>> -> memref<1x!tpu.dma_semaphore, #tpu.memory_space<semaphore_mem>>
      %dma_wait3A_322 = tpu.memref_squeeze %dma_wait3A_321 : memref<1x!tpu.dma_semaphore, #tpu.memory_space<semaphore_mem>> -> memref<!tpu.dma_semaphore, #tpu.memory_space<semaphore_mem>>
      tpu.wait_indirect_dma semaphore(%dma_wait3A_322 : memref<!tpu.dma_semaphore, #tpu.memory_space<semaphore_mem>>) src(%dma_wait3A_314 : memref<32x128xf32, #tpu.memory_space<vmem>>) dst(%dma_wait3A_320 : memref<10112x128xf32, #tpu.memory_space<vmem_shared>>)
      %lt3A = arith.constant 53 : i32
      %lt3A_323 = arith.cmpi slt, %add3A_113, %lt3A : i32
      %convert_element_type3A = arith.extui %lt3A_323 : i1 to i32
      %cond3A = arith.constant 0 : i32
      %cond3A_324 = arith.cmpi ne, %convert_element_type3A, %cond3A : i32
      scf.if %cond3A_324 {
        %add3A_430 = arith.constant 6 : i32
        %add3A_431 = arith.addi %mul3A_115, %add3A_430 : i32
        %add3A_432 = arith.constant 0 : i32
        %add3A_433 = arith.addi %add3A_431, %add3A_432 : i32
        %dma_start3A_434 = arith.constant 0 : i32
        %dma_start3A_435 = arith.constant 0 : i32
        %dma_start3A_436 = arith.constant 0 : i32
        %dma_start3A_437 = arith.constant 0 : i32
        %dma_start3A_438 = tpu.memref_slice %arg8[%dma_start3A_434, %dma_start3A_436, %dma_start3A_437] : memref<6x32x128xf32, #tpu.memory_space<vmem>> -> memref<1x32x128xf32, #tpu.memory_space<vmem>>
        %dma_start3A_439 = tpu.memref_squeeze %dma_start3A_438 : memref<1x32x128xf32, #tpu.memory_space<vmem>> -> memref<32x128xf32, #tpu.memory_space<vmem>>
        %dma_start3A_440 = arith.constant 0 : i32
        %dma_start3A_441 = tpu.memref_slice %arg6[%add3A_433, %dma_start3A_440] : memref<324x32xi32, #tpu.memory_space<vmem>> -> memref<1x32xi32, #tpu.memory_space<vmem>>
        %dma_start3A_442 = tpu.memref_squeeze %dma_start3A_441 : memref<1x32xi32, #tpu.memory_space<vmem>> -> memref<32xi32, #tpu.memory_space<vmem>>
        %dma_start3A_443 = arith.constant 0 : i32
        %dma_start3A_444 = arith.constant 0 : i32
        %dma_start3A_445 = tpu.memref_slice %arg2[%dma_start3A_443, %dma_start3A_444] : memref<10112x128xf32, #tpu.memory_space<hbm>> -> memref<10112x128xf32, #tpu.memory_space<hbm>>
        %dma_start3A_446 = tpu.memref_slice %arg11[%dma_start3A_435] : memref<6x!tpu.dma_semaphore, #tpu.memory_space<semaphore_mem>> -> memref<1x!tpu.dma_semaphore, #tpu.memory_space<semaphore_mem>>
        %dma_start3A_447 = tpu.memref_squeeze %dma_start3A_446 : memref<1x!tpu.dma_semaphore, #tpu.memory_space<semaphore_mem>> -> memref<!tpu.dma_semaphore, #tpu.memory_space<semaphore_mem>>
        tpu.enqueue_indirect_dma source(%dma_start3A_445 : memref<10112x128xf32, #tpu.memory_space<hbm>>) target(%dma_start3A_439 : memref<32x128xf32, #tpu.memory_space<vmem>>) offsets(%dma_start3A_442 : memref<32xi32, #tpu.memory_space<vmem>>) semaphore(%dma_start3A_447 : memref<!tpu.dma_semaphore, #tpu.memory_space<semaphore_mem>>)
      } else {
      }
      %add3A_325 = arith.constant 1 : i32
      %add3A_326 = arith.addi %mul3A_115, %add3A_325 : i32
      %dma_wait3A_327 = arith.constant 1 : i32
      %dma_wait3A_328 = arith.constant 1 : i32
      %dma_wait3A_329 = arith.constant 0 : i32
      %dma_wait3A_330 = arith.constant 0 : i32
      %dma_wait3A_331 = tpu.memref_slice %arg8[%dma_wait3A_327, %dma_wait3A_329, %dma_wait3A_330] : memref<6x32x128xf32, #tpu.memory_space<vmem>> -> memref<1x32x128xf32, #tpu.memory_space<vmem>>
      %dma_wait3A_332 = tpu.memref_squeeze %dma_wait3A_331 : memref<1x32x128xf32, #tpu.memory_space<vmem>> -> memref<32x128xf32, #tpu.memory_space<vmem>>
      %dma_wait3A_333 = arith.constant 0 : i32
      %dma_wait3A_334 = tpu.memref_slice %arg7[%add3A_326, %dma_wait3A_333] : memref<324x32xi32, #tpu.memory_space<vmem>> -> memref<1x32xi32, #tpu.memory_space<vmem>>
      %dma_wait3A_335 = tpu.memref_squeeze %dma_wait3A_334 : memref<1x32xi32, #tpu.memory_space<vmem>> -> memref<32xi32, #tpu.memory_space<vmem>>
      %dma_wait3A_336 = arith.constant 0 : i32
      %dma_wait3A_337 = arith.constant 0 : i32
      %dma_wait3A_338 = tpu.memref_slice %arg10[%dma_wait3A_336, %dma_wait3A_337] : memref<10112x128xf32, #tpu.memory_space<vmem_shared>> -> memref<10112x128xf32, #tpu.memory_space<vmem_shared>>
      %dma_wait3A_339 = tpu.memref_slice %arg12[%dma_wait3A_328] : memref<6x!tpu.dma_semaphore, #tpu.memory_space<semaphore_mem>> -> memref<1x!tpu.dma_semaphore, #tpu.memory_space<semaphore_mem>>
      %dma_wait3A_340 = tpu.memref_squeeze %dma_wait3A_339 : memref<1x!tpu.dma_semaphore, #tpu.memory_space<semaphore_mem>> -> memref<!tpu.dma_semaphore, #tpu.memory_space<semaphore_mem>>
      tpu.wait_indirect_dma semaphore(%dma_wait3A_340 : memref<!tpu.dma_semaphore, #tpu.memory_space<semaphore_mem>>) src(%dma_wait3A_332 : memref<32x128xf32, #tpu.memory_space<vmem>>) dst(%dma_wait3A_338 : memref<10112x128xf32, #tpu.memory_space<vmem_shared>>)
      %lt3A_341 = arith.constant 53 : i32
      %lt3A_342 = arith.cmpi slt, %add3A_113, %lt3A_341 : i32
      %convert_element_type3A_343 = arith.extui %lt3A_342 : i1 to i32
      %cond3A_344 = arith.constant 0 : i32
      %cond3A_345 = arith.cmpi ne, %convert_element_type3A_343, %cond3A_344 : i32
      scf.if %cond3A_345 {
        %add3A_430 = arith.constant 6 : i32
        %add3A_431 = arith.addi %mul3A_115, %add3A_430 : i32
        %add3A_432 = arith.constant 1 : i32
        %add3A_433 = arith.addi %add3A_431, %add3A_432 : i32
        %dma_start3A_434 = arith.constant 1 : i32
        %dma_start3A_435 = arith.constant 1 : i32
        %dma_start3A_436 = arith.constant 0 : i32
        %dma_start3A_437 = arith.constant 0 : i32
        %dma_start3A_438 = tpu.memref_slice %arg8[%dma_start3A_434, %dma_start3A_436, %dma_start3A_437] : memref<6x32x128xf32, #tpu.memory_space<vmem>> -> memref<1x32x128xf32, #tpu.memory_space<vmem>>
        %dma_start3A_439 = tpu.memref_squeeze %dma_start3A_438 : memref<1x32x128xf32, #tpu.memory_space<vmem>> -> memref<32x128xf32, #tpu.memory_space<vmem>>
        %dma_start3A_440 = arith.constant 0 : i32
        %dma_start3A_441 = tpu.memref_slice %arg6[%add3A_433, %dma_start3A_440] : memref<324x32xi32, #tpu.memory_space<vmem>> -> memref<1x32xi32, #tpu.memory_space<vmem>>
        %dma_start3A_442 = tpu.memref_squeeze %dma_start3A_441 : memref<1x32xi32, #tpu.memory_space<vmem>> -> memref<32xi32, #tpu.memory_space<vmem>>
        %dma_start3A_443 = arith.constant 0 : i32
        %dma_start3A_444 = arith.constant 0 : i32
        %dma_start3A_445 = tpu.memref_slice %arg2[%dma_start3A_443, %dma_start3A_444] : memref<10112x128xf32, #tpu.memory_space<hbm>> -> memref<10112x128xf32, #tpu.memory_space<hbm>>
        %dma_start3A_446 = tpu.memref_slice %arg11[%dma_start3A_435] : memref<6x!tpu.dma_semaphore, #tpu.memory_space<semaphore_mem>> -> memref<1x!tpu.dma_semaphore, #tpu.memory_space<semaphore_mem>>
        %dma_start3A_447 = tpu.memref_squeeze %dma_start3A_446 : memref<1x!tpu.dma_semaphore, #tpu.memory_space<semaphore_mem>> -> memref<!tpu.dma_semaphore, #tpu.memory_space<semaphore_mem>>
        tpu.enqueue_indirect_dma source(%dma_start3A_445 : memref<10112x128xf32, #tpu.memory_space<hbm>>) target(%dma_start3A_439 : memref<32x128xf32, #tpu.memory_space<vmem>>) offsets(%dma_start3A_442 : memref<32xi32, #tpu.memory_space<vmem>>) semaphore(%dma_start3A_447 : memref<!tpu.dma_semaphore, #tpu.memory_space<semaphore_mem>>)
      } else {
      }
      %add3A_346 = arith.constant 2 : i32
      %add3A_347 = arith.addi %mul3A_115, %add3A_346 : i32
      %dma_wait3A_348 = arith.constant 2 : i32
      %dma_wait3A_349 = arith.constant 2 : i32
      %dma_wait3A_350 = arith.constant 0 : i32
      %dma_wait3A_351 = arith.constant 0 : i32
      %dma_wait3A_352 = tpu.memref_slice %arg8[%dma_wait3A_348, %dma_wait3A_350, %dma_wait3A_351] : memref<6x32x128xf32, #tpu.memory_space<vmem>> -> memref<1x32x128xf32, #tpu.memory_space<vmem>>
      %dma_wait3A_353 = tpu.memref_squeeze %dma_wait3A_352 : memref<1x32x128xf32, #tpu.memory_space<vmem>> -> memref<32x128xf32, #tpu.memory_space<vmem>>
      %dma_wait3A_354 = arith.constant 0 : i32
      %dma_wait3A_355 = tpu.memref_slice %arg7[%add3A_347, %dma_wait3A_354] : memref<324x32xi32, #tpu.memory_space<vmem>> -> memref<1x32xi32, #tpu.memory_space<vmem>>
      %dma_wait3A_356 = tpu.memref_squeeze %dma_wait3A_355 : memref<1x32xi32, #tpu.memory_space<vmem>> -> memref<32xi32, #tpu.memory_space<vmem>>
      %dma_wait3A_357 = arith.constant 0 : i32
      %dma_wait3A_358 = arith.constant 0 : i32
      %dma_wait3A_359 = tpu.memref_slice %arg10[%dma_wait3A_357, %dma_wait3A_358] : memref<10112x128xf32, #tpu.memory_space<vmem_shared>> -> memref<10112x128xf32, #tpu.memory_space<vmem_shared>>
      %dma_wait3A_360 = tpu.memref_slice %arg12[%dma_wait3A_349] : memref<6x!tpu.dma_semaphore, #tpu.memory_space<semaphore_mem>> -> memref<1x!tpu.dma_semaphore, #tpu.memory_space<semaphore_mem>>
      %dma_wait3A_361 = tpu.memref_squeeze %dma_wait3A_360 : memref<1x!tpu.dma_semaphore, #tpu.memory_space<semaphore_mem>> -> memref<!tpu.dma_semaphore, #tpu.memory_space<semaphore_mem>>
      tpu.wait_indirect_dma semaphore(%dma_wait3A_361 : memref<!tpu.dma_semaphore, #tpu.memory_space<semaphore_mem>>) src(%dma_wait3A_353 : memref<32x128xf32, #tpu.memory_space<vmem>>) dst(%dma_wait3A_359 : memref<10112x128xf32, #tpu.memory_space<vmem_shared>>)
      %lt3A_362 = arith.constant 53 : i32
      %lt3A_363 = arith.cmpi slt, %add3A_113, %lt3A_362 : i32
      %convert_element_type3A_364 = arith.extui %lt3A_363 : i1 to i32
      %cond3A_365 = arith.constant 0 : i32
      %cond3A_366 = arith.cmpi ne, %convert_element_type3A_364, %cond3A_365 : i32
      scf.if %cond3A_366 {
        %add3A_430 = arith.constant 6 : i32
        %add3A_431 = arith.addi %mul3A_115, %add3A_430 : i32
        %add3A_432 = arith.constant 2 : i32
        %add3A_433 = arith.addi %add3A_431, %add3A_432 : i32
        %dma_start3A_434 = arith.constant 2 : i32
        %dma_start3A_435 = arith.constant 2 : i32
        %dma_start3A_436 = arith.constant 0 : i32
        %dma_start3A_437 = arith.constant 0 : i32
        %dma_start3A_438 = tpu.memref_slice %arg8[%dma_start3A_434, %dma_start3A_436, %dma_start3A_437] : memref<6x32x128xf32, #tpu.memory_space<vmem>> -> memref<1x32x128xf32, #tpu.memory_space<vmem>>
        %dma_start3A_439 = tpu.memref_squeeze %dma_start3A_438 : memref<1x32x128xf32, #tpu.memory_space<vmem>> -> memref<32x128xf32, #tpu.memory_space<vmem>>
        %dma_start3A_440 = arith.constant 0 : i32
        %dma_start3A_441 = tpu.memref_slice %arg6[%add3A_433, %dma_start3A_440] : memref<324x32xi32, #tpu.memory_space<vmem>> -> memref<1x32xi32, #tpu.memory_space<vmem>>
        %dma_start3A_442 = tpu.memref_squeeze %dma_start3A_441 : memref<1x32xi32, #tpu.memory_space<vmem>> -> memref<32xi32, #tpu.memory_space<vmem>>
        %dma_start3A_443 = arith.constant 0 : i32
        %dma_start3A_444 = arith.constant 0 : i32
        %dma_start3A_445 = tpu.memref_slice %arg2[%dma_start3A_443, %dma_start3A_444] : memref<10112x128xf32, #tpu.memory_space<hbm>> -> memref<10112x128xf32, #tpu.memory_space<hbm>>
        %dma_start3A_446 = tpu.memref_slice %arg11[%dma_start3A_435] : memref<6x!tpu.dma_semaphore, #tpu.memory_space<semaphore_mem>> -> memref<1x!tpu.dma_semaphore, #tpu.memory_space<semaphore_mem>>
        %dma_start3A_447 = tpu.memref_squeeze %dma_start3A_446 : memref<1x!tpu.dma_semaphore, #tpu.memory_space<semaphore_mem>> -> memref<!tpu.dma_semaphore, #tpu.memory_space<semaphore_mem>>
        tpu.enqueue_indirect_dma source(%dma_start3A_445 : memref<10112x128xf32, #tpu.memory_space<hbm>>) target(%dma_start3A_439 : memref<32x128xf32, #tpu.memory_space<vmem>>) offsets(%dma_start3A_442 : memref<32xi32, #tpu.memory_space<vmem>>) semaphore(%dma_start3A_447 : memref<!tpu.dma_semaphore, #tpu.memory_space<semaphore_mem>>)
      } else {
      }
      %add3A_367 = arith.constant 3 : i32
      %add3A_368 = arith.addi %mul3A_115, %add3A_367 : i32
      %dma_wait3A_369 = arith.constant 3 : i32
      %dma_wait3A_370 = arith.constant 3 : i32
      %dma_wait3A_371 = arith.constant 0 : i32
      %dma_wait3A_372 = arith.constant 0 : i32
      %dma_wait3A_373 = tpu.memref_slice %arg8[%dma_wait3A_369, %dma_wait3A_371, %dma_wait3A_372] : memref<6x32x128xf32, #tpu.memory_space<vmem>> -> memref<1x32x128xf32, #tpu.memory_space<vmem>>
      %dma_wait3A_374 = tpu.memref_squeeze %dma_wait3A_373 : memref<1x32x128xf32, #tpu.memory_space<vmem>> -> memref<32x128xf32, #tpu.memory_space<vmem>>
      %dma_wait3A_375 = arith.constant 0 : i32
      %dma_wait3A_376 = tpu.memref_slice %arg7[%add3A_368, %dma_wait3A_375] : memref<324x32xi32, #tpu.memory_space<vmem>> -> memref<1x32xi32, #tpu.memory_space<vmem>>
      %dma_wait3A_377 = tpu.memref_squeeze %dma_wait3A_376 : memref<1x32xi32, #tpu.memory_space<vmem>> -> memref<32xi32, #tpu.memory_space<vmem>>
      %dma_wait3A_378 = arith.constant 0 : i32
      %dma_wait3A_379 = arith.constant 0 : i32
      %dma_wait3A_380 = tpu.memref_slice %arg10[%dma_wait3A_378, %dma_wait3A_379] : memref<10112x128xf32, #tpu.memory_space<vmem_shared>> -> memref<10112x128xf32, #tpu.memory_space<vmem_shared>>
      %dma_wait3A_381 = tpu.memref_slice %arg12[%dma_wait3A_370] : memref<6x!tpu.dma_semaphore, #tpu.memory_space<semaphore_mem>> -> memref<1x!tpu.dma_semaphore, #tpu.memory_space<semaphore_mem>>
      %dma_wait3A_382 = tpu.memref_squeeze %dma_wait3A_381 : memref<1x!tpu.dma_semaphore, #tpu.memory_space<semaphore_mem>> -> memref<!tpu.dma_semaphore, #tpu.memory_space<semaphore_mem>>
      tpu.wait_indirect_dma semaphore(%dma_wait3A_382 : memref<!tpu.dma_semaphore, #tpu.memory_space<semaphore_mem>>) src(%dma_wait3A_374 : memref<32x128xf32, #tpu.memory_space<vmem>>) dst(%dma_wait3A_380 : memref<10112x128xf32, #tpu.memory_space<vmem_shared>>)
      %lt3A_383 = arith.constant 53 : i32
      %lt3A_384 = arith.cmpi slt, %add3A_113, %lt3A_383 : i32
      %convert_element_type3A_385 = arith.extui %lt3A_384 : i1 to i32
      %cond3A_386 = arith.constant 0 : i32
      %cond3A_387 = arith.cmpi ne, %convert_element_type3A_385, %cond3A_386 : i32
      scf.if %cond3A_387 {
        %add3A_430 = arith.constant 6 : i32
        %add3A_431 = arith.addi %mul3A_115, %add3A_430 : i32
        %add3A_432 = arith.constant 3 : i32
        %add3A_433 = arith.addi %add3A_431, %add3A_432 : i32
        %dma_start3A_434 = arith.constant 3 : i32
        %dma_start3A_435 = arith.constant 3 : i32
        %dma_start3A_436 = arith.constant 0 : i32
        %dma_start3A_437 = arith.constant 0 : i32
        %dma_start3A_438 = tpu.memref_slice %arg8[%dma_start3A_434, %dma_start3A_436, %dma_start3A_437] : memref<6x32x128xf32, #tpu.memory_space<vmem>> -> memref<1x32x128xf32, #tpu.memory_space<vmem>>
        %dma_start3A_439 = tpu.memref_squeeze %dma_start3A_438 : memref<1x32x128xf32, #tpu.memory_space<vmem>> -> memref<32x128xf32, #tpu.memory_space<vmem>>
        %dma_start3A_440 = arith.constant 0 : i32
        %dma_start3A_441 = tpu.memref_slice %arg6[%add3A_433, %dma_start3A_440] : memref<324x32xi32, #tpu.memory_space<vmem>> -> memref<1x32xi32, #tpu.memory_space<vmem>>
        %dma_start3A_442 = tpu.memref_squeeze %dma_start3A_441 : memref<1x32xi32, #tpu.memory_space<vmem>> -> memref<32xi32, #tpu.memory_space<vmem>>
        %dma_start3A_443 = arith.constant 0 : i32
        %dma_start3A_444 = arith.constant 0 : i32
        %dma_start3A_445 = tpu.memref_slice %arg2[%dma_start3A_443, %dma_start3A_444] : memref<10112x128xf32, #tpu.memory_space<hbm>> -> memref<10112x128xf32, #tpu.memory_space<hbm>>
        %dma_start3A_446 = tpu.memref_slice %arg11[%dma_start3A_435] : memref<6x!tpu.dma_semaphore, #tpu.memory_space<semaphore_mem>> -> memref<1x!tpu.dma_semaphore, #tpu.memory_space<semaphore_mem>>
        %dma_start3A_447 = tpu.memref_squeeze %dma_start3A_446 : memref<1x!tpu.dma_semaphore, #tpu.memory_space<semaphore_mem>> -> memref<!tpu.dma_semaphore, #tpu.memory_space<semaphore_mem>>
        tpu.enqueue_indirect_dma source(%dma_start3A_445 : memref<10112x128xf32, #tpu.memory_space<hbm>>) target(%dma_start3A_439 : memref<32x128xf32, #tpu.memory_space<vmem>>) offsets(%dma_start3A_442 : memref<32xi32, #tpu.memory_space<vmem>>) semaphore(%dma_start3A_447 : memref<!tpu.dma_semaphore, #tpu.memory_space<semaphore_mem>>)
      } else {
      }
      %add3A_388 = arith.constant 4 : i32
      %add3A_389 = arith.addi %mul3A_115, %add3A_388 : i32
      %dma_wait3A_390 = arith.constant 4 : i32
      %dma_wait3A_391 = arith.constant 4 : i32
      %dma_wait3A_392 = arith.constant 0 : i32
      %dma_wait3A_393 = arith.constant 0 : i32
      %dma_wait3A_394 = tpu.memref_slice %arg8[%dma_wait3A_390, %dma_wait3A_392, %dma_wait3A_393] : memref<6x32x128xf32, #tpu.memory_space<vmem>> -> memref<1x32x128xf32, #tpu.memory_space<vmem>>
      %dma_wait3A_395 = tpu.memref_squeeze %dma_wait3A_394 : memref<1x32x128xf32, #tpu.memory_space<vmem>> -> memref<32x128xf32, #tpu.memory_space<vmem>>
      %dma_wait3A_396 = arith.constant 0 : i32
      %dma_wait3A_397 = tpu.memref_slice %arg7[%add3A_389, %dma_wait3A_396] : memref<324x32xi32, #tpu.memory_space<vmem>> -> memref<1x32xi32, #tpu.memory_space<vmem>>
      %dma_wait3A_398 = tpu.memref_squeeze %dma_wait3A_397 : memref<1x32xi32, #tpu.memory_space<vmem>> -> memref<32xi32, #tpu.memory_space<vmem>>
      %dma_wait3A_399 = arith.constant 0 : i32
      %dma_wait3A_400 = arith.constant 0 : i32
      %dma_wait3A_401 = tpu.memref_slice %arg10[%dma_wait3A_399, %dma_wait3A_400] : memref<10112x128xf32, #tpu.memory_space<vmem_shared>> -> memref<10112x128xf32, #tpu.memory_space<vmem_shared>>
      %dma_wait3A_402 = tpu.memref_slice %arg12[%dma_wait3A_391] : memref<6x!tpu.dma_semaphore, #tpu.memory_space<semaphore_mem>> -> memref<1x!tpu.dma_semaphore, #tpu.memory_space<semaphore_mem>>
      %dma_wait3A_403 = tpu.memref_squeeze %dma_wait3A_402 : memref<1x!tpu.dma_semaphore, #tpu.memory_space<semaphore_mem>> -> memref<!tpu.dma_semaphore, #tpu.memory_space<semaphore_mem>>
      tpu.wait_indirect_dma semaphore(%dma_wait3A_403 : memref<!tpu.dma_semaphore, #tpu.memory_space<semaphore_mem>>) src(%dma_wait3A_395 : memref<32x128xf32, #tpu.memory_space<vmem>>) dst(%dma_wait3A_401 : memref<10112x128xf32, #tpu.memory_space<vmem_shared>>)
      %lt3A_404 = arith.constant 53 : i32
      %lt3A_405 = arith.cmpi slt, %add3A_113, %lt3A_404 : i32
      %convert_element_type3A_406 = arith.extui %lt3A_405 : i1 to i32
      %cond3A_407 = arith.constant 0 : i32
      %cond3A_408 = arith.cmpi ne, %convert_element_type3A_406, %cond3A_407 : i32
      scf.if %cond3A_408 {
        %add3A_430 = arith.constant 6 : i32
        %add3A_431 = arith.addi %mul3A_115, %add3A_430 : i32
        %add3A_432 = arith.constant 4 : i32
        %add3A_433 = arith.addi %add3A_431, %add3A_432 : i32
        %dma_start3A_434 = arith.constant 4 : i32
        %dma_start3A_435 = arith.constant 4 : i32
        %dma_start3A_436 = arith.constant 0 : i32
        %dma_start3A_437 = arith.constant 0 : i32
        %dma_start3A_438 = tpu.memref_slice %arg8[%dma_start3A_434, %dma_start3A_436, %dma_start3A_437] : memref<6x32x128xf32, #tpu.memory_space<vmem>> -> memref<1x32x128xf32, #tpu.memory_space<vmem>>
        %dma_start3A_439 = tpu.memref_squeeze %dma_start3A_438 : memref<1x32x128xf32, #tpu.memory_space<vmem>> -> memref<32x128xf32, #tpu.memory_space<vmem>>
        %dma_start3A_440 = arith.constant 0 : i32
        %dma_start3A_441 = tpu.memref_slice %arg6[%add3A_433, %dma_start3A_440] : memref<324x32xi32, #tpu.memory_space<vmem>> -> memref<1x32xi32, #tpu.memory_space<vmem>>
        %dma_start3A_442 = tpu.memref_squeeze %dma_start3A_441 : memref<1x32xi32, #tpu.memory_space<vmem>> -> memref<32xi32, #tpu.memory_space<vmem>>
        %dma_start3A_443 = arith.constant 0 : i32
        %dma_start3A_444 = arith.constant 0 : i32
        %dma_start3A_445 = tpu.memref_slice %arg2[%dma_start3A_443, %dma_start3A_444] : memref<10112x128xf32, #tpu.memory_space<hbm>> -> memref<10112x128xf32, #tpu.memory_space<hbm>>
        %dma_start3A_446 = tpu.memref_slice %arg11[%dma_start3A_435] : memref<6x!tpu.dma_semaphore, #tpu.memory_space<semaphore_mem>> -> memref<1x!tpu.dma_semaphore, #tpu.memory_space<semaphore_mem>>
        %dma_start3A_447 = tpu.memref_squeeze %dma_start3A_446 : memref<1x!tpu.dma_semaphore, #tpu.memory_space<semaphore_mem>> -> memref<!tpu.dma_semaphore, #tpu.memory_space<semaphore_mem>>
        tpu.enqueue_indirect_dma source(%dma_start3A_445 : memref<10112x128xf32, #tpu.memory_space<hbm>>) target(%dma_start3A_439 : memref<32x128xf32, #tpu.memory_space<vmem>>) offsets(%dma_start3A_442 : memref<32xi32, #tpu.memory_space<vmem>>) semaphore(%dma_start3A_447 : memref<!tpu.dma_semaphore, #tpu.memory_space<semaphore_mem>>)
      } else {
      }
      %add3A_409 = arith.constant 5 : i32
      %add3A_410 = arith.addi %mul3A_115, %add3A_409 : i32
      %dma_wait3A_411 = arith.constant 5 : i32
      %dma_wait3A_412 = arith.constant 5 : i32
      %dma_wait3A_413 = arith.constant 0 : i32
      %dma_wait3A_414 = arith.constant 0 : i32
      %dma_wait3A_415 = tpu.memref_slice %arg8[%dma_wait3A_411, %dma_wait3A_413, %dma_wait3A_414] : memref<6x32x128xf32, #tpu.memory_space<vmem>> -> memref<1x32x128xf32, #tpu.memory_space<vmem>>
      %dma_wait3A_416 = tpu.memref_squeeze %dma_wait3A_415 : memref<1x32x128xf32, #tpu.memory_space<vmem>> -> memref<32x128xf32, #tpu.memory_space<vmem>>
      %dma_wait3A_417 = arith.constant 0 : i32
      %dma_wait3A_418 = tpu.memref_slice %arg7[%add3A_410, %dma_wait3A_417] : memref<324x32xi32, #tpu.memory_space<vmem>> -> memref<1x32xi32, #tpu.memory_space<vmem>>
      %dma_wait3A_419 = tpu.memref_squeeze %dma_wait3A_418 : memref<1x32xi32, #tpu.memory_space<vmem>> -> memref<32xi32, #tpu.memory_space<vmem>>
      %dma_wait3A_420 = arith.constant 0 : i32
      %dma_wait3A_421 = arith.constant 0 : i32
      %dma_wait3A_422 = tpu.memref_slice %arg10[%dma_wait3A_420, %dma_wait3A_421] : memref<10112x128xf32, #tpu.memory_space<vmem_shared>> -> memref<10112x128xf32, #tpu.memory_space<vmem_shared>>
      %dma_wait3A_423 = tpu.memref_slice %arg12[%dma_wait3A_412] : memref<6x!tpu.dma_semaphore, #tpu.memory_space<semaphore_mem>> -> memref<1x!tpu.dma_semaphore, #tpu.memory_space<semaphore_mem>>
      %dma_wait3A_424 = tpu.memref_squeeze %dma_wait3A_423 : memref<1x!tpu.dma_semaphore, #tpu.memory_space<semaphore_mem>> -> memref<!tpu.dma_semaphore, #tpu.memory_space<semaphore_mem>>
      tpu.wait_indirect_dma semaphore(%dma_wait3A_424 : memref<!tpu.dma_semaphore, #tpu.memory_space<semaphore_mem>>) src(%dma_wait3A_416 : memref<32x128xf32, #tpu.memory_space<vmem>>) dst(%dma_wait3A_422 : memref<10112x128xf32, #tpu.memory_space<vmem_shared>>)
      %lt3A_425 = arith.constant 53 : i32
      %lt3A_426 = arith.cmpi slt, %add3A_113, %lt3A_425 : i32
      %convert_element_type3A_427 = arith.extui %lt3A_426 : i1 to i32
      %cond3A_428 = arith.constant 0 : i32
      %cond3A_429 = arith.cmpi ne, %convert_element_type3A_427, %cond3A_428 : i32
      scf.if %cond3A_429 {
        %add3A_430 = arith.constant 6 : i32
        %add3A_431 = arith.addi %mul3A_115, %add3A_430 : i32
        %add3A_432 = arith.constant 5 : i32
        %add3A_433 = arith.addi %add3A_431, %add3A_432 : i32
        %dma_start3A_434 = arith.constant 5 : i32
        %dma_start3A_435 = arith.constant 5 : i32
        %dma_start3A_436 = arith.constant 0 : i32
        %dma_start3A_437 = arith.constant 0 : i32
        %dma_start3A_438 = tpu.memref_slice %arg8[%dma_start3A_434, %dma_start3A_436, %dma_start3A_437] : memref<6x32x128xf32, #tpu.memory_space<vmem>> -> memref<1x32x128xf32, #tpu.memory_space<vmem>>
        %dma_start3A_439 = tpu.memref_squeeze %dma_start3A_438 : memref<1x32x128xf32, #tpu.memory_space<vmem>> -> memref<32x128xf32, #tpu.memory_space<vmem>>
        %dma_start3A_440 = arith.constant 0 : i32
        %dma_start3A_441 = tpu.memref_slice %arg6[%add3A_433, %dma_start3A_440] : memref<324x32xi32, #tpu.memory_space<vmem>> -> memref<1x32xi32, #tpu.memory_space<vmem>>
        %dma_start3A_442 = tpu.memref_squeeze %dma_start3A_441 : memref<1x32xi32, #tpu.memory_space<vmem>> -> memref<32xi32, #tpu.memory_space<vmem>>
        %dma_start3A_443 = arith.constant 0 : i32
        %dma_start3A_444 = arith.constant 0 : i32
        %dma_start3A_445 = tpu.memref_slice %arg2[%dma_start3A_443, %dma_start3A_444] : memref<10112x128xf32, #tpu.memory_space<hbm>> -> memref<10112x128xf32, #tpu.memory_space<hbm>>
        %dma_start3A_446 = tpu.memref_slice %arg11[%dma_start3A_435] : memref<6x!tpu.dma_semaphore, #tpu.memory_space<semaphore_mem>> -> memref<1x!tpu.dma_semaphore, #tpu.memory_space<semaphore_mem>>
        %dma_start3A_447 = tpu.memref_squeeze %dma_start3A_446 : memref<1x!tpu.dma_semaphore, #tpu.memory_space<semaphore_mem>> -> memref<!tpu.dma_semaphore, #tpu.memory_space<semaphore_mem>>
        tpu.enqueue_indirect_dma source(%dma_start3A_445 : memref<10112x128xf32, #tpu.memory_space<hbm>>) target(%dma_start3A_439 : memref<32x128xf32, #tpu.memory_space<vmem>>) offsets(%dma_start3A_442 : memref<32xi32, #tpu.memory_space<vmem>>) semaphore(%dma_start3A_447 : memref<!tpu.dma_semaphore, #tpu.memory_space<semaphore_mem>>)
      } else {
      }
    }
    %scan3A_107 = arith.constant 54 : i32
    %barrier3A_108 = arith.constant 0 : index
    tpu.barrier barrier_id(%barrier3A_108)
    "tpu.region"() ({
      %run_scoped3A = tpu.sem_alloc : memref<!tpu.dma_semaphore, #tpu.memory_space<semaphore_mem>>
      %dma_start3A_109 = arith.constant 0 : i32
      %dma_start3A_110 = tpu.memref_slice %arg5[%arg0, %mul3A_6, %dma_start3A_109] : memref<2x10112x128xf32, #tpu.memory_space<hbm>> -> memref<1x632x128xf32, #tpu.memory_space<hbm>>
      %dma_start3A_111 = tpu.memref_squeeze %dma_start3A_110 : memref<1x632x128xf32, #tpu.memory_space<hbm>> -> memref<632x128xf32, #tpu.memory_space<hbm>>
      %dma_start3A_112 = arith.constant 0 : i32
      %dma_start3A_113 = tpu.memref_slice %arg10[%mul3A_6, %dma_start3A_112] : memref<10112x128xf32, #tpu.memory_space<vmem_shared>> -> memref<632x128xf32, #tpu.memory_space<vmem_shared>>
      tpu.enqueue_dma source(%dma_start3A_113 : memref<632x128xf32, #tpu.memory_space<vmem_shared>>) target(%dma_start3A_111 : memref<632x128xf32, #tpu.memory_space<hbm>>) target_semaphore(%run_scoped3A : memref<!tpu.dma_semaphore, #tpu.memory_space<semaphore_mem>>)
      %dma_wait3A = arith.constant 0 : i32
      %dma_wait3A_114 = tpu.memref_slice %arg5[%arg0, %mul3A_6, %dma_wait3A] : memref<2x10112x128xf32, #tpu.memory_space<hbm>> -> memref<1x632x128xf32, #tpu.memory_space<hbm>>
      %dma_wait3A_115 = tpu.memref_squeeze %dma_wait3A_114 : memref<1x632x128xf32, #tpu.memory_space<hbm>> -> memref<632x128xf32, #tpu.memory_space<hbm>>
      %dma_wait3A_116 = arith.constant 0 : i32
      %dma_wait3A_117 = tpu.memref_slice %arg10[%mul3A_6, %dma_wait3A_116] : memref<10112x128xf32, #tpu.memory_space<vmem_shared>> -> memref<632x128xf32, #tpu.memory_space<vmem_shared>>
      tpu.wait_dma2 semaphore(%run_scoped3A : memref<!tpu.dma_semaphore, #tpu.memory_space<semaphore_mem>>) src(%dma_wait3A_117 : memref<632x128xf32, #tpu.memory_space<vmem_shared>>) dst(%dma_wait3A_115 : memref<632x128xf32, #tpu.memory_space<hbm>>)
      tpu.yield
    }) : () -> ()
    return
  }
}

#map = affine_map<(d0, d1) -> (0, 0, 0)>
module attributes {stable_mosaic.version = 14 : i64} {
  func.func @_counts_body(%arg0: i32, %arg1: i32, %arg2: memref<32x324x32xi32, #tpu.memory_space<hbm>>, %arg3: memref<32x324x32xi32, #tpu.memory_space<hbm>>, %arg4: memref<2x10112x16xf32, #tpu.memory_space<hbm>>, %arg5: memref<2x10112x16xf32, #tpu.memory_space<hbm>>, %arg6: memref<324x32xi32, #tpu.memory_space<vmem>>, %arg7: memref<324x32xi32, #tpu.memory_space<vmem>>, %arg8: memref<32x16xf32, #tpu.memory_space<vmem>>, %arg9: memref<632x16xf32, #tpu.memory_space<vmem>>, %arg10: memref<10112x16xf32, #tpu.memory_space<vmem_shared>>, %arg11: memref<10112x16xf32, #tpu.memory_space<vmem_shared>>, %arg12: memref<!tpu.dma_semaphore, #tpu.memory_space<semaphore_mem>>) attributes {dimension_semantics = [#tpu.dimension_semantics<core_parallel>, #tpu.dimension_semantics<subcore_parallel>], iteration_bounds = array<i64: 2, 16>, scalar_prefetch = 0 : i64, scratch_operands = 7 : i64, tpu.core_type = #tpu.core_type<sc_vector_subcore>, window_params = [{transform_indices = #map}, {transform_indices = #map}, {transform_indices = #map}, {transform_indices = #map}]} {
    %mul3A = arith.constant 16 : i32
    %mul3A_0 = arith.muli %arg0, %mul3A : i32
    %add3A = arith.addi %mul3A_0, %arg1 : i32
    "tpu.region"() ({
      %run_scoped3A = tpu.sem_alloc : memref<!tpu.dma_semaphore, #tpu.memory_space<semaphore_mem>>
      %dma_start3A = arith.constant 0 : i32
      %dma_start3A_23 = arith.constant 0 : i32
      %dma_start3A_24 = tpu.memref_slice %arg2[%add3A, %dma_start3A, %dma_start3A_23] : memref<32x324x32xi32, #tpu.memory_space<hbm>> -> memref<1x324x32xi32, #tpu.memory_space<hbm>>
      %dma_start3A_25 = tpu.memref_squeeze %dma_start3A_24 : memref<1x324x32xi32, #tpu.memory_space<hbm>> -> memref<324x32xi32, #tpu.memory_space<hbm>>
      %dma_start3A_26 = arith.constant 0 : i32
      %dma_start3A_27 = arith.constant 0 : i32
      %dma_start3A_28 = tpu.memref_slice %arg2[%add3A, %dma_start3A_26, %dma_start3A_27] : memref<32x324x32xi32, #tpu.memory_space<hbm>> -> memref<1x324x32xi32, #tpu.memory_space<hbm>>
      %dma_start3A_29 = tpu.memref_squeeze %dma_start3A_28 : memref<1x324x32xi32, #tpu.memory_space<hbm>> -> memref<324x32xi32, #tpu.memory_space<hbm>>
      tpu.enqueue_dma source(%dma_start3A_29 : memref<324x32xi32, #tpu.memory_space<hbm>>) target(%arg6 : memref<324x32xi32, #tpu.memory_space<vmem>>) target_semaphore(%run_scoped3A : memref<!tpu.dma_semaphore, #tpu.memory_space<semaphore_mem>>)
      %dma_wait3A = arith.constant 0 : i32
      %dma_wait3A_30 = arith.constant 0 : i32
      %dma_wait3A_31 = tpu.memref_slice %arg2[%add3A, %dma_wait3A, %dma_wait3A_30] : memref<32x324x32xi32, #tpu.memory_space<hbm>> -> memref<1x324x32xi32, #tpu.memory_space<hbm>>
      %dma_wait3A_32 = tpu.memref_squeeze %dma_wait3A_31 : memref<1x324x32xi32, #tpu.memory_space<hbm>> -> memref<324x32xi32, #tpu.memory_space<hbm>>
      %dma_wait3A_33 = arith.constant 0 : i32
      %dma_wait3A_34 = arith.constant 0 : i32
      %dma_wait3A_35 = tpu.memref_slice %arg2[%add3A, %dma_wait3A_33, %dma_wait3A_34] : memref<32x324x32xi32, #tpu.memory_space<hbm>> -> memref<1x324x32xi32, #tpu.memory_space<hbm>>
      %dma_wait3A_36 = tpu.memref_squeeze %dma_wait3A_35 : memref<1x324x32xi32, #tpu.memory_space<hbm>> -> memref<324x32xi32, #tpu.memory_space<hbm>>
      tpu.wait_dma2 semaphore(%run_scoped3A : memref<!tpu.dma_semaphore, #tpu.memory_space<semaphore_mem>>) src(%dma_wait3A_36 : memref<324x32xi32, #tpu.memory_space<hbm>>) dst(%arg6 : memref<324x32xi32, #tpu.memory_space<vmem>>)
      tpu.yield
    }) : () -> ()
    "tpu.region"() ({
      %run_scoped3A = tpu.sem_alloc : memref<!tpu.dma_semaphore, #tpu.memory_space<semaphore_mem>>
      %dma_start3A = arith.constant 0 : i32
      %dma_start3A_23 = arith.constant 0 : i32
      %dma_start3A_24 = tpu.memref_slice %arg3[%add3A, %dma_start3A, %dma_start3A_23] : memref<32x324x32xi32, #tpu.memory_space<hbm>> -> memref<1x324x32xi32, #tpu.memory_space<hbm>>
      %dma_start3A_25 = tpu.memref_squeeze %dma_start3A_24 : memref<1x324x32xi32, #tpu.memory_space<hbm>> -> memref<324x32xi32, #tpu.memory_space<hbm>>
      %dma_start3A_26 = arith.constant 0 : i32
      %dma_start3A_27 = arith.constant 0 : i32
      %dma_start3A_28 = tpu.memref_slice %arg3[%add3A, %dma_start3A_26, %dma_start3A_27] : memref<32x324x32xi32, #tpu.memory_space<hbm>> -> memref<1x324x32xi32, #tpu.memory_space<hbm>>
      %dma_start3A_29 = tpu.memref_squeeze %dma_start3A_28 : memref<1x324x32xi32, #tpu.memory_space<hbm>> -> memref<324x32xi32, #tpu.memory_space<hbm>>
      tpu.enqueue_dma source(%dma_start3A_29 : memref<324x32xi32, #tpu.memory_space<hbm>>) target(%arg7 : memref<324x32xi32, #tpu.memory_space<vmem>>) target_semaphore(%run_scoped3A : memref<!tpu.dma_semaphore, #tpu.memory_space<semaphore_mem>>)
      %dma_wait3A = arith.constant 0 : i32
      %dma_wait3A_30 = arith.constant 0 : i32
      %dma_wait3A_31 = tpu.memref_slice %arg3[%add3A, %dma_wait3A, %dma_wait3A_30] : memref<32x324x32xi32, #tpu.memory_space<hbm>> -> memref<1x324x32xi32, #tpu.memory_space<hbm>>
      %dma_wait3A_32 = tpu.memref_squeeze %dma_wait3A_31 : memref<1x324x32xi32, #tpu.memory_space<hbm>> -> memref<324x32xi32, #tpu.memory_space<hbm>>
      %dma_wait3A_33 = arith.constant 0 : i32
      %dma_wait3A_34 = arith.constant 0 : i32
      %dma_wait3A_35 = tpu.memref_slice %arg3[%add3A, %dma_wait3A_33, %dma_wait3A_34] : memref<32x324x32xi32, #tpu.memory_space<hbm>> -> memref<1x324x32xi32, #tpu.memory_space<hbm>>
      %dma_wait3A_36 = tpu.memref_squeeze %dma_wait3A_35 : memref<1x324x32xi32, #tpu.memory_space<hbm>> -> memref<324x32xi32, #tpu.memory_space<hbm>>
      tpu.wait_dma2 semaphore(%run_scoped3A : memref<!tpu.dma_semaphore, #tpu.memory_space<semaphore_mem>>) src(%dma_wait3A_36 : memref<324x32xi32, #tpu.memory_space<hbm>>) dst(%arg7 : memref<324x32xi32, #tpu.memory_space<vmem>>)
      tpu.yield
    }) : () -> ()
    %scan3A = arith.constant 0 : i32
    %scan3A_1 = arith.constant 32 : i32
    %scan3A_2 = arith.addi %scan3A, %scan3A_1 : i32
    %scan3A_3 = arith.constant 1 : i32
    scf.for %scan3A_23 = %scan3A to %scan3A_2 step %scan3A_3  : i32 {
      %mul3A_24 = arith.constant 1 : i32
      %mul3A_25 = arith.muli %scan3A_23, %mul3A_24 : i32
      %add3A_26 = arith.constant 0 : i32
      %add3A_27 = arith.addi %add3A_26, %mul3A_25 : i32
      %broadcast_in_dim3A = arith.constant 1.000000e+00 : f32
      %broadcast_in_dim3A_28 = vector.broadcast %broadcast_in_dim3A : f32 to vector<16xf32>
      %swap3A = arith.index_cast %add3A_27 : i32 to index
      %swap3A_29 = arith.constant 0 : index
      %swap3A_30 = tpu.vector_load %arg8[%swap3A, %swap3A_29] {strides = array<i32>} : memref<32x16xf32, #tpu.memory_space<vmem>>, vector<1x16xf32>,
      %swap3A_31 = vector.shape_cast %swap3A_30 : vector<1x16xf32> to vector<16xf32>
      %swap3A_32 = vector.shape_cast %broadcast_in_dim3A_28 : vector<16xf32> to vector<1x16xf32>
      tpu.vector_store %arg8[%swap3A, %swap3A_29], %swap3A_32 {strides = array<i32>} : memref<32x16xf32, #tpu.memory_space<vmem>>, vector<1x16xf32>,
    }
    %scan3A_4 = arith.constant 32 : i32
    %scan3A_5 = arith.constant 0 : i32
    %scan3A_6 = arith.constant 632 : i32
    %scan3A_7 = arith.addi %scan3A_5, %scan3A_6 : i32
    %scan3A_8 = arith.constant 1 : i32
    scf.for %scan3A_23 = %scan3A_5 to %scan3A_7 step %scan3A_8  : i32 {
      %mul3A_24 = arith.constant 1 : i32
      %mul3A_25 = arith.muli %scan3A_23, %mul3A_24 : i32
      %add3A_26 = arith.constant 0 : i32
      %add3A_27 = arith.addi %add3A_26, %mul3A_25 : i32
      %broadcast_in_dim3A = arith.constant 0.000000e+00 : f32
      %broadcast_in_dim3A_28 = vector.broadcast %broadcast_in_dim3A : f32 to vector<16xf32>
      %swap3A = arith.index_cast %add3A_27 : i32 to index
      %swap3A_29 = arith.constant 0 : index
      %swap3A_30 = tpu.vector_load %arg9[%swap3A, %swap3A_29] {strides = array<i32>} : memref<632x16xf32, #tpu.memory_space<vmem>>, vector<1x16xf32>,
      %swap3A_31 = vector.shape_cast %swap3A_30 : vector<1x16xf32> to vector<16xf32>
      %swap3A_32 = vector.shape_cast %broadcast_in_dim3A_28 : vector<16xf32> to vector<1x16xf32>
      tpu.vector_store %arg9[%swap3A, %swap3A_29], %swap3A_32 {strides = array<i32>} : memref<632x16xf32, #tpu.memory_space<vmem>>, vector<1x16xf32>,
    }
    %scan3A_9 = arith.constant 632 : i32
    %mul3A_10 = arith.constant 632 : i32
    %mul3A_11 = arith.muli %arg1, %mul3A_10 : i32
    "tpu.region"() ({
      %run_scoped3A = tpu.sem_alloc : memref<!tpu.dma_semaphore, #tpu.memory_space<semaphore_mem>>
      %dma_start3A = arith.constant 0 : i32
      %dma_start3A_23 = tpu.memref_slice %arg10[%mul3A_11, %dma_start3A] : memref<10112x16xf32, #tpu.memory_space<vmem_shared>> -> memref<632x16xf32, #tpu.memory_space<vmem_shared>>
      %dma_start3A_24 = arith.constant 0 : i32
      %dma_start3A_25 = tpu.memref_slice %arg10[%mul3A_11, %dma_start3A_24] : memref<10112x16xf32, #tpu.memory_space<vmem_shared>> -> memref<632x16xf32, #tpu.memory_space<vmem_shared>>
      tpu.enqueue_dma source(%arg9 : memref<632x16xf32, #tpu.memory_space<vmem>>) target(%dma_start3A_25 : memref<632x16xf32, #tpu.memory_space<vmem_shared>>) target_semaphore(%run_scoped3A : memref<!tpu.dma_semaphore, #tpu.memory_space<semaphore_mem>>)
      %dma_wait3A = arith.constant 0 : i32
      %dma_wait3A_26 = tpu.memref_slice %arg10[%mul3A_11, %dma_wait3A] : memref<10112x16xf32, #tpu.memory_space<vmem_shared>> -> memref<632x16xf32, #tpu.memory_space<vmem_shared>>
      %dma_wait3A_27 = arith.constant 0 : i32
      %dma_wait3A_28 = tpu.memref_slice %arg10[%mul3A_11, %dma_wait3A_27] : memref<10112x16xf32, #tpu.memory_space<vmem_shared>> -> memref<632x16xf32, #tpu.memory_space<vmem_shared>>
      tpu.wait_dma2 semaphore(%run_scoped3A : memref<!tpu.dma_semaphore, #tpu.memory_space<semaphore_mem>>) src(%arg9 : memref<632x16xf32, #tpu.memory_space<vmem>>) dst(%dma_wait3A_28 : memref<632x16xf32, #tpu.memory_space<vmem_shared>>)
      tpu.yield
    }) : () -> ()
    "tpu.region"() ({
      %run_scoped3A = tpu.sem_alloc : memref<!tpu.dma_semaphore, #tpu.memory_space<semaphore_mem>>
      %dma_start3A = arith.constant 0 : i32
      %dma_start3A_23 = tpu.memref_slice %arg11[%mul3A_11, %dma_start3A] : memref<10112x16xf32, #tpu.memory_space<vmem_shared>> -> memref<632x16xf32, #tpu.memory_space<vmem_shared>>
      %dma_start3A_24 = arith.constant 0 : i32
      %dma_start3A_25 = tpu.memref_slice %arg11[%mul3A_11, %dma_start3A_24] : memref<10112x16xf32, #tpu.memory_space<vmem_shared>> -> memref<632x16xf32, #tpu.memory_space<vmem_shared>>
      tpu.enqueue_dma source(%arg9 : memref<632x16xf32, #tpu.memory_space<vmem>>) target(%dma_start3A_25 : memref<632x16xf32, #tpu.memory_space<vmem_shared>>) target_semaphore(%run_scoped3A : memref<!tpu.dma_semaphore, #tpu.memory_space<semaphore_mem>>)
      %dma_wait3A = arith.constant 0 : i32
      %dma_wait3A_26 = tpu.memref_slice %arg11[%mul3A_11, %dma_wait3A] : memref<10112x16xf32, #tpu.memory_space<vmem_shared>> -> memref<632x16xf32, #tpu.memory_space<vmem_shared>>
      %dma_wait3A_27 = arith.constant 0 : i32
      %dma_wait3A_28 = tpu.memref_slice %arg11[%mul3A_11, %dma_wait3A_27] : memref<10112x16xf32, #tpu.memory_space<vmem_shared>> -> memref<632x16xf32, #tpu.memory_space<vmem_shared>>
      tpu.wait_dma2 semaphore(%run_scoped3A : memref<!tpu.dma_semaphore, #tpu.memory_space<semaphore_mem>>) src(%arg9 : memref<632x16xf32, #tpu.memory_space<vmem>>) dst(%dma_wait3A_28 : memref<632x16xf32, #tpu.memory_space<vmem_shared>>)
      tpu.yield
    }) : () -> ()
    %barrier3A = arith.constant 0 : index
    tpu.barrier barrier_id(%barrier3A)
    %scan3A_12 = arith.constant 0 : i32
    %scan3A_13 = arith.constant 324 : i32
    %scan3A_14 = arith.addi %scan3A_12, %scan3A_13 : i32
    %scan3A_15 = arith.constant 1 : i32
    scf.for %scan3A_23 = %scan3A_12 to %scan3A_14 step %scan3A_15  : i32 {
      %mul3A_24 = arith.constant 1 : i32
      %mul3A_25 = arith.muli %scan3A_23, %mul3A_24 : i32
      %add3A_26 = arith.constant 0 : i32
      %add3A_27 = arith.addi %add3A_26, %mul3A_25 : i32
      %dma_start3A = arith.constant 0 : i32
      %dma_start3A_28 = tpu.memref_slice %arg7[%add3A_27, %dma_start3A] : memref<324x32xi32, #tpu.memory_space<vmem>> -> memref<1x32xi32, #tpu.memory_space<vmem>>
      %dma_start3A_29 = tpu.memref_squeeze %dma_start3A_28 : memref<1x32xi32, #tpu.memory_space<vmem>> -> memref<32xi32, #tpu.memory_space<vmem>>
      %dma_start3A_30 = arith.constant 0 : i32
      %dma_start3A_31 = arith.constant 0 : i32
      %dma_start3A_32 = tpu.memref_slice %arg10[%dma_start3A_30, %dma_start3A_31] : memref<10112x16xf32, #tpu.memory_space<vmem_shared>> -> memref<10112x16xf32, #tpu.memory_space<vmem_shared>>
      tpu.enqueue_indirect_dma source(%arg8 : memref<32x16xf32, #tpu.memory_space<vmem>>) target(%dma_start3A_32 : memref<10112x16xf32, #tpu.memory_space<vmem_shared>>) offsets(%dma_start3A_29 : memref<32xi32, #tpu.memory_space<vmem>>) semaphore(%arg12 : memref<!tpu.dma_semaphore, #tpu.memory_space<semaphore_mem>>) {add = true}
      %dma_start3A_33 = arith.constant 0 : i32
      %dma_start3A_34 = tpu.memref_slice %arg6[%add3A_27, %dma_start3A_33] : memref<324x32xi32, #tpu.memory_space<vmem>> -> memref<1x32xi32, #tpu.memory_space<vmem>>
      %dma_start3A_35 = tpu.memref_squeeze %dma_start3A_34 : memref<1x32xi32, #tpu.memory_space<vmem>> -> memref<32xi32, #tpu.memory_space<vmem>>
      %dma_start3A_36 = arith.constant 0 : i32
      %dma_start3A_37 = arith.constant 0 : i32
      %dma_start3A_38 = tpu.memref_slice %arg11[%dma_start3A_36, %dma_start3A_37] : memref<10112x16xf32, #tpu.memory_space<vmem_shared>> -> memref<10112x16xf32, #tpu.memory_space<vmem_shared>>
      tpu.enqueue_indirect_dma source(%arg8 : memref<32x16xf32, #tpu.memory_space<vmem>>) target(%dma_start3A_38 : memref<10112x16xf32, #tpu.memory_space<vmem_shared>>) offsets(%dma_start3A_35 : memref<32xi32, #tpu.memory_space<vmem>>) semaphore(%arg12 : memref<!tpu.dma_semaphore, #tpu.memory_space<semaphore_mem>>) {add = true}
    }
    %scan3A_16 = arith.constant 324 : i32
    %scan3A_17 = arith.constant 0 : i32
    %scan3A_18 = arith.constant 324 : i32
    %scan3A_19 = arith.addi %scan3A_17, %scan3A_18 : i32
    %scan3A_20 = arith.constant 1 : i32
    scf.for %scan3A_23 = %scan3A_17 to %scan3A_19 step %scan3A_20  : i32 {
      %mul3A_24 = arith.constant 1 : i32
      %mul3A_25 = arith.muli %scan3A_23, %mul3A_24 : i32
      %add3A_26 = arith.constant 0 : i32
      %add3A_27 = arith.addi %add3A_26, %mul3A_25 : i32
      %dma_wait3A = arith.constant 0 : i32
      %dma_wait3A_28 = tpu.memref_slice %arg7[%add3A_27, %dma_wait3A] : memref<324x32xi32, #tpu.memory_space<vmem>> -> memref<1x32xi32, #tpu.memory_space<vmem>>
      %dma_wait3A_29 = tpu.memref_squeeze %dma_wait3A_28 : memref<1x32xi32, #tpu.memory_space<vmem>> -> memref<32xi32, #tpu.memory_space<vmem>>
      %dma_wait3A_30 = arith.constant 0 : i32
      %dma_wait3A_31 = arith.constant 0 : i32
      %dma_wait3A_32 = tpu.memref_slice %arg10[%dma_wait3A_30, %dma_wait3A_31] : memref<10112x16xf32, #tpu.memory_space<vmem_shared>> -> memref<10112x16xf32, #tpu.memory_space<vmem_shared>>
      tpu.wait_indirect_dma semaphore(%arg12 : memref<!tpu.dma_semaphore, #tpu.memory_space<semaphore_mem>>) src(%arg8 : memref<32x16xf32, #tpu.memory_space<vmem>>) dst(%dma_wait3A_32 : memref<10112x16xf32, #tpu.memory_space<vmem_shared>>)
      %dma_wait3A_33 = arith.constant 0 : i32
      %dma_wait3A_34 = tpu.memref_slice %arg6[%add3A_27, %dma_wait3A_33] : memref<324x32xi32, #tpu.memory_space<vmem>> -> memref<1x32xi32, #tpu.memory_space<vmem>>
      %dma_wait3A_35 = tpu.memref_squeeze %dma_wait3A_34 : memref<1x32xi32, #tpu.memory_space<vmem>> -> memref<32xi32, #tpu.memory_space<vmem>>
      %dma_wait3A_36 = arith.constant 0 : i32
      %dma_wait3A_37 = arith.constant 0 : i32
      %dma_wait3A_38 = tpu.memref_slice %arg11[%dma_wait3A_36, %dma_wait3A_37] : memref<10112x16xf32, #tpu.memory_space<vmem_shared>> -> memref<10112x16xf32, #tpu.memory_space<vmem_shared>>
      tpu.wait_indirect_dma semaphore(%arg12 : memref<!tpu.dma_semaphore, #tpu.memory_space<semaphore_mem>>) src(%arg8 : memref<32x16xf32, #tpu.memory_space<vmem>>) dst(%dma_wait3A_38 : memref<10112x16xf32, #tpu.memory_space<vmem_shared>>)
    }
    %scan3A_21 = arith.constant 324 : i32
    %barrier3A_22 = arith.constant 0 : index
    tpu.barrier barrier_id(%barrier3A_22)
    "tpu.region"() ({
      %run_scoped3A = tpu.sem_alloc : memref<!tpu.dma_semaphore, #tpu.memory_space<semaphore_mem>>
      %dma_start3A = arith.constant 0 : i32
      %dma_start3A_23 = tpu.memref_slice %arg4[%arg0, %mul3A_11, %dma_start3A] : memref<2x10112x16xf32, #tpu.memory_space<hbm>> -> memref<1x632x16xf32, #tpu.memory_space<hbm>>
      %dma_start3A_24 = tpu.memref_squeeze %dma_start3A_23 : memref<1x632x16xf32, #tpu.memory_space<hbm>> -> memref<632x16xf32, #tpu.memory_space<hbm>>
      %dma_start3A_25 = arith.constant 0 : i32
      %dma_start3A_26 = tpu.memref_slice %arg10[%mul3A_11, %dma_start3A_25] : memref<10112x16xf32, #tpu.memory_space<vmem_shared>> -> memref<632x16xf32, #tpu.memory_space<vmem_shared>>
      tpu.enqueue_dma source(%dma_start3A_26 : memref<632x16xf32, #tpu.memory_space<vmem_shared>>) target(%dma_start3A_24 : memref<632x16xf32, #tpu.memory_space<hbm>>) target_semaphore(%run_scoped3A : memref<!tpu.dma_semaphore, #tpu.memory_space<semaphore_mem>>)
      %dma_wait3A = arith.constant 0 : i32
      %dma_wait3A_27 = tpu.memref_slice %arg4[%arg0, %mul3A_11, %dma_wait3A] : memref<2x10112x16xf32, #tpu.memory_space<hbm>> -> memref<1x632x16xf32, #tpu.memory_space<hbm>>
      %dma_wait3A_28 = tpu.memref_squeeze %dma_wait3A_27 : memref<1x632x16xf32, #tpu.memory_space<hbm>> -> memref<632x16xf32, #tpu.memory_space<hbm>>
      %dma_wait3A_29 = arith.constant 0 : i32
      %dma_wait3A_30 = tpu.memref_slice %arg10[%mul3A_11, %dma_wait3A_29] : memref<10112x16xf32, #tpu.memory_space<vmem_shared>> -> memref<632x16xf32, #tpu.memory_space<vmem_shared>>
      tpu.wait_dma2 semaphore(%run_scoped3A : memref<!tpu.dma_semaphore, #tpu.memory_space<semaphore_mem>>) src(%dma_wait3A_30 : memref<632x16xf32, #tpu.memory_space<vmem_shared>>) dst(%dma_wait3A_28 : memref<632x16xf32, #tpu.memory_space<hbm>>)
      tpu.yield
    }) : () -> ()
    "tpu.region"() ({
      %run_scoped3A = tpu.sem_alloc : memref<!tpu.dma_semaphore, #tpu.memory_space<semaphore_mem>>
      %dma_start3A = arith.constant 0 : i32
      %dma_start3A_23 = tpu.memref_slice %arg5[%arg0, %mul3A_11, %dma_start3A] : memref<2x10112x16xf32, #tpu.memory_space<hbm>> -> memref<1x632x16xf32, #tpu.memory_space<hbm>>
      %dma_start3A_24 = tpu.memref_squeeze %dma_start3A_23 : memref<1x632x16xf32, #tpu.memory_space<hbm>> -> memref<632x16xf32, #tpu.memory_space<hbm>>
      %dma_start3A_25 = arith.constant 0 : i32
      %dma_start3A_26 = tpu.memref_slice %arg11[%mul3A_11, %dma_start3A_25] : memref<10112x16xf32, #tpu.memory_space<vmem_shared>> -> memref<632x16xf32, #tpu.memory_space<vmem_shared>>
      tpu.enqueue_dma source(%dma_start3A_26 : memref<632x16xf32, #tpu.memory_space<vmem_shared>>) target(%dma_start3A_24 : memref<632x16xf32, #tpu.memory_space<hbm>>) target_semaphore(%run_scoped3A : memref<!tpu.dma_semaphore, #tpu.memory_space<semaphore_mem>>)
      %dma_wait3A = arith.constant 0 : i32
      %dma_wait3A_27 = tpu.memref_slice %arg5[%arg0, %mul3A_11, %dma_wait3A] : memref<2x10112x16xf32, #tpu.memory_space<hbm>> -> memref<1x632x16xf32, #tpu.memory_space<hbm>>
      %dma_wait3A_28 = tpu.memref_squeeze %dma_wait3A_27 : memref<1x632x16xf32, #tpu.memory_space<hbm>> -> memref<632x16xf32, #tpu.memory_space<hbm>>
      %dma_wait3A_29 = arith.constant 0 : i32
      %dma_wait3A_30 = tpu.memref_slice %arg11[%mul3A_11, %dma_wait3A_29] : memref<10112x16xf32, #tpu.memory_space<vmem_shared>> -> memref<632x16xf32, #tpu.memory_space<vmem_shared>>
      tpu.wait_dma2 semaphore(%run_scoped3A : memref<!tpu.dma_semaphore, #tpu.memory_space<semaphore_mem>>) src(%dma_wait3A_30 : memref<632x16xf32, #tpu.memory_space<vmem_shared>>) dst(%dma_wait3A_28 : memref<632x16xf32, #tpu.memory_space<hbm>>)
      tpu.yield
    }) : () -> ()
    return
  }
}

#map = affine_map<(d0, d1) -> (0, 0)>
#map1 = affine_map<(d0, d1) -> (0, 0, 0)>
module attributes {stable_mosaic.version = 14 : i64} {
  func.func @_agg_body(%arg0: i32, %arg1: i32, %arg2: memref<10112x128xf32, #tpu.memory_space<hbm>>, %arg3: memref<32x324x32xi32, #tpu.memory_space<hbm>>, %arg4: memref<32x324x32xi32, #tpu.memory_space<hbm>>, %arg5: memref<2x10112x128xf32, #tpu.memory_space<hbm>>, %arg6: memref<324x32xi32, #tpu.memory_space<vmem>>, %arg7: memref<324x32xi32, #tpu.memory_space<vmem>>, %arg8: memref<6x32x128xf32, #tpu.memory_space<vmem>>, %arg9: memref<32x128xf32, #tpu.memory_space<vmem>>, %arg10: memref<10112x128xf32, #tpu.memory_space<vmem_shared>>, %arg11: memref<6x!tpu.dma_semaphore, #tpu.memory_space<semaphore_mem>>, %arg12: memref<6x!tpu.dma_semaphore, #tpu.memory_space<semaphore_mem>>) attributes {dimension_semantics = [#tpu.dimension_semantics<core_parallel>, #tpu.dimension_semantics<subcore_parallel>], iteration_bounds = array<i64: 2, 16>, scalar_prefetch = 0 : i64, scratch_operands = 7 : i64, tpu.core_type = #tpu.core_type<sc_vector_subcore>, window_params = [{transform_indices = #map}, {transform_indices = #map1}, {transform_indices = #map1}, {transform_indices = #map1}]} {
    %mul3A = arith.constant 16 : i32
    %mul3A_0 = arith.muli %arg0, %mul3A : i32
    %add3A = arith.addi %mul3A_0, %arg1 : i32
    "tpu.region"() ({
      %run_scoped3A = tpu.sem_alloc : memref<!tpu.dma_semaphore, #tpu.memory_space<semaphore_mem>>
      %dma_start3A_109 = arith.constant 0 : i32
      %dma_start3A_110 = arith.constant 0 : i32
      %dma_start3A_111 = tpu.memref_slice %arg3[%add3A, %dma_start3A_109, %dma_start3A_110] : memref<32x324x32xi32, #tpu.memory_space<hbm>> -> memref<1x324x32xi32, #tpu.memory_space<hbm>>
      %dma_start3A_112 = tpu.memref_squeeze %dma_start3A_111 : memref<1x324x32xi32, #tpu.memory_space<hbm>> -> memref<324x32xi32, #tpu.memory_space<hbm>>
      %dma_start3A_113 = arith.constant 0 : i32
      %dma_start3A_114 = arith.constant 0 : i32
      %dma_start3A_115 = tpu.memref_slice %arg3[%add3A, %dma_start3A_113, %dma_start3A_114] : memref<32x324x32xi32, #tpu.memory_space<hbm>> -> memref<1x324x32xi32, #tpu.memory_space<hbm>>
      %dma_start3A_116 = tpu.memref_squeeze %dma_start3A_115 : memref<1x324x32xi32, #tpu.memory_space<hbm>> -> memref<324x32xi32, #tpu.memory_space<hbm>>
      tpu.enqueue_dma source(%dma_start3A_116 : memref<324x32xi32, #tpu.memory_space<hbm>>) target(%arg6 : memref<324x32xi32, #tpu.memory_space<vmem>>) target_semaphore(%run_scoped3A : memref<!tpu.dma_semaphore, #tpu.memory_space<semaphore_mem>>)
      %dma_wait3A = arith.constant 0 : i32
      %dma_wait3A_117 = arith.constant 0 : i32
      %dma_wait3A_118 = tpu.memref_slice %arg3[%add3A, %dma_wait3A, %dma_wait3A_117] : memref<32x324x32xi32, #tpu.memory_space<hbm>> -> memref<1x324x32xi32, #tpu.memory_space<hbm>>
      %dma_wait3A_119 = tpu.memref_squeeze %dma_wait3A_118 : memref<1x324x32xi32, #tpu.memory_space<hbm>> -> memref<324x32xi32, #tpu.memory_space<hbm>>
      %dma_wait3A_120 = arith.constant 0 : i32
      %dma_wait3A_121 = arith.constant 0 : i32
      %dma_wait3A_122 = tpu.memref_slice %arg3[%add3A, %dma_wait3A_120, %dma_wait3A_121] : memref<32x324x32xi32, #tpu.memory_space<hbm>> -> memref<1x324x32xi32, #tpu.memory_space<hbm>>
      %dma_wait3A_123 = tpu.memref_squeeze %dma_wait3A_122 : memref<1x324x32xi32, #tpu.memory_space<hbm>> -> memref<324x32xi32, #tpu.memory_space<hbm>>
      tpu.wait_dma2 semaphore(%run_scoped3A : memref<!tpu.dma_semaphore, #tpu.memory_space<semaphore_mem>>) src(%dma_wait3A_123 : memref<324x32xi32, #tpu.memory_space<hbm>>) dst(%arg6 : memref<324x32xi32, #tpu.memory_space<vmem>>)
      tpu.yield
    }) : () -> ()
    "tpu.region"() ({
      %run_scoped3A = tpu.sem_alloc : memref<!tpu.dma_semaphore, #tpu.memory_space<semaphore_mem>>
      %dma_start3A_109 = arith.constant 0 : i32
      %dma_start3A_110 = arith.constant 0 : i32
      %dma_start3A_111 = tpu.memref_slice %arg4[%add3A, %dma_start3A_109, %dma_start3A_110] : memref<32x324x32xi32, #tpu.memory_space<hbm>> -> memref<1x324x32xi32, #tpu.memory_space<hbm>>
      %dma_start3A_112 = tpu.memref_squeeze %dma_start3A_111 : memref<1x324x32xi32, #tpu.memory_space<hbm>> -> memref<324x32xi32, #tpu.memory_space<hbm>>
      %dma_start3A_113 = arith.constant 0 : i32
      %dma_start3A_114 = arith.constant 0 : i32
      %dma_start3A_115 = tpu.memref_slice %arg4[%add3A, %dma_start3A_113, %dma_start3A_114] : memref<32x324x32xi32, #tpu.memory_space<hbm>> -> memref<1x324x32xi32, #tpu.memory_space<hbm>>
      %dma_start3A_116 = tpu.memref_squeeze %dma_start3A_115 : memref<1x324x32xi32, #tpu.memory_space<hbm>> -> memref<324x32xi32, #tpu.memory_space<hbm>>
      tpu.enqueue_dma source(%dma_start3A_116 : memref<324x32xi32, #tpu.memory_space<hbm>>) target(%arg7 : memref<324x32xi32, #tpu.memory_space<vmem>>) target_semaphore(%run_scoped3A : memref<!tpu.dma_semaphore, #tpu.memory_space<semaphore_mem>>)
      %dma_wait3A = arith.constant 0 : i32
      %dma_wait3A_117 = arith.constant 0 : i32
      %dma_wait3A_118 = tpu.memref_slice %arg4[%add3A, %dma_wait3A, %dma_wait3A_117] : memref<32x324x32xi32, #tpu.memory_space<hbm>> -> memref<1x324x32xi32, #tpu.memory_space<hbm>>
      %dma_wait3A_119 = tpu.memref_squeeze %dma_wait3A_118 : memref<1x324x32xi32, #tpu.memory_space<hbm>> -> memref<324x32xi32, #tpu.memory_space<hbm>>
      %dma_wait3A_120 = arith.constant 0 : i32
      %dma_wait3A_121 = arith.constant 0 : i32
      %dma_wait3A_122 = tpu.memref_slice %arg4[%add3A, %dma_wait3A_120, %dma_wait3A_121] : memref<32x324x32xi32, #tpu.memory_space<hbm>> -> memref<1x324x32xi32, #tpu.memory_space<hbm>>
      %dma_wait3A_123 = tpu.memref_squeeze %dma_wait3A_122 : memref<1x324x32xi32, #tpu.memory_space<hbm>> -> memref<324x32xi32, #tpu.memory_space<hbm>>
      tpu.wait_dma2 semaphore(%run_scoped3A : memref<!tpu.dma_semaphore, #tpu.memory_space<semaphore_mem>>) src(%dma_wait3A_123 : memref<324x32xi32, #tpu.memory_space<hbm>>) dst(%arg7 : memref<324x32xi32, #tpu.memory_space<vmem>>)
      tpu.yield
    }) : () -> ()
    %scan3A = arith.constant 0 : i32
    %scan3A_1 = arith.constant 32 : i32
    %scan3A_2 = arith.addi %scan3A, %scan3A_1 : i32
    %scan3A_3 = arith.constant 1 : i32
    scf.for %scan3A_109 = %scan3A to %scan3A_2 step %scan3A_3  : i32 {
      %mul3A_110 = arith.constant 1 : i32
      %mul3A_111 = arith.muli %scan3A_109, %mul3A_110 : i32
      %add3A_112 = arith.constant 0 : i32
      %add3A_113 = arith.addi %add3A_112, %mul3A_111 : i32
      %broadcast_in_dim3A = arith.constant 0.000000e+00 : f32
      %broadcast_in_dim3A_114 = vector.broadcast %broadcast_in_dim3A : f32 to vector<16xf32>
      %swap3A = arith.index_cast %add3A_113 : i32 to index
      %swap3A_115 = arith.constant 0 : index
      %swap3A_116 = tpu.vector_load %arg9[%swap3A, %swap3A_115] {strides = array<i32>} : memref<32x128xf32, #tpu.memory_space<vmem>>, vector<1x16xf32>,
      %swap3A_117 = vector.shape_cast %swap3A_116 : vector<1x16xf32> to vector<16xf32>
      %swap3A_118 = vector.shape_cast %broadcast_in_dim3A_114 : vector<16xf32> to vector<1x16xf32>
      tpu.vector_store %arg9[%swap3A, %swap3A_115], %swap3A_118 {strides = array<i32>} : memref<32x128xf32, #tpu.memory_space<vmem>>, vector<1x16xf32>,
      %broadcast_in_dim3A_119 = arith.constant 0.000000e+00 : f32
      %broadcast_in_dim3A_120 = vector.broadcast %broadcast_in_dim3A_119 : f32 to vector<16xf32>
      %swap3A_121 = arith.index_cast %add3A_113 : i32 to index
      %swap3A_122 = arith.constant 16 : index
      %swap3A_123 = tpu.vector_load %arg9[%swap3A_121, %swap3A_122] {strides = array<i32>} : memref<32x128xf32, #tpu.memory_space<vmem>>, vector<1x16xf32>,
      %swap3A_124 = vector.shape_cast %swap3A_123 : vector<1x16xf32> to vector<16xf32>
      %swap3A_125 = vector.shape_cast %broadcast_in_dim3A_120 : vector<16xf32> to vector<1x16xf32>
      tpu.vector_store %arg9[%swap3A_121, %swap3A_122], %swap3A_125 {strides = array<i32>} : memref<32x128xf32, #tpu.memory_space<vmem>>, vector<1x16xf32>,
      %broadcast_in_dim3A_126 = arith.constant 0.000000e+00 : f32
      %broadcast_in_dim3A_127 = vector.broadcast %broadcast_in_dim3A_126 : f32 to vector<16xf32>
      %swap3A_128 = arith.index_cast %add3A_113 : i32 to index
      %swap3A_129 = arith.constant 32 : index
      %swap3A_130 = tpu.vector_load %arg9[%swap3A_128, %swap3A_129] {strides = array<i32>} : memref<32x128xf32, #tpu.memory_space<vmem>>, vector<1x16xf32>,
      %swap3A_131 = vector.shape_cast %swap3A_130 : vector<1x16xf32> to vector<16xf32>
      %swap3A_132 = vector.shape_cast %broadcast_in_dim3A_127 : vector<16xf32> to vector<1x16xf32>
      tpu.vector_store %arg9[%swap3A_128, %swap3A_129], %swap3A_132 {strides = array<i32>} : memref<32x128xf32, #tpu.memory_space<vmem>>, vector<1x16xf32>,
      %broadcast_in_dim3A_133 = arith.constant 0.000000e+00 : f32
      %broadcast_in_dim3A_134 = vector.broadcast %broadcast_in_dim3A_133 : f32 to vector<16xf32>
      %swap3A_135 = arith.index_cast %add3A_113 : i32 to index
      %swap3A_136 = arith.constant 48 : index
      %swap3A_137 = tpu.vector_load %arg9[%swap3A_135, %swap3A_136] {strides = array<i32>} : memref<32x128xf32, #tpu.memory_space<vmem>>, vector<1x16xf32>,
      %swap3A_138 = vector.shape_cast %swap3A_137 : vector<1x16xf32> to vector<16xf32>
      %swap3A_139 = vector.shape_cast %broadcast_in_dim3A_134 : vector<16xf32> to vector<1x16xf32>
      tpu.vector_store %arg9[%swap3A_135, %swap3A_136], %swap3A_139 {strides = array<i32>} : memref<32x128xf32, #tpu.memory_space<vmem>>, vector<1x16xf32>,
      %broadcast_in_dim3A_140 = arith.constant 0.000000e+00 : f32
      %broadcast_in_dim3A_141 = vector.broadcast %broadcast_in_dim3A_140 : f32 to vector<16xf32>
      %swap3A_142 = arith.index_cast %add3A_113 : i32 to index
      %swap3A_143 = arith.constant 64 : index
      %swap3A_144 = tpu.vector_load %arg9[%swap3A_142, %swap3A_143] {strides = array<i32>} : memref<32x128xf32, #tpu.memory_space<vmem>>, vector<1x16xf32>,
      %swap3A_145 = vector.shape_cast %swap3A_144 : vector<1x16xf32> to vector<16xf32>
      %swap3A_146 = vector.shape_cast %broadcast_in_dim3A_141 : vector<16xf32> to vector<1x16xf32>
      tpu.vector_store %arg9[%swap3A_142, %swap3A_143], %swap3A_146 {strides = array<i32>} : memref<32x128xf32, #tpu.memory_space<vmem>>, vector<1x16xf32>,
      %broadcast_in_dim3A_147 = arith.constant 0.000000e+00 : f32
      %broadcast_in_dim3A_148 = vector.broadcast %broadcast_in_dim3A_147 : f32 to vector<16xf32>
      %swap3A_149 = arith.index_cast %add3A_113 : i32 to index
      %swap3A_150 = arith.constant 80 : index
      %swap3A_151 = tpu.vector_load %arg9[%swap3A_149, %swap3A_150] {strides = array<i32>} : memref<32x128xf32, #tpu.memory_space<vmem>>, vector<1x16xf32>,
      %swap3A_152 = vector.shape_cast %swap3A_151 : vector<1x16xf32> to vector<16xf32>
      %swap3A_153 = vector.shape_cast %broadcast_in_dim3A_148 : vector<16xf32> to vector<1x16xf32>
      tpu.vector_store %arg9[%swap3A_149, %swap3A_150], %swap3A_153 {strides = array<i32>} : memref<32x128xf32, #tpu.memory_space<vmem>>, vector<1x16xf32>,
      %broadcast_in_dim3A_154 = arith.constant 0.000000e+00 : f32
      %broadcast_in_dim3A_155 = vector.broadcast %broadcast_in_dim3A_154 : f32 to vector<16xf32>
      %swap3A_156 = arith.index_cast %add3A_113 : i32 to index
      %swap3A_157 = arith.constant 96 : index
      %swap3A_158 = tpu.vector_load %arg9[%swap3A_156, %swap3A_157] {strides = array<i32>} : memref<32x128xf32, #tpu.memory_space<vmem>>, vector<1x16xf32>,
      %swap3A_159 = vector.shape_cast %swap3A_158 : vector<1x16xf32> to vector<16xf32>
      %swap3A_160 = vector.shape_cast %broadcast_in_dim3A_155 : vector<16xf32> to vector<1x16xf32>
      tpu.vector_store %arg9[%swap3A_156, %swap3A_157], %swap3A_160 {strides = array<i32>} : memref<32x128xf32, #tpu.memory_space<vmem>>, vector<1x16xf32>,
      %broadcast_in_dim3A_161 = arith.constant 0.000000e+00 : f32
      %broadcast_in_dim3A_162 = vector.broadcast %broadcast_in_dim3A_161 : f32 to vector<16xf32>
      %swap3A_163 = arith.index_cast %add3A_113 : i32 to index
      %swap3A_164 = arith.constant 112 : index
      %swap3A_165 = tpu.vector_load %arg9[%swap3A_163, %swap3A_164] {strides = array<i32>} : memref<32x128xf32, #tpu.memory_space<vmem>>, vector<1x16xf32>,
      %swap3A_166 = vector.shape_cast %swap3A_165 : vector<1x16xf32> to vector<16xf32>
      %swap3A_167 = vector.shape_cast %broadcast_in_dim3A_162 : vector<16xf32> to vector<1x16xf32>
      tpu.vector_store %arg9[%swap3A_163, %swap3A_164], %swap3A_167 {strides = array<i32>} : memref<32x128xf32, #tpu.memory_space<vmem>>, vector<1x16xf32>,
    }
    %scan3A_4 = arith.constant 32 : i32
    %mul3A_5 = arith.constant 632 : i32
    %mul3A_6 = arith.muli %arg1, %mul3A_5 : i32
    %scan3A_7 = arith.constant 0 : i32
    %scan3A_8 = arith.constant 19 : i32
    %scan3A_9 = arith.addi %scan3A_7, %scan3A_8 : i32
    %scan3A_10 = arith.constant 1 : i32
    scf.for %scan3A_109 = %scan3A_7 to %scan3A_9 step %scan3A_10  : i32 {
      %mul3A_110 = arith.constant 1 : i32
      %mul3A_111 = arith.muli %scan3A_109, %mul3A_110 : i32
      %add3A_112 = arith.constant 0 : i32
      %add3A_113 = arith.addi %add3A_112, %mul3A_111 : i32
      %mul3A_114 = arith.constant 32 : i32
      %mul3A_115 = arith.muli %add3A_113, %mul3A_114 : i32
      %add3A_116 = arith.addi %mul3A_6, %mul3A_115 : i32
      "tpu.region"() ({
        %run_scoped3A = tpu.sem_alloc : memref<!tpu.dma_semaphore, #tpu.memory_space<semaphore_mem>>
        %dma_start3A_117 = arith.constant 0 : i32
        %dma_start3A_118 = tpu.memref_slice %arg10[%add3A_116, %dma_start3A_117] : memref<10112x128xf32, #tpu.memory_space<vmem_shared>> -> memref<32x128xf32, #tpu.memory_space<vmem_shared>>
        %dma_start3A_119 = arith.constant 0 : i32
        %dma_start3A_120 = tpu.memref_slice %arg10[%add3A_116, %dma_start3A_119] : memref<10112x128xf32, #tpu.memory_space<vmem_shared>> -> memref<32x128xf32, #tpu.memory_space<vmem_shared>>
        tpu.enqueue_dma source(%arg9 : memref<32x128xf32, #tpu.memory_space<vmem>>) target(%dma_start3A_120 : memref<32x128xf32, #tpu.memory_space<vmem_shared>>) target_semaphore(%run_scoped3A : memref<!tpu.dma_semaphore, #tpu.memory_space<semaphore_mem>>)
        %dma_wait3A = arith.constant 0 : i32
        %dma_wait3A_121 = tpu.memref_slice %arg10[%add3A_116, %dma_wait3A] : memref<10112x128xf32, #tpu.memory_space<vmem_shared>> -> memref<32x128xf32, #tpu.memory_space<vmem_shared>>
        %dma_wait3A_122 = arith.constant 0 : i32
        %dma_wait3A_123 = tpu.memref_slice %arg10[%add3A_116, %dma_wait3A_122] : memref<10112x128xf32, #tpu.memory_space<vmem_shared>> -> memref<32x128xf32, #tpu.memory_space<vmem_shared>>
        tpu.wait_dma2 semaphore(%run_scoped3A : memref<!tpu.dma_semaphore, #tpu.memory_space<semaphore_mem>>) src(%arg9 : memref<32x128xf32, #tpu.memory_space<vmem>>) dst(%dma_wait3A_123 : memref<32x128xf32, #tpu.memory_space<vmem_shared>>)
        tpu.yield
      }) : () -> ()
    }
    %scan3A_11 = arith.constant 19 : i32
    %add3A_12 = arith.constant 608 : i32
    %add3A_13 = arith.addi %mul3A_6, %add3A_12 : i32
    "tpu.region"() ({
      %run_scoped3A = tpu.sem_alloc : memref<!tpu.dma_semaphore, #tpu.memory_space<semaphore_mem>>
      %dma_start3A_109 = arith.constant 0 : i32
      %dma_start3A_110 = arith.constant 0 : i32
      %dma_start3A_111 = tpu.memref_slice %arg9[%dma_start3A_109, %dma_start3A_110] : memref<32x128xf32, #tpu.memory_space<vmem>> -> memref<24x128xf32, #tpu.memory_space<vmem>>
      %dma_start3A_112 = arith.constant 0 : i32
      %dma_start3A_113 = tpu.memref_slice %arg10[%add3A_13, %dma_start3A_112] : memref<10112x128xf32, #tpu.memory_space<vmem_shared>> -> memref<24x128xf32, #tpu.memory_space<vmem_shared>>
      %dma_start3A_114 = arith.constant 0 : i32
      %dma_start3A_115 = tpu.memref_slice %arg10[%add3A_13, %dma_start3A_114] : memref<10112x128xf32, #tpu.memory_space<vmem_shared>> -> memref<24x128xf32, #tpu.memory_space<vmem_shared>>
      %dma_start3A_116 = arith.constant 0 : i32
      %dma_start3A_117 = arith.constant 0 : i32
      %dma_start3A_118 = tpu.memref_slice %arg9[%dma_start3A_116, %dma_start3A_117] : memref<32x128xf32, #tpu.memory_space<vmem>> -> memref<24x128xf32, #tpu.memory_space<vmem>>
      tpu.enqueue_dma source(%dma_start3A_118 : memref<24x128xf32, #tpu.memory_space<vmem>>) target(%dma_start3A_115 : memref<24x128xf32, #tpu.memory_space<vmem_shared>>) target_semaphore(%run_scoped3A : memref<!tpu.dma_semaphore, #tpu.memory_space<semaphore_mem>>)
      %dma_wait3A = arith.constant 0 : i32
      %dma_wait3A_119 = arith.constant 0 : i32
      %dma_wait3A_120 = tpu.memref_slice %arg9[%dma_wait3A, %dma_wait3A_119] : memref<32x128xf32, #tpu.memory_space<vmem>> -> memref<24x128xf32, #tpu.memory_space<vmem>>
      %dma_wait3A_121 = arith.constant 0 : i32
      %dma_wait3A_122 = tpu.memref_slice %arg10[%add3A_13, %dma_wait3A_121] : memref<10112x128xf32, #tpu.memory_space<vmem_shared>> -> memref<24x128xf32, #tpu.memory_space<vmem_shared>>
      %dma_wait3A_123 = arith.constant 0 : i32
      %dma_wait3A_124 = tpu.memref_slice %arg10[%add3A_13, %dma_wait3A_123] : memref<10112x128xf32, #tpu.memory_space<vmem_shared>> -> memref<24x128xf32, #tpu.memory_space<vmem_shared>>
      %dma_wait3A_125 = arith.constant 0 : i32
      %dma_wait3A_126 = arith.constant 0 : i32
      %dma_wait3A_127 = tpu.memref_slice %arg9[%dma_wait3A_125, %dma_wait3A_126] : memref<32x128xf32, #tpu.memory_space<vmem>> -> memref<24x128xf32, #tpu.memory_space<vmem>>
      tpu.wait_dma2 semaphore(%run_scoped3A : memref<!tpu.dma_semaphore, #tpu.memory_space<semaphore_mem>>) src(%dma_wait3A_127 : memref<24x128xf32, #tpu.memory_space<vmem>>) dst(%dma_wait3A_124 : memref<24x128xf32, #tpu.memory_space<vmem_shared>>)
      tpu.yield
    }) : () -> ()
    %barrier3A = arith.constant 0 : index
    tpu.barrier barrier_id(%barrier3A)
    %dma_start3A = arith.constant 0 : i32
    %dma_start3A_14 = arith.constant 0 : i32
    %dma_start3A_15 = arith.constant 0 : i32
    %dma_start3A_16 = arith.constant 0 : i32
    %dma_start3A_17 = arith.constant 0 : i32
    %dma_start3A_18 = tpu.memref_slice %arg8[%dma_start3A_14, %dma_start3A_16, %dma_start3A_17] : memref<6x32x128xf32, #tpu.memory_space<vmem>> -> memref<1x32x128xf32, #tpu.memory_space<vmem>>
    %dma_start3A_19 = tpu.memref_squeeze %dma_start3A_18 : memref<1x32x128xf32, #tpu.memory_space<vmem>> -> memref<32x128xf32, #tpu.memory_space<vmem>>
    %dma_start3A_20 = arith.constant 0 : i32
    %dma_start3A_21 = tpu.memref_slice %arg6[%dma_start3A, %dma_start3A_20] : memref<324x32xi32, #tpu.memory_space<vmem>> -> memref<1x32xi32, #tpu.memory_space<vmem>>
    %dma_start3A_22 = tpu.memref_squeeze %dma_start3A_21 : memref<1x32xi32, #tpu.memory_space<vmem>> -> memref<32xi32, #tpu.memory_space<vmem>>
    %dma_start3A_23 = arith.constant 0 : i32
    %dma_start3A_24 = arith.constant 0 : i32
    %dma_start3A_25 = tpu.memref_slice %arg2[%dma_start3A_23, %dma_start3A_24] : memref<10112x128xf32, #tpu.memory_space<hbm>> -> memref<10112x128xf32, #tpu.memory_space<hbm>>
    %dma_start3A_26 = tpu.memref_slice %arg11[%dma_start3A_15] : memref<6x!tpu.dma_semaphore, #tpu.memory_space<semaphore_mem>> -> memref<1x!tpu.dma_semaphore, #tpu.memory_space<semaphore_mem>>
    %dma_start3A_27 = tpu.memref_squeeze %dma_start3A_26 : memref<1x!tpu.dma_semaphore, #tpu.memory_space<semaphore_mem>> -> memref<!tpu.dma_semaphore, #tpu.memory_space<semaphore_mem>>
    tpu.enqueue_indirect_dma source(%dma_start3A_25 : memref<10112x128xf32, #tpu.memory_space<hbm>>) target(%dma_start3A_19 : memref<32x128xf32, #tpu.memory_space<vmem>>) offsets(%dma_start3A_22 : memref<32xi32, #tpu.memory_space<vmem>>) semaphore(%dma_start3A_27 : memref<!tpu.dma_semaphore, #tpu.memory_space<semaphore_mem>>)
    %dma_start3A_28 = arith.constant 1 : i32
    %dma_start3A_29 = arith.constant 1 : i32
    %dma_start3A_30 = arith.constant 1 : i32
    %dma_start3A_31 = arith.constant 0 : i32
    %dma_start3A_32 = arith.constant 0 : i32
    %dma_start3A_33 = tpu.memref_slice %arg8[%dma_start3A_29, %dma_start3A_31, %dma_start3A_32] : memref<6x32x128xf32, #tpu.memory_space<vmem>> -> memref<1x32x128xf32, #tpu.memory_space<vmem>>
    %dma_start3A_34 = tpu.memref_squeeze %dma_start3A_33 : memref<1x32x128xf32, #tpu.memory_space<vmem>> -> memref<32x128xf32, #tpu.memory_space<vmem>>
    %dma_start3A_35 = arith.constant 0 : i32
    %dma_start3A_36 = tpu.memref_slice %arg6[%dma_start3A_28, %dma_start3A_35] : memref<324x32xi32, #tpu.memory_space<vmem>> -> memref<1x32xi32, #tpu.memory_space<vmem>>
    %dma_start3A_37 = tpu.memref_squeeze %dma_start3A_36 : memref<1x32xi32, #tpu.memory_space<vmem>> -> memref<32xi32, #tpu.memory_space<vmem>>
    %dma_start3A_38 = arith.constant 0 : i32
    %dma_start3A_39 = arith.constant 0 : i32
    %dma_start3A_40 = tpu.memref_slice %arg2[%dma_start3A_38, %dma_start3A_39] : memref<10112x128xf32, #tpu.memory_space<hbm>> -> memref<10112x128xf32, #tpu.memory_space<hbm>>
    %dma_start3A_41 = tpu.memref_slice %arg11[%dma_start3A_30] : memref<6x!tpu.dma_semaphore, #tpu.memory_space<semaphore_mem>> -> memref<1x!tpu.dma_semaphore, #tpu.memory_space<semaphore_mem>>
    %dma_start3A_42 = tpu.memref_squeeze %dma_start3A_41 : memref<1x!tpu.dma_semaphore, #tpu.memory_space<semaphore_mem>> -> memref<!tpu.dma_semaphore, #tpu.memory_space<semaphore_mem>>
    tpu.enqueue_indirect_dma source(%dma_start3A_40 : memref<10112x128xf32, #tpu.memory_space<hbm>>) target(%dma_start3A_34 : memref<32x128xf32, #tpu.memory_space<vmem>>) offsets(%dma_start3A_37 : memref<32xi32, #tpu.memory_space<vmem>>) semaphore(%dma_start3A_42 : memref<!tpu.dma_semaphore, #tpu.memory_space<semaphore_mem>>)
    %dma_start3A_43 = arith.constant 2 : i32
    %dma_start3A_44 = arith.constant 2 : i32
    %dma_start3A_45 = arith.constant 2 : i32
    %dma_start3A_46 = arith.constant 0 : i32
    %dma_start3A_47 = arith.constant 0 : i32
    %dma_start3A_48 = tpu.memref_slice %arg8[%dma_start3A_44, %dma_start3A_46, %dma_start3A_47] : memref<6x32x128xf32, #tpu.memory_space<vmem>> -> memref<1x32x128xf32, #tpu.memory_space<vmem>>
    %dma_start3A_49 = tpu.memref_squeeze %dma_start3A_48 : memref<1x32x128xf32, #tpu.memory_space<vmem>> -> memref<32x128xf32, #tpu.memory_space<vmem>>
    %dma_start3A_50 = arith.constant 0 : i32
    %dma_start3A_51 = tpu.memref_slice %arg6[%dma_start3A_43, %dma_start3A_50] : memref<324x32xi32, #tpu.memory_space<vmem>> -> memref<1x32xi32, #tpu.memory_space<vmem>>
    %dma_start3A_52 = tpu.memref_squeeze %dma_start3A_51 : memref<1x32xi32, #tpu.memory_space<vmem>> -> memref<32xi32, #tpu.memory_space<vmem>>
    %dma_start3A_53 = arith.constant 0 : i32
    %dma_start3A_54 = arith.constant 0 : i32
    %dma_start3A_55 = tpu.memref_slice %arg2[%dma_start3A_53, %dma_start3A_54] : memref<10112x128xf32, #tpu.memory_space<hbm>> -> memref<10112x128xf32, #tpu.memory_space<hbm>>
    %dma_start3A_56 = tpu.memref_slice %arg11[%dma_start3A_45] : memref<6x!tpu.dma_semaphore, #tpu.memory_space<semaphore_mem>> -> memref<1x!tpu.dma_semaphore, #tpu.memory_space<semaphore_mem>>
    %dma_start3A_57 = tpu.memref_squeeze %dma_start3A_56 : memref<1x!tpu.dma_semaphore, #tpu.memory_space<semaphore_mem>> -> memref<!tpu.dma_semaphore, #tpu.memory_space<semaphore_mem>>
    tpu.enqueue_indirect_dma source(%dma_start3A_55 : memref<10112x128xf32, #tpu.memory_space<hbm>>) target(%dma_start3A_49 : memref<32x128xf32, #tpu.memory_space<vmem>>) offsets(%dma_start3A_52 : memref<32xi32, #tpu.memory_space<vmem>>) semaphore(%dma_start3A_57 : memref<!tpu.dma_semaphore, #tpu.memory_space<semaphore_mem>>)
    %dma_start3A_58 = arith.constant 3 : i32
    %dma_start3A_59 = arith.constant 3 : i32
    %dma_start3A_60 = arith.constant 3 : i32
    %dma_start3A_61 = arith.constant 0 : i32
    %dma_start3A_62 = arith.constant 0 : i32
    %dma_start3A_63 = tpu.memref_slice %arg8[%dma_start3A_59, %dma_start3A_61, %dma_start3A_62] : memref<6x32x128xf32, #tpu.memory_space<vmem>> -> memref<1x32x128xf32, #tpu.memory_space<vmem>>
    %dma_start3A_64 = tpu.memref_squeeze %dma_start3A_63 : memref<1x32x128xf32, #tpu.memory_space<vmem>> -> memref<32x128xf32, #tpu.memory_space<vmem>>
    %dma_start3A_65 = arith.constant 0 : i32
    %dma_start3A_66 = tpu.memref_slice %arg6[%dma_start3A_58, %dma_start3A_65] : memref<324x32xi32, #tpu.memory_space<vmem>> -> memref<1x32xi32, #tpu.memory_space<vmem>>
    %dma_start3A_67 = tpu.memref_squeeze %dma_start3A_66 : memref<1x32xi32, #tpu.memory_space<vmem>> -> memref<32xi32, #tpu.memory_space<vmem>>
    %dma_start3A_68 = arith.constant 0 : i32
    %dma_start3A_69 = arith.constant 0 : i32
    %dma_start3A_70 = tpu.memref_slice %arg2[%dma_start3A_68, %dma_start3A_69] : memref<10112x128xf32, #tpu.memory_space<hbm>> -> memref<10112x128xf32, #tpu.memory_space<hbm>>
    %dma_start3A_71 = tpu.memref_slice %arg11[%dma_start3A_60] : memref<6x!tpu.dma_semaphore, #tpu.memory_space<semaphore_mem>> -> memref<1x!tpu.dma_semaphore, #tpu.memory_space<semaphore_mem>>
    %dma_start3A_72 = tpu.memref_squeeze %dma_start3A_71 : memref<1x!tpu.dma_semaphore, #tpu.memory_space<semaphore_mem>> -> memref<!tpu.dma_semaphore, #tpu.memory_space<semaphore_mem>>
    tpu.enqueue_indirect_dma source(%dma_start3A_70 : memref<10112x128xf32, #tpu.memory_space<hbm>>) target(%dma_start3A_64 : memref<32x128xf32, #tpu.memory_space<vmem>>) offsets(%dma_start3A_67 : memref<32xi32, #tpu.memory_space<vmem>>) semaphore(%dma_start3A_72 : memref<!tpu.dma_semaphore, #tpu.memory_space<semaphore_mem>>)
    %dma_start3A_73 = arith.constant 4 : i32
    %dma_start3A_74 = arith.constant 4 : i32
    %dma_start3A_75 = arith.constant 4 : i32
    %dma_start3A_76 = arith.constant 0 : i32
    %dma_start3A_77 = arith.constant 0 : i32
    %dma_start3A_78 = tpu.memref_slice %arg8[%dma_start3A_74, %dma_start3A_76, %dma_start3A_77] : memref<6x32x128xf32, #tpu.memory_space<vmem>> -> memref<1x32x128xf32, #tpu.memory_space<vmem>>
    %dma_start3A_79 = tpu.memref_squeeze %dma_start3A_78 : memref<1x32x128xf32, #tpu.memory_space<vmem>> -> memref<32x128xf32, #tpu.memory_space<vmem>>
    %dma_start3A_80 = arith.constant 0 : i32
    %dma_start3A_81 = tpu.memref_slice %arg6[%dma_start3A_73, %dma_start3A_80] : memref<324x32xi32, #tpu.memory_space<vmem>> -> memref<1x32xi32, #tpu.memory_space<vmem>>
    %dma_start3A_82 = tpu.memref_squeeze %dma_start3A_81 : memref<1x32xi32, #tpu.memory_space<vmem>> -> memref<32xi32, #tpu.memory_space<vmem>>
    %dma_start3A_83 = arith.constant 0 : i32
    %dma_start3A_84 = arith.constant 0 : i32
    %dma_start3A_85 = tpu.memref_slice %arg2[%dma_start3A_83, %dma_start3A_84] : memref<10112x128xf32, #tpu.memory_space<hbm>> -> memref<10112x128xf32, #tpu.memory_space<hbm>>
    %dma_start3A_86 = tpu.memref_slice %arg11[%dma_start3A_75] : memref<6x!tpu.dma_semaphore, #tpu.memory_space<semaphore_mem>> -> memref<1x!tpu.dma_semaphore, #tpu.memory_space<semaphore_mem>>
    %dma_start3A_87 = tpu.memref_squeeze %dma_start3A_86 : memref<1x!tpu.dma_semaphore, #tpu.memory_space<semaphore_mem>> -> memref<!tpu.dma_semaphore, #tpu.memory_space<semaphore_mem>>
    tpu.enqueue_indirect_dma source(%dma_start3A_85 : memref<10112x128xf32, #tpu.memory_space<hbm>>) target(%dma_start3A_79 : memref<32x128xf32, #tpu.memory_space<vmem>>) offsets(%dma_start3A_82 : memref<32xi32, #tpu.memory_space<vmem>>) semaphore(%dma_start3A_87 : memref<!tpu.dma_semaphore, #tpu.memory_space<semaphore_mem>>)
    %dma_start3A_88 = arith.constant 5 : i32
    %dma_start3A_89 = arith.constant 5 : i32
    %dma_start3A_90 = arith.constant 5 : i32
    %dma_start3A_91 = arith.constant 0 : i32
    %dma_start3A_92 = arith.constant 0 : i32
    %dma_start3A_93 = tpu.memref_slice %arg8[%dma_start3A_89, %dma_start3A_91, %dma_start3A_92] : memref<6x32x128xf32, #tpu.memory_space<vmem>> -> memref<1x32x128xf32, #tpu.memory_space<vmem>>
    %dma_start3A_94 = tpu.memref_squeeze %dma_start3A_93 : memref<1x32x128xf32, #tpu.memory_space<vmem>> -> memref<32x128xf32, #tpu.memory_space<vmem>>
    %dma_start3A_95 = arith.constant 0 : i32
    %dma_start3A_96 = tpu.memref_slice %arg6[%dma_start3A_88, %dma_start3A_95] : memref<324x32xi32, #tpu.memory_space<vmem>> -> memref<1x32xi32, #tpu.memory_space<vmem>>
    %dma_start3A_97 = tpu.memref_squeeze %dma_start3A_96 : memref<1x32xi32, #tpu.memory_space<vmem>> -> memref<32xi32, #tpu.memory_space<vmem>>
    %dma_start3A_98 = arith.constant 0 : i32
    %dma_start3A_99 = arith.constant 0 : i32
    %dma_start3A_100 = tpu.memref_slice %arg2[%dma_start3A_98, %dma_start3A_99] : memref<10112x128xf32, #tpu.memory_space<hbm>> -> memref<10112x128xf32, #tpu.memory_space<hbm>>
    %dma_start3A_101 = tpu.memref_slice %arg11[%dma_start3A_90] : memref<6x!tpu.dma_semaphore, #tpu.memory_space<semaphore_mem>> -> memref<1x!tpu.dma_semaphore, #tpu.memory_space<semaphore_mem>>
    %dma_start3A_102 = tpu.memref_squeeze %dma_start3A_101 : memref<1x!tpu.dma_semaphore, #tpu.memory_space<semaphore_mem>> -> memref<!tpu.dma_semaphore, #tpu.memory_space<semaphore_mem>>
    tpu.enqueue_indirect_dma source(%dma_start3A_100 : memref<10112x128xf32, #tpu.memory_space<hbm>>) target(%dma_start3A_94 : memref<32x128xf32, #tpu.memory_space<vmem>>) offsets(%dma_start3A_97 : memref<32xi32, #tpu.memory_space<vmem>>) semaphore(%dma_start3A_102 : memref<!tpu.dma_semaphore, #tpu.memory_space<semaphore_mem>>)
    %scan3A_103 = arith.constant 0 : i32
    %scan3A_104 = arith.constant 54 : i32
    %scan3A_105 = arith.addi %scan3A_103, %scan3A_104 : i32
    %scan3A_106 = arith.constant 1 : i32
    scf.for %scan3A_109 = %scan3A_103 to %scan3A_105 step %scan3A_106  : i32 {
      %mul3A_110 = arith.constant 1 : i32
      %mul3A_111 = arith.muli %scan3A_109, %mul3A_110 : i32
      %add3A_112 = arith.constant 0 : i32
      %add3A_113 = arith.addi %add3A_112, %mul3A_111 : i32
      %mul3A_114 = arith.constant 6 : i32
      %mul3A_115 = arith.muli %add3A_113, %mul3A_114 : i32
      %add3A_116 = arith.constant 0 : i32
      %add3A_117 = arith.addi %mul3A_115, %add3A_116 : i32
      %dma_wait3A = arith.constant 0 : i32
      %dma_wait3A_118 = arith.constant 0 : i32
      %dma_wait3A_119 = arith.constant 0 : i32
      %dma_wait3A_120 = arith.constant 0 : i32
      %dma_wait3A_121 = tpu.memref_slice %arg8[%dma_wait3A, %dma_wait3A_119, %dma_wait3A_120] : memref<6x32x128xf32, #tpu.memory_space<vmem>> -> memref<1x32x128xf32, #tpu.memory_space<vmem>>
      %dma_wait3A_122 = tpu.memref_squeeze %dma_wait3A_121 : memref<1x32x128xf32, #tpu.memory_space<vmem>> -> memref<32x128xf32, #tpu.memory_space<vmem>>
      %dma_wait3A_123 = arith.constant 0 : i32
      %dma_wait3A_124 = tpu.memref_slice %arg6[%add3A_117, %dma_wait3A_123] : memref<324x32xi32, #tpu.memory_space<vmem>> -> memref<1x32xi32, #tpu.memory_space<vmem>>
      %dma_wait3A_125 = tpu.memref_squeeze %dma_wait3A_124 : memref<1x32xi32, #tpu.memory_space<vmem>> -> memref<32xi32, #tpu.memory_space<vmem>>
      %dma_wait3A_126 = arith.constant 0 : i32
      %dma_wait3A_127 = arith.constant 0 : i32
      %dma_wait3A_128 = tpu.memref_slice %arg2[%dma_wait3A_126, %dma_wait3A_127] : memref<10112x128xf32, #tpu.memory_space<hbm>> -> memref<10112x128xf32, #tpu.memory_space<hbm>>
      %dma_wait3A_129 = tpu.memref_slice %arg11[%dma_wait3A_118] : memref<6x!tpu.dma_semaphore, #tpu.memory_space<semaphore_mem>> -> memref<1x!tpu.dma_semaphore, #tpu.memory_space<semaphore_mem>>
      %dma_wait3A_130 = tpu.memref_squeeze %dma_wait3A_129 : memref<1x!tpu.dma_semaphore, #tpu.memory_space<semaphore_mem>> -> memref<!tpu.dma_semaphore, #tpu.memory_space<semaphore_mem>>
      tpu.wait_indirect_dma semaphore(%dma_wait3A_130 : memref<!tpu.dma_semaphore, #tpu.memory_space<semaphore_mem>>) src(%dma_wait3A_128 : memref<10112x128xf32, #tpu.memory_space<hbm>>) dst(%dma_wait3A_122 : memref<32x128xf32, #tpu.memory_space<vmem>>)
      %add3A_131 = arith.constant 0 : i32
      %add3A_132 = arith.addi %mul3A_115, %add3A_131 : i32
      %dma_start3A_133 = arith.constant 0 : i32
      %dma_start3A_134 = arith.constant 0 : i32
      %dma_start3A_135 = arith.constant 0 : i32
      %dma_start3A_136 = arith.constant 0 : i32
      %dma_start3A_137 = tpu.memref_slice %arg8[%dma_start3A_133, %dma_start3A_135, %dma_start3A_136] : memref<6x32x128xf32, #tpu.memory_space<vmem>> -> memref<1x32x128xf32, #tpu.memory_space<vmem>>
      %dma_start3A_138 = tpu.memref_squeeze %dma_start3A_137 : memref<1x32x128xf32, #tpu.memory_space<vmem>> -> memref<32x128xf32, #tpu.memory_space<vmem>>
      %dma_start3A_139 = arith.constant 0 : i32
      %dma_start3A_140 = tpu.memref_slice %arg7[%add3A_132, %dma_start3A_139] : memref<324x32xi32, #tpu.memory_space<vmem>> -> memref<1x32xi32, #tpu.memory_space<vmem>>
      %dma_start3A_141 = tpu.memref_squeeze %dma_start3A_140 : memref<1x32xi32, #tpu.memory_space<vmem>> -> memref<32xi32, #tpu.memory_space<vmem>>
      %dma_start3A_142 = arith.constant 0 : i32
      %dma_start3A_143 = arith.constant 0 : i32
      %dma_start3A_144 = tpu.memref_slice %arg10[%dma_start3A_142, %dma_start3A_143] : memref<10112x128xf32, #tpu.memory_space<vmem_shared>> -> memref<10112x128xf32, #tpu.memory_space<vmem_shared>>
      %dma_start3A_145 = tpu.memref_slice %arg12[%dma_start3A_134] : memref<6x!tpu.dma_semaphore, #tpu.memory_space<semaphore_mem>> -> memref<1x!tpu.dma_semaphore, #tpu.memory_space<semaphore_mem>>
      %dma_start3A_146 = tpu.memref_squeeze %dma_start3A_145 : memref<1x!tpu.dma_semaphore, #tpu.memory_space<semaphore_mem>> -> memref<!tpu.dma_semaphore, #tpu.memory_space<semaphore_mem>>
      tpu.enqueue_indirect_dma source(%dma_start3A_138 : memref<32x128xf32, #tpu.memory_space<vmem>>) target(%dma_start3A_144 : memref<10112x128xf32, #tpu.memory_space<vmem_shared>>) offsets(%dma_start3A_141 : memref<32xi32, #tpu.memory_space<vmem>>) semaphore(%dma_start3A_146 : memref<!tpu.dma_semaphore, #tpu.memory_space<semaphore_mem>>) {add = true}
      %add3A_147 = arith.constant 1 : i32
      %add3A_148 = arith.addi %mul3A_115, %add3A_147 : i32
      %dma_wait3A_149 = arith.constant 1 : i32
      %dma_wait3A_150 = arith.constant 1 : i32
      %dma_wait3A_151 = arith.constant 0 : i32
      %dma_wait3A_152 = arith.constant 0 : i32
      %dma_wait3A_153 = tpu.memref_slice %arg8[%dma_wait3A_149, %dma_wait3A_151, %dma_wait3A_152] : memref<6x32x128xf32, #tpu.memory_space<vmem>> -> memref<1x32x128xf32, #tpu.memory_space<vmem>>
      %dma_wait3A_154 = tpu.memref_squeeze %dma_wait3A_153 : memref<1x32x128xf32, #tpu.memory_space<vmem>> -> memref<32x128xf32, #tpu.memory_space<vmem>>
      %dma_wait3A_155 = arith.constant 0 : i32
      %dma_wait3A_156 = tpu.memref_slice %arg6[%add3A_148, %dma_wait3A_155] : memref<324x32xi32, #tpu.memory_space<vmem>> -> memref<1x32xi32, #tpu.memory_space<vmem>>
      %dma_wait3A_157 = tpu.memref_squeeze %dma_wait3A_156 : memref<1x32xi32, #tpu.memory_space<vmem>> -> memref<32xi32, #tpu.memory_space<vmem>>
      %dma_wait3A_158 = arith.constant 0 : i32
      %dma_wait3A_159 = arith.constant 0 : i32
      %dma_wait3A_160 = tpu.memref_slice %arg2[%dma_wait3A_158, %dma_wait3A_159] : memref<10112x128xf32, #tpu.memory_space<hbm>> -> memref<10112x128xf32, #tpu.memory_space<hbm>>
      %dma_wait3A_161 = tpu.memref_slice %arg11[%dma_wait3A_150] : memref<6x!tpu.dma_semaphore, #tpu.memory_space<semaphore_mem>> -> memref<1x!tpu.dma_semaphore, #tpu.memory_space<semaphore_mem>>
      %dma_wait3A_162 = tpu.memref_squeeze %dma_wait3A_161 : memref<1x!tpu.dma_semaphore, #tpu.memory_space<semaphore_mem>> -> memref<!tpu.dma_semaphore, #tpu.memory_space<semaphore_mem>>
      tpu.wait_indirect_dma semaphore(%dma_wait3A_162 : memref<!tpu.dma_semaphore, #tpu.memory_space<semaphore_mem>>) src(%dma_wait3A_160 : memref<10112x128xf32, #tpu.memory_space<hbm>>) dst(%dma_wait3A_154 : memref<32x128xf32, #tpu.memory_space<vmem>>)
      %add3A_163 = arith.constant 1 : i32
      %add3A_164 = arith.addi %mul3A_115, %add3A_163 : i32
      %dma_start3A_165 = arith.constant 1 : i32
      %dma_start3A_166 = arith.constant 1 : i32
      %dma_start3A_167 = arith.constant 0 : i32
      %dma_start3A_168 = arith.constant 0 : i32
      %dma_start3A_169 = tpu.memref_slice %arg8[%dma_start3A_165, %dma_start3A_167, %dma_start3A_168] : memref<6x32x128xf32, #tpu.memory_space<vmem>> -> memref<1x32x128xf32, #tpu.memory_space<vmem>>
      %dma_start3A_170 = tpu.memref_squeeze %dma_start3A_169 : memref<1x32x128xf32, #tpu.memory_space<vmem>> -> memref<32x128xf32, #tpu.memory_space<vmem>>
      %dma_start3A_171 = arith.constant 0 : i32
      %dma_start3A_172 = tpu.memref_slice %arg7[%add3A_164, %dma_start3A_171] : memref<324x32xi32, #tpu.memory_space<vmem>> -> memref<1x32xi32, #tpu.memory_space<vmem>>
      %dma_start3A_173 = tpu.memref_squeeze %dma_start3A_172 : memref<1x32xi32, #tpu.memory_space<vmem>> -> memref<32xi32, #tpu.memory_space<vmem>>
      %dma_start3A_174 = arith.constant 0 : i32
      %dma_start3A_175 = arith.constant 0 : i32
      %dma_start3A_176 = tpu.memref_slice %arg10[%dma_start3A_174, %dma_start3A_175] : memref<10112x128xf32, #tpu.memory_space<vmem_shared>> -> memref<10112x128xf32, #tpu.memory_space<vmem_shared>>
      %dma_start3A_177 = tpu.memref_slice %arg12[%dma_start3A_166] : memref<6x!tpu.dma_semaphore, #tpu.memory_space<semaphore_mem>> -> memref<1x!tpu.dma_semaphore, #tpu.memory_space<semaphore_mem>>
      %dma_start3A_178 = tpu.memref_squeeze %dma_start3A_177 : memref<1x!tpu.dma_semaphore, #tpu.memory_space<semaphore_mem>> -> memref<!tpu.dma_semaphore, #tpu.memory_space<semaphore_mem>>
      tpu.enqueue_indirect_dma source(%dma_start3A_170 : memref<32x128xf32, #tpu.memory_space<vmem>>) target(%dma_start3A_176 : memref<10112x128xf32, #tpu.memory_space<vmem_shared>>) offsets(%dma_start3A_173 : memref<32xi32, #tpu.memory_space<vmem>>) semaphore(%dma_start3A_178 : memref<!tpu.dma_semaphore, #tpu.memory_space<semaphore_mem>>) {add = true}
      %add3A_179 = arith.constant 2 : i32
      %add3A_180 = arith.addi %mul3A_115, %add3A_179 : i32
      %dma_wait3A_181 = arith.constant 2 : i32
      %dma_wait3A_182 = arith.constant 2 : i32
      %dma_wait3A_183 = arith.constant 0 : i32
      %dma_wait3A_184 = arith.constant 0 : i32
      %dma_wait3A_185 = tpu.memref_slice %arg8[%dma_wait3A_181, %dma_wait3A_183, %dma_wait3A_184] : memref<6x32x128xf32, #tpu.memory_space<vmem>> -> memref<1x32x128xf32, #tpu.memory_space<vmem>>
      %dma_wait3A_186 = tpu.memref_squeeze %dma_wait3A_185 : memref<1x32x128xf32, #tpu.memory_space<vmem>> -> memref<32x128xf32, #tpu.memory_space<vmem>>
      %dma_wait3A_187 = arith.constant 0 : i32
      %dma_wait3A_188 = tpu.memref_slice %arg6[%add3A_180, %dma_wait3A_187] : memref<324x32xi32, #tpu.memory_space<vmem>> -> memref<1x32xi32, #tpu.memory_space<vmem>>
      %dma_wait3A_189 = tpu.memref_squeeze %dma_wait3A_188 : memref<1x32xi32, #tpu.memory_space<vmem>> -> memref<32xi32, #tpu.memory_space<vmem>>
      %dma_wait3A_190 = arith.constant 0 : i32
      %dma_wait3A_191 = arith.constant 0 : i32
      %dma_wait3A_192 = tpu.memref_slice %arg2[%dma_wait3A_190, %dma_wait3A_191] : memref<10112x128xf32, #tpu.memory_space<hbm>> -> memref<10112x128xf32, #tpu.memory_space<hbm>>
      %dma_wait3A_193 = tpu.memref_slice %arg11[%dma_wait3A_182] : memref<6x!tpu.dma_semaphore, #tpu.memory_space<semaphore_mem>> -> memref<1x!tpu.dma_semaphore, #tpu.memory_space<semaphore_mem>>
      %dma_wait3A_194 = tpu.memref_squeeze %dma_wait3A_193 : memref<1x!tpu.dma_semaphore, #tpu.memory_space<semaphore_mem>> -> memref<!tpu.dma_semaphore, #tpu.memory_space<semaphore_mem>>
      tpu.wait_indirect_dma semaphore(%dma_wait3A_194 : memref<!tpu.dma_semaphore, #tpu.memory_space<semaphore_mem>>) src(%dma_wait3A_192 : memref<10112x128xf32, #tpu.memory_space<hbm>>) dst(%dma_wait3A_186 : memref<32x128xf32, #tpu.memory_space<vmem>>)
      %add3A_195 = arith.constant 2 : i32
      %add3A_196 = arith.addi %mul3A_115, %add3A_195 : i32
      %dma_start3A_197 = arith.constant 2 : i32
      %dma_start3A_198 = arith.constant 2 : i32
      %dma_start3A_199 = arith.constant 0 : i32
      %dma_start3A_200 = arith.constant 0 : i32
      %dma_start3A_201 = tpu.memref_slice %arg8[%dma_start3A_197, %dma_start3A_199, %dma_start3A_200] : memref<6x32x128xf32, #tpu.memory_space<vmem>> -> memref<1x32x128xf32, #tpu.memory_space<vmem>>
      %dma_start3A_202 = tpu.memref_squeeze %dma_start3A_201 : memref<1x32x128xf32, #tpu.memory_space<vmem>> -> memref<32x128xf32, #tpu.memory_space<vmem>>
      %dma_start3A_203 = arith.constant 0 : i32
      %dma_start3A_204 = tpu.memref_slice %arg7[%add3A_196, %dma_start3A_203] : memref<324x32xi32, #tpu.memory_space<vmem>> -> memref<1x32xi32, #tpu.memory_space<vmem>>
      %dma_start3A_205 = tpu.memref_squeeze %dma_start3A_204 : memref<1x32xi32, #tpu.memory_space<vmem>> -> memref<32xi32, #tpu.memory_space<vmem>>
      %dma_start3A_206 = arith.constant 0 : i32
      %dma_start3A_207 = arith.constant 0 : i32
      %dma_start3A_208 = tpu.memref_slice %arg10[%dma_start3A_206, %dma_start3A_207] : memref<10112x128xf32, #tpu.memory_space<vmem_shared>> -> memref<10112x128xf32, #tpu.memory_space<vmem_shared>>
      %dma_start3A_209 = tpu.memref_slice %arg12[%dma_start3A_198] : memref<6x!tpu.dma_semaphore, #tpu.memory_space<semaphore_mem>> -> memref<1x!tpu.dma_semaphore, #tpu.memory_space<semaphore_mem>>
      %dma_start3A_210 = tpu.memref_squeeze %dma_start3A_209 : memref<1x!tpu.dma_semaphore, #tpu.memory_space<semaphore_mem>> -> memref<!tpu.dma_semaphore, #tpu.memory_space<semaphore_mem>>
      tpu.enqueue_indirect_dma source(%dma_start3A_202 : memref<32x128xf32, #tpu.memory_space<vmem>>) target(%dma_start3A_208 : memref<10112x128xf32, #tpu.memory_space<vmem_shared>>) offsets(%dma_start3A_205 : memref<32xi32, #tpu.memory_space<vmem>>) semaphore(%dma_start3A_210 : memref<!tpu.dma_semaphore, #tpu.memory_space<semaphore_mem>>) {add = true}
      %add3A_211 = arith.constant 3 : i32
      %add3A_212 = arith.addi %mul3A_115, %add3A_211 : i32
      %dma_wait3A_213 = arith.constant 3 : i32
      %dma_wait3A_214 = arith.constant 3 : i32
      %dma_wait3A_215 = arith.constant 0 : i32
      %dma_wait3A_216 = arith.constant 0 : i32
      %dma_wait3A_217 = tpu.memref_slice %arg8[%dma_wait3A_213, %dma_wait3A_215, %dma_wait3A_216] : memref<6x32x128xf32, #tpu.memory_space<vmem>> -> memref<1x32x128xf32, #tpu.memory_space<vmem>>
      %dma_wait3A_218 = tpu.memref_squeeze %dma_wait3A_217 : memref<1x32x128xf32, #tpu.memory_space<vmem>> -> memref<32x128xf32, #tpu.memory_space<vmem>>
      %dma_wait3A_219 = arith.constant 0 : i32
      %dma_wait3A_220 = tpu.memref_slice %arg6[%add3A_212, %dma_wait3A_219] : memref<324x32xi32, #tpu.memory_space<vmem>> -> memref<1x32xi32, #tpu.memory_space<vmem>>
      %dma_wait3A_221 = tpu.memref_squeeze %dma_wait3A_220 : memref<1x32xi32, #tpu.memory_space<vmem>> -> memref<32xi32, #tpu.memory_space<vmem>>
      %dma_wait3A_222 = arith.constant 0 : i32
      %dma_wait3A_223 = arith.constant 0 : i32
      %dma_wait3A_224 = tpu.memref_slice %arg2[%dma_wait3A_222, %dma_wait3A_223] : memref<10112x128xf32, #tpu.memory_space<hbm>> -> memref<10112x128xf32, #tpu.memory_space<hbm>>
      %dma_wait3A_225 = tpu.memref_slice %arg11[%dma_wait3A_214] : memref<6x!tpu.dma_semaphore, #tpu.memory_space<semaphore_mem>> -> memref<1x!tpu.dma_semaphore, #tpu.memory_space<semaphore_mem>>
      %dma_wait3A_226 = tpu.memref_squeeze %dma_wait3A_225 : memref<1x!tpu.dma_semaphore, #tpu.memory_space<semaphore_mem>> -> memref<!tpu.dma_semaphore, #tpu.memory_space<semaphore_mem>>
      tpu.wait_indirect_dma semaphore(%dma_wait3A_226 : memref<!tpu.dma_semaphore, #tpu.memory_space<semaphore_mem>>) src(%dma_wait3A_224 : memref<10112x128xf32, #tpu.memory_space<hbm>>) dst(%dma_wait3A_218 : memref<32x128xf32, #tpu.memory_space<vmem>>)
      %add3A_227 = arith.constant 3 : i32
      %add3A_228 = arith.addi %mul3A_115, %add3A_227 : i32
      %dma_start3A_229 = arith.constant 3 : i32
      %dma_start3A_230 = arith.constant 3 : i32
      %dma_start3A_231 = arith.constant 0 : i32
      %dma_start3A_232 = arith.constant 0 : i32
      %dma_start3A_233 = tpu.memref_slice %arg8[%dma_start3A_229, %dma_start3A_231, %dma_start3A_232] : memref<6x32x128xf32, #tpu.memory_space<vmem>> -> memref<1x32x128xf32, #tpu.memory_space<vmem>>
      %dma_start3A_234 = tpu.memref_squeeze %dma_start3A_233 : memref<1x32x128xf32, #tpu.memory_space<vmem>> -> memref<32x128xf32, #tpu.memory_space<vmem>>
      %dma_start3A_235 = arith.constant 0 : i32
      %dma_start3A_236 = tpu.memref_slice %arg7[%add3A_228, %dma_start3A_235] : memref<324x32xi32, #tpu.memory_space<vmem>> -> memref<1x32xi32, #tpu.memory_space<vmem>>
      %dma_start3A_237 = tpu.memref_squeeze %dma_start3A_236 : memref<1x32xi32, #tpu.memory_space<vmem>> -> memref<32xi32, #tpu.memory_space<vmem>>
      %dma_start3A_238 = arith.constant 0 : i32
      %dma_start3A_239 = arith.constant 0 : i32
      %dma_start3A_240 = tpu.memref_slice %arg10[%dma_start3A_238, %dma_start3A_239] : memref<10112x128xf32, #tpu.memory_space<vmem_shared>> -> memref<10112x128xf32, #tpu.memory_space<vmem_shared>>
      %dma_start3A_241 = tpu.memref_slice %arg12[%dma_start3A_230] : memref<6x!tpu.dma_semaphore, #tpu.memory_space<semaphore_mem>> -> memref<1x!tpu.dma_semaphore, #tpu.memory_space<semaphore_mem>>
      %dma_start3A_242 = tpu.memref_squeeze %dma_start3A_241 : memref<1x!tpu.dma_semaphore, #tpu.memory_space<semaphore_mem>> -> memref<!tpu.dma_semaphore, #tpu.memory_space<semaphore_mem>>
      tpu.enqueue_indirect_dma source(%dma_start3A_234 : memref<32x128xf32, #tpu.memory_space<vmem>>) target(%dma_start3A_240 : memref<10112x128xf32, #tpu.memory_space<vmem_shared>>) offsets(%dma_start3A_237 : memref<32xi32, #tpu.memory_space<vmem>>) semaphore(%dma_start3A_242 : memref<!tpu.dma_semaphore, #tpu.memory_space<semaphore_mem>>) {add = true}
      %add3A_243 = arith.constant 4 : i32
      %add3A_244 = arith.addi %mul3A_115, %add3A_243 : i32
      %dma_wait3A_245 = arith.constant 4 : i32
      %dma_wait3A_246 = arith.constant 4 : i32
      %dma_wait3A_247 = arith.constant 0 : i32
      %dma_wait3A_248 = arith.constant 0 : i32
      %dma_wait3A_249 = tpu.memref_slice %arg8[%dma_wait3A_245, %dma_wait3A_247, %dma_wait3A_248] : memref<6x32x128xf32, #tpu.memory_space<vmem>> -> memref<1x32x128xf32, #tpu.memory_space<vmem>>
      %dma_wait3A_250 = tpu.memref_squeeze %dma_wait3A_249 : memref<1x32x128xf32, #tpu.memory_space<vmem>> -> memref<32x128xf32, #tpu.memory_space<vmem>>
      %dma_wait3A_251 = arith.constant 0 : i32
      %dma_wait3A_252 = tpu.memref_slice %arg6[%add3A_244, %dma_wait3A_251] : memref<324x32xi32, #tpu.memory_space<vmem>> -> memref<1x32xi32, #tpu.memory_space<vmem>>
      %dma_wait3A_253 = tpu.memref_squeeze %dma_wait3A_252 : memref<1x32xi32, #tpu.memory_space<vmem>> -> memref<32xi32, #tpu.memory_space<vmem>>
      %dma_wait3A_254 = arith.constant 0 : i32
      %dma_wait3A_255 = arith.constant 0 : i32
      %dma_wait3A_256 = tpu.memref_slice %arg2[%dma_wait3A_254, %dma_wait3A_255] : memref<10112x128xf32, #tpu.memory_space<hbm>> -> memref<10112x128xf32, #tpu.memory_space<hbm>>
      %dma_wait3A_257 = tpu.memref_slice %arg11[%dma_wait3A_246] : memref<6x!tpu.dma_semaphore, #tpu.memory_space<semaphore_mem>> -> memref<1x!tpu.dma_semaphore, #tpu.memory_space<semaphore_mem>>
      %dma_wait3A_258 = tpu.memref_squeeze %dma_wait3A_257 : memref<1x!tpu.dma_semaphore, #tpu.memory_space<semaphore_mem>> -> memref<!tpu.dma_semaphore, #tpu.memory_space<semaphore_mem>>
      tpu.wait_indirect_dma semaphore(%dma_wait3A_258 : memref<!tpu.dma_semaphore, #tpu.memory_space<semaphore_mem>>) src(%dma_wait3A_256 : memref<10112x128xf32, #tpu.memory_space<hbm>>) dst(%dma_wait3A_250 : memref<32x128xf32, #tpu.memory_space<vmem>>)
      %add3A_259 = arith.constant 4 : i32
      %add3A_260 = arith.addi %mul3A_115, %add3A_259 : i32
      %dma_start3A_261 = arith.constant 4 : i32
      %dma_start3A_262 = arith.constant 4 : i32
      %dma_start3A_263 = arith.constant 0 : i32
      %dma_start3A_264 = arith.constant 0 : i32
      %dma_start3A_265 = tpu.memref_slice %arg8[%dma_start3A_261, %dma_start3A_263, %dma_start3A_264] : memref<6x32x128xf32, #tpu.memory_space<vmem>> -> memref<1x32x128xf32, #tpu.memory_space<vmem>>
      %dma_start3A_266 = tpu.memref_squeeze %dma_start3A_265 : memref<1x32x128xf32, #tpu.memory_space<vmem>> -> memref<32x128xf32, #tpu.memory_space<vmem>>
      %dma_start3A_267 = arith.constant 0 : i32
      %dma_start3A_268 = tpu.memref_slice %arg7[%add3A_260, %dma_start3A_267] : memref<324x32xi32, #tpu.memory_space<vmem>> -> memref<1x32xi32, #tpu.memory_space<vmem>>
      %dma_start3A_269 = tpu.memref_squeeze %dma_start3A_268 : memref<1x32xi32, #tpu.memory_space<vmem>> -> memref<32xi32, #tpu.memory_space<vmem>>
      %dma_start3A_270 = arith.constant 0 : i32
      %dma_start3A_271 = arith.constant 0 : i32
      %dma_start3A_272 = tpu.memref_slice %arg10[%dma_start3A_270, %dma_start3A_271] : memref<10112x128xf32, #tpu.memory_space<vmem_shared>> -> memref<10112x128xf32, #tpu.memory_space<vmem_shared>>
      %dma_start3A_273 = tpu.memref_slice %arg12[%dma_start3A_262] : memref<6x!tpu.dma_semaphore, #tpu.memory_space<semaphore_mem>> -> memref<1x!tpu.dma_semaphore, #tpu.memory_space<semaphore_mem>>
      %dma_start3A_274 = tpu.memref_squeeze %dma_start3A_273 : memref<1x!tpu.dma_semaphore, #tpu.memory_space<semaphore_mem>> -> memref<!tpu.dma_semaphore, #tpu.memory_space<semaphore_mem>>
      tpu.enqueue_indirect_dma source(%dma_start3A_266 : memref<32x128xf32, #tpu.memory_space<vmem>>) target(%dma_start3A_272 : memref<10112x128xf32, #tpu.memory_space<vmem_shared>>) offsets(%dma_start3A_269 : memref<32xi32, #tpu.memory_space<vmem>>) semaphore(%dma_start3A_274 : memref<!tpu.dma_semaphore, #tpu.memory_space<semaphore_mem>>) {add = true}
      %add3A_275 = arith.constant 5 : i32
      %add3A_276 = arith.addi %mul3A_115, %add3A_275 : i32
      %dma_wait3A_277 = arith.constant 5 : i32
      %dma_wait3A_278 = arith.constant 5 : i32
      %dma_wait3A_279 = arith.constant 0 : i32
      %dma_wait3A_280 = arith.constant 0 : i32
      %dma_wait3A_281 = tpu.memref_slice %arg8[%dma_wait3A_277, %dma_wait3A_279, %dma_wait3A_280] : memref<6x32x128xf32, #tpu.memory_space<vmem>> -> memref<1x32x128xf32, #tpu.memory_space<vmem>>
      %dma_wait3A_282 = tpu.memref_squeeze %dma_wait3A_281 : memref<1x32x128xf32, #tpu.memory_space<vmem>> -> memref<32x128xf32, #tpu.memory_space<vmem>>
      %dma_wait3A_283 = arith.constant 0 : i32
      %dma_wait3A_284 = tpu.memref_slice %arg6[%add3A_276, %dma_wait3A_283] : memref<324x32xi32, #tpu.memory_space<vmem>> -> memref<1x32xi32, #tpu.memory_space<vmem>>
      %dma_wait3A_285 = tpu.memref_squeeze %dma_wait3A_284 : memref<1x32xi32, #tpu.memory_space<vmem>> -> memref<32xi32, #tpu.memory_space<vmem>>
      %dma_wait3A_286 = arith.constant 0 : i32
      %dma_wait3A_287 = arith.constant 0 : i32
      %dma_wait3A_288 = tpu.memref_slice %arg2[%dma_wait3A_286, %dma_wait3A_287] : memref<10112x128xf32, #tpu.memory_space<hbm>> -> memref<10112x128xf32, #tpu.memory_space<hbm>>
      %dma_wait3A_289 = tpu.memref_slice %arg11[%dma_wait3A_278] : memref<6x!tpu.dma_semaphore, #tpu.memory_space<semaphore_mem>> -> memref<1x!tpu.dma_semaphore, #tpu.memory_space<semaphore_mem>>
      %dma_wait3A_290 = tpu.memref_squeeze %dma_wait3A_289 : memref<1x!tpu.dma_semaphore, #tpu.memory_space<semaphore_mem>> -> memref<!tpu.dma_semaphore, #tpu.memory_space<semaphore_mem>>
      tpu.wait_indirect_dma semaphore(%dma_wait3A_290 : memref<!tpu.dma_semaphore, #tpu.memory_space<semaphore_mem>>) src(%dma_wait3A_288 : memref<10112x128xf32, #tpu.memory_space<hbm>>) dst(%dma_wait3A_282 : memref<32x128xf32, #tpu.memory_space<vmem>>)
      %add3A_291 = arith.constant 5 : i32
      %add3A_292 = arith.addi %mul3A_115, %add3A_291 : i32
      %dma_start3A_293 = arith.constant 5 : i32
      %dma_start3A_294 = arith.constant 5 : i32
      %dma_start3A_295 = arith.constant 0 : i32
      %dma_start3A_296 = arith.constant 0 : i32
      %dma_start3A_297 = tpu.memref_slice %arg8[%dma_start3A_293, %dma_start3A_295, %dma_start3A_296] : memref<6x32x128xf32, #tpu.memory_space<vmem>> -> memref<1x32x128xf32, #tpu.memory_space<vmem>>
      %dma_start3A_298 = tpu.memref_squeeze %dma_start3A_297 : memref<1x32x128xf32, #tpu.memory_space<vmem>> -> memref<32x128xf32, #tpu.memory_space<vmem>>
      %dma_start3A_299 = arith.constant 0 : i32
      %dma_start3A_300 = tpu.memref_slice %arg7[%add3A_292, %dma_start3A_299] : memref<324x32xi32, #tpu.memory_space<vmem>> -> memref<1x32xi32, #tpu.memory_space<vmem>>
      %dma_start3A_301 = tpu.memref_squeeze %dma_start3A_300 : memref<1x32xi32, #tpu.memory_space<vmem>> -> memref<32xi32, #tpu.memory_space<vmem>>
      %dma_start3A_302 = arith.constant 0 : i32
      %dma_start3A_303 = arith.constant 0 : i32
      %dma_start3A_304 = tpu.memref_slice %arg10[%dma_start3A_302, %dma_start3A_303] : memref<10112x128xf32, #tpu.memory_space<vmem_shared>> -> memref<10112x128xf32, #tpu.memory_space<vmem_shared>>
      %dma_start3A_305 = tpu.memref_slice %arg12[%dma_start3A_294] : memref<6x!tpu.dma_semaphore, #tpu.memory_space<semaphore_mem>> -> memref<1x!tpu.dma_semaphore, #tpu.memory_space<semaphore_mem>>
      %dma_start3A_306 = tpu.memref_squeeze %dma_start3A_305 : memref<1x!tpu.dma_semaphore, #tpu.memory_space<semaphore_mem>> -> memref<!tpu.dma_semaphore, #tpu.memory_space<semaphore_mem>>
      tpu.enqueue_indirect_dma source(%dma_start3A_298 : memref<32x128xf32, #tpu.memory_space<vmem>>) target(%dma_start3A_304 : memref<10112x128xf32, #tpu.memory_space<vmem_shared>>) offsets(%dma_start3A_301 : memref<32xi32, #tpu.memory_space<vmem>>) semaphore(%dma_start3A_306 : memref<!tpu.dma_semaphore, #tpu.memory_space<semaphore_mem>>) {add = true}
      %add3A_307 = arith.constant 0 : i32
      %add3A_308 = arith.addi %mul3A_115, %add3A_307 : i32
      %dma_wait3A_309 = arith.constant 0 : i32
      %dma_wait3A_310 = arith.constant 0 : i32
      %dma_wait3A_311 = arith.constant 0 : i32
      %dma_wait3A_312 = arith.constant 0 : i32
      %dma_wait3A_313 = tpu.memref_slice %arg8[%dma_wait3A_309, %dma_wait3A_311, %dma_wait3A_312] : memref<6x32x128xf32, #tpu.memory_space<vmem>> -> memref<1x32x128xf32, #tpu.memory_space<vmem>>
      %dma_wait3A_314 = tpu.memref_squeeze %dma_wait3A_313 : memref<1x32x128xf32, #tpu.memory_space<vmem>> -> memref<32x128xf32, #tpu.memory_space<vmem>>
      %dma_wait3A_315 = arith.constant 0 : i32
      %dma_wait3A_316 = tpu.memref_slice %arg7[%add3A_308, %dma_wait3A_315] : memref<324x32xi32, #tpu.memory_space<vmem>> -> memref<1x32xi32, #tpu.memory_space<vmem>>
      %dma_wait3A_317 = tpu.memref_squeeze %dma_wait3A_316 : memref<1x32xi32, #tpu.memory_space<vmem>> -> memref<32xi32, #tpu.memory_space<vmem>>
      %dma_wait3A_318 = arith.constant 0 : i32
      %dma_wait3A_319 = arith.constant 0 : i32
      %dma_wait3A_320 = tpu.memref_slice %arg10[%dma_wait3A_318, %dma_wait3A_319] : memref<10112x128xf32, #tpu.memory_space<vmem_shared>> -> memref<10112x128xf32, #tpu.memory_space<vmem_shared>>
      %dma_wait3A_321 = tpu.memref_slice %arg12[%dma_wait3A_310] : memref<6x!tpu.dma_semaphore, #tpu.memory_space<semaphore_mem>> -> memref<1x!tpu.dma_semaphore, #tpu.memory_space<semaphore_mem>>
      %dma_wait3A_322 = tpu.memref_squeeze %dma_wait3A_321 : memref<1x!tpu.dma_semaphore, #tpu.memory_space<semaphore_mem>> -> memref<!tpu.dma_semaphore, #tpu.memory_space<semaphore_mem>>
      tpu.wait_indirect_dma semaphore(%dma_wait3A_322 : memref<!tpu.dma_semaphore, #tpu.memory_space<semaphore_mem>>) src(%dma_wait3A_314 : memref<32x128xf32, #tpu.memory_space<vmem>>) dst(%dma_wait3A_320 : memref<10112x128xf32, #tpu.memory_space<vmem_shared>>)
      %lt3A = arith.constant 53 : i32
      %lt3A_323 = arith.cmpi slt, %add3A_113, %lt3A : i32
      %convert_element_type3A = arith.extui %lt3A_323 : i1 to i32
      %cond3A = arith.constant 0 : i32
      %cond3A_324 = arith.cmpi ne, %convert_element_type3A, %cond3A : i32
      scf.if %cond3A_324 {
        %add3A_430 = arith.constant 6 : i32
        %add3A_431 = arith.addi %mul3A_115, %add3A_430 : i32
        %add3A_432 = arith.constant 0 : i32
        %add3A_433 = arith.addi %add3A_431, %add3A_432 : i32
        %dma_start3A_434 = arith.constant 0 : i32
        %dma_start3A_435 = arith.constant 0 : i32
        %dma_start3A_436 = arith.constant 0 : i32
        %dma_start3A_437 = arith.constant 0 : i32
        %dma_start3A_438 = tpu.memref_slice %arg8[%dma_start3A_434, %dma_start3A_436, %dma_start3A_437] : memref<6x32x128xf32, #tpu.memory_space<vmem>> -> memref<1x32x128xf32, #tpu.memory_space<vmem>>
        %dma_start3A_439 = tpu.memref_squeeze %dma_start3A_438 : memref<1x32x128xf32, #tpu.memory_space<vmem>> -> memref<32x128xf32, #tpu.memory_space<vmem>>
        %dma_start3A_440 = arith.constant 0 : i32
        %dma_start3A_441 = tpu.memref_slice %arg6[%add3A_433, %dma_start3A_440] : memref<324x32xi32, #tpu.memory_space<vmem>> -> memref<1x32xi32, #tpu.memory_space<vmem>>
        %dma_start3A_442 = tpu.memref_squeeze %dma_start3A_441 : memref<1x32xi32, #tpu.memory_space<vmem>> -> memref<32xi32, #tpu.memory_space<vmem>>
        %dma_start3A_443 = arith.constant 0 : i32
        %dma_start3A_444 = arith.constant 0 : i32
        %dma_start3A_445 = tpu.memref_slice %arg2[%dma_start3A_443, %dma_start3A_444] : memref<10112x128xf32, #tpu.memory_space<hbm>> -> memref<10112x128xf32, #tpu.memory_space<hbm>>
        %dma_start3A_446 = tpu.memref_slice %arg11[%dma_start3A_435] : memref<6x!tpu.dma_semaphore, #tpu.memory_space<semaphore_mem>> -> memref<1x!tpu.dma_semaphore, #tpu.memory_space<semaphore_mem>>
        %dma_start3A_447 = tpu.memref_squeeze %dma_start3A_446 : memref<1x!tpu.dma_semaphore, #tpu.memory_space<semaphore_mem>> -> memref<!tpu.dma_semaphore, #tpu.memory_space<semaphore_mem>>
        tpu.enqueue_indirect_dma source(%dma_start3A_445 : memref<10112x128xf32, #tpu.memory_space<hbm>>) target(%dma_start3A_439 : memref<32x128xf32, #tpu.memory_space<vmem>>) offsets(%dma_start3A_442 : memref<32xi32, #tpu.memory_space<vmem>>) semaphore(%dma_start3A_447 : memref<!tpu.dma_semaphore, #tpu.memory_space<semaphore_mem>>)
      } else {
      }
      %add3A_325 = arith.constant 1 : i32
      %add3A_326 = arith.addi %mul3A_115, %add3A_325 : i32
      %dma_wait3A_327 = arith.constant 1 : i32
      %dma_wait3A_328 = arith.constant 1 : i32
      %dma_wait3A_329 = arith.constant 0 : i32
      %dma_wait3A_330 = arith.constant 0 : i32
      %dma_wait3A_331 = tpu.memref_slice %arg8[%dma_wait3A_327, %dma_wait3A_329, %dma_wait3A_330] : memref<6x32x128xf32, #tpu.memory_space<vmem>> -> memref<1x32x128xf32, #tpu.memory_space<vmem>>
      %dma_wait3A_332 = tpu.memref_squeeze %dma_wait3A_331 : memref<1x32x128xf32, #tpu.memory_space<vmem>> -> memref<32x128xf32, #tpu.memory_space<vmem>>
      %dma_wait3A_333 = arith.constant 0 : i32
      %dma_wait3A_334 = tpu.memref_slice %arg7[%add3A_326, %dma_wait3A_333] : memref<324x32xi32, #tpu.memory_space<vmem>> -> memref<1x32xi32, #tpu.memory_space<vmem>>
      %dma_wait3A_335 = tpu.memref_squeeze %dma_wait3A_334 : memref<1x32xi32, #tpu.memory_space<vmem>> -> memref<32xi32, #tpu.memory_space<vmem>>
      %dma_wait3A_336 = arith.constant 0 : i32
      %dma_wait3A_337 = arith.constant 0 : i32
      %dma_wait3A_338 = tpu.memref_slice %arg10[%dma_wait3A_336, %dma_wait3A_337] : memref<10112x128xf32, #tpu.memory_space<vmem_shared>> -> memref<10112x128xf32, #tpu.memory_space<vmem_shared>>
      %dma_wait3A_339 = tpu.memref_slice %arg12[%dma_wait3A_328] : memref<6x!tpu.dma_semaphore, #tpu.memory_space<semaphore_mem>> -> memref<1x!tpu.dma_semaphore, #tpu.memory_space<semaphore_mem>>
      %dma_wait3A_340 = tpu.memref_squeeze %dma_wait3A_339 : memref<1x!tpu.dma_semaphore, #tpu.memory_space<semaphore_mem>> -> memref<!tpu.dma_semaphore, #tpu.memory_space<semaphore_mem>>
      tpu.wait_indirect_dma semaphore(%dma_wait3A_340 : memref<!tpu.dma_semaphore, #tpu.memory_space<semaphore_mem>>) src(%dma_wait3A_332 : memref<32x128xf32, #tpu.memory_space<vmem>>) dst(%dma_wait3A_338 : memref<10112x128xf32, #tpu.memory_space<vmem_shared>>)
      %lt3A_341 = arith.constant 53 : i32
      %lt3A_342 = arith.cmpi slt, %add3A_113, %lt3A_341 : i32
      %convert_element_type3A_343 = arith.extui %lt3A_342 : i1 to i32
      %cond3A_344 = arith.constant 0 : i32
      %cond3A_345 = arith.cmpi ne, %convert_element_type3A_343, %cond3A_344 : i32
      scf.if %cond3A_345 {
        %add3A_430 = arith.constant 6 : i32
        %add3A_431 = arith.addi %mul3A_115, %add3A_430 : i32
        %add3A_432 = arith.constant 1 : i32
        %add3A_433 = arith.addi %add3A_431, %add3A_432 : i32
        %dma_start3A_434 = arith.constant 1 : i32
        %dma_start3A_435 = arith.constant 1 : i32
        %dma_start3A_436 = arith.constant 0 : i32
        %dma_start3A_437 = arith.constant 0 : i32
        %dma_start3A_438 = tpu.memref_slice %arg8[%dma_start3A_434, %dma_start3A_436, %dma_start3A_437] : memref<6x32x128xf32, #tpu.memory_space<vmem>> -> memref<1x32x128xf32, #tpu.memory_space<vmem>>
        %dma_start3A_439 = tpu.memref_squeeze %dma_start3A_438 : memref<1x32x128xf32, #tpu.memory_space<vmem>> -> memref<32x128xf32, #tpu.memory_space<vmem>>
        %dma_start3A_440 = arith.constant 0 : i32
        %dma_start3A_441 = tpu.memref_slice %arg6[%add3A_433, %dma_start3A_440] : memref<324x32xi32, #tpu.memory_space<vmem>> -> memref<1x32xi32, #tpu.memory_space<vmem>>
        %dma_start3A_442 = tpu.memref_squeeze %dma_start3A_441 : memref<1x32xi32, #tpu.memory_space<vmem>> -> memref<32xi32, #tpu.memory_space<vmem>>
        %dma_start3A_443 = arith.constant 0 : i32
        %dma_start3A_444 = arith.constant 0 : i32
        %dma_start3A_445 = tpu.memref_slice %arg2[%dma_start3A_443, %dma_start3A_444] : memref<10112x128xf32, #tpu.memory_space<hbm>> -> memref<10112x128xf32, #tpu.memory_space<hbm>>
        %dma_start3A_446 = tpu.memref_slice %arg11[%dma_start3A_435] : memref<6x!tpu.dma_semaphore, #tpu.memory_space<semaphore_mem>> -> memref<1x!tpu.dma_semaphore, #tpu.memory_space<semaphore_mem>>
        %dma_start3A_447 = tpu.memref_squeeze %dma_start3A_446 : memref<1x!tpu.dma_semaphore, #tpu.memory_space<semaphore_mem>> -> memref<!tpu.dma_semaphore, #tpu.memory_space<semaphore_mem>>
        tpu.enqueue_indirect_dma source(%dma_start3A_445 : memref<10112x128xf32, #tpu.memory_space<hbm>>) target(%dma_start3A_439 : memref<32x128xf32, #tpu.memory_space<vmem>>) offsets(%dma_start3A_442 : memref<32xi32, #tpu.memory_space<vmem>>) semaphore(%dma_start3A_447 : memref<!tpu.dma_semaphore, #tpu.memory_space<semaphore_mem>>)
      } else {
      }
      %add3A_346 = arith.constant 2 : i32
      %add3A_347 = arith.addi %mul3A_115, %add3A_346 : i32
      %dma_wait3A_348 = arith.constant 2 : i32
      %dma_wait3A_349 = arith.constant 2 : i32
      %dma_wait3A_350 = arith.constant 0 : i32
      %dma_wait3A_351 = arith.constant 0 : i32
      %dma_wait3A_352 = tpu.memref_slice %arg8[%dma_wait3A_348, %dma_wait3A_350, %dma_wait3A_351] : memref<6x32x128xf32, #tpu.memory_space<vmem>> -> memref<1x32x128xf32, #tpu.memory_space<vmem>>
      %dma_wait3A_353 = tpu.memref_squeeze %dma_wait3A_352 : memref<1x32x128xf32, #tpu.memory_space<vmem>> -> memref<32x128xf32, #tpu.memory_space<vmem>>
      %dma_wait3A_354 = arith.constant 0 : i32
      %dma_wait3A_355 = tpu.memref_slice %arg7[%add3A_347, %dma_wait3A_354] : memref<324x32xi32, #tpu.memory_space<vmem>> -> memref<1x32xi32, #tpu.memory_space<vmem>>
      %dma_wait3A_356 = tpu.memref_squeeze %dma_wait3A_355 : memref<1x32xi32, #tpu.memory_space<vmem>> -> memref<32xi32, #tpu.memory_space<vmem>>
      %dma_wait3A_357 = arith.constant 0 : i32
      %dma_wait3A_358 = arith.constant 0 : i32
      %dma_wait3A_359 = tpu.memref_slice %arg10[%dma_wait3A_357, %dma_wait3A_358] : memref<10112x128xf32, #tpu.memory_space<vmem_shared>> -> memref<10112x128xf32, #tpu.memory_space<vmem_shared>>
      %dma_wait3A_360 = tpu.memref_slice %arg12[%dma_wait3A_349] : memref<6x!tpu.dma_semaphore, #tpu.memory_space<semaphore_mem>> -> memref<1x!tpu.dma_semaphore, #tpu.memory_space<semaphore_mem>>
      %dma_wait3A_361 = tpu.memref_squeeze %dma_wait3A_360 : memref<1x!tpu.dma_semaphore, #tpu.memory_space<semaphore_mem>> -> memref<!tpu.dma_semaphore, #tpu.memory_space<semaphore_mem>>
      tpu.wait_indirect_dma semaphore(%dma_wait3A_361 : memref<!tpu.dma_semaphore, #tpu.memory_space<semaphore_mem>>) src(%dma_wait3A_353 : memref<32x128xf32, #tpu.memory_space<vmem>>) dst(%dma_wait3A_359 : memref<10112x128xf32, #tpu.memory_space<vmem_shared>>)
      %lt3A_362 = arith.constant 53 : i32
      %lt3A_363 = arith.cmpi slt, %add3A_113, %lt3A_362 : i32
      %convert_element_type3A_364 = arith.extui %lt3A_363 : i1 to i32
      %cond3A_365 = arith.constant 0 : i32
      %cond3A_366 = arith.cmpi ne, %convert_element_type3A_364, %cond3A_365 : i32
      scf.if %cond3A_366 {
        %add3A_430 = arith.constant 6 : i32
        %add3A_431 = arith.addi %mul3A_115, %add3A_430 : i32
        %add3A_432 = arith.constant 2 : i32
        %add3A_433 = arith.addi %add3A_431, %add3A_432 : i32
        %dma_start3A_434 = arith.constant 2 : i32
        %dma_start3A_435 = arith.constant 2 : i32
        %dma_start3A_436 = arith.constant 0 : i32
        %dma_start3A_437 = arith.constant 0 : i32
        %dma_start3A_438 = tpu.memref_slice %arg8[%dma_start3A_434, %dma_start3A_436, %dma_start3A_437] : memref<6x32x128xf32, #tpu.memory_space<vmem>> -> memref<1x32x128xf32, #tpu.memory_space<vmem>>
        %dma_start3A_439 = tpu.memref_squeeze %dma_start3A_438 : memref<1x32x128xf32, #tpu.memory_space<vmem>> -> memref<32x128xf32, #tpu.memory_space<vmem>>
        %dma_start3A_440 = arith.constant 0 : i32
        %dma_start3A_441 = tpu.memref_slice %arg6[%add3A_433, %dma_start3A_440] : memref<324x32xi32, #tpu.memory_space<vmem>> -> memref<1x32xi32, #tpu.memory_space<vmem>>
        %dma_start3A_442 = tpu.memref_squeeze %dma_start3A_441 : memref<1x32xi32, #tpu.memory_space<vmem>> -> memref<32xi32, #tpu.memory_space<vmem>>
        %dma_start3A_443 = arith.constant 0 : i32
        %dma_start3A_444 = arith.constant 0 : i32
        %dma_start3A_445 = tpu.memref_slice %arg2[%dma_start3A_443, %dma_start3A_444] : memref<10112x128xf32, #tpu.memory_space<hbm>> -> memref<10112x128xf32, #tpu.memory_space<hbm>>
        %dma_start3A_446 = tpu.memref_slice %arg11[%dma_start3A_435] : memref<6x!tpu.dma_semaphore, #tpu.memory_space<semaphore_mem>> -> memref<1x!tpu.dma_semaphore, #tpu.memory_space<semaphore_mem>>
        %dma_start3A_447 = tpu.memref_squeeze %dma_start3A_446 : memref<1x!tpu.dma_semaphore, #tpu.memory_space<semaphore_mem>> -> memref<!tpu.dma_semaphore, #tpu.memory_space<semaphore_mem>>
        tpu.enqueue_indirect_dma source(%dma_start3A_445 : memref<10112x128xf32, #tpu.memory_space<hbm>>) target(%dma_start3A_439 : memref<32x128xf32, #tpu.memory_space<vmem>>) offsets(%dma_start3A_442 : memref<32xi32, #tpu.memory_space<vmem>>) semaphore(%dma_start3A_447 : memref<!tpu.dma_semaphore, #tpu.memory_space<semaphore_mem>>)
      } else {
      }
      %add3A_367 = arith.constant 3 : i32
      %add3A_368 = arith.addi %mul3A_115, %add3A_367 : i32
      %dma_wait3A_369 = arith.constant 3 : i32
      %dma_wait3A_370 = arith.constant 3 : i32
      %dma_wait3A_371 = arith.constant 0 : i32
      %dma_wait3A_372 = arith.constant 0 : i32
      %dma_wait3A_373 = tpu.memref_slice %arg8[%dma_wait3A_369, %dma_wait3A_371, %dma_wait3A_372] : memref<6x32x128xf32, #tpu.memory_space<vmem>> -> memref<1x32x128xf32, #tpu.memory_space<vmem>>
      %dma_wait3A_374 = tpu.memref_squeeze %dma_wait3A_373 : memref<1x32x128xf32, #tpu.memory_space<vmem>> -> memref<32x128xf32, #tpu.memory_space<vmem>>
      %dma_wait3A_375 = arith.constant 0 : i32
      %dma_wait3A_376 = tpu.memref_slice %arg7[%add3A_368, %dma_wait3A_375] : memref<324x32xi32, #tpu.memory_space<vmem>> -> memref<1x32xi32, #tpu.memory_space<vmem>>
      %dma_wait3A_377 = tpu.memref_squeeze %dma_wait3A_376 : memref<1x32xi32, #tpu.memory_space<vmem>> -> memref<32xi32, #tpu.memory_space<vmem>>
      %dma_wait3A_378 = arith.constant 0 : i32
      %dma_wait3A_379 = arith.constant 0 : i32
      %dma_wait3A_380 = tpu.memref_slice %arg10[%dma_wait3A_378, %dma_wait3A_379] : memref<10112x128xf32, #tpu.memory_space<vmem_shared>> -> memref<10112x128xf32, #tpu.memory_space<vmem_shared>>
      %dma_wait3A_381 = tpu.memref_slice %arg12[%dma_wait3A_370] : memref<6x!tpu.dma_semaphore, #tpu.memory_space<semaphore_mem>> -> memref<1x!tpu.dma_semaphore, #tpu.memory_space<semaphore_mem>>
      %dma_wait3A_382 = tpu.memref_squeeze %dma_wait3A_381 : memref<1x!tpu.dma_semaphore, #tpu.memory_space<semaphore_mem>> -> memref<!tpu.dma_semaphore, #tpu.memory_space<semaphore_mem>>
      tpu.wait_indirect_dma semaphore(%dma_wait3A_382 : memref<!tpu.dma_semaphore, #tpu.memory_space<semaphore_mem>>) src(%dma_wait3A_374 : memref<32x128xf32, #tpu.memory_space<vmem>>) dst(%dma_wait3A_380 : memref<10112x128xf32, #tpu.memory_space<vmem_shared>>)
      %lt3A_383 = arith.constant 53 : i32
      %lt3A_384 = arith.cmpi slt, %add3A_113, %lt3A_383 : i32
      %convert_element_type3A_385 = arith.extui %lt3A_384 : i1 to i32
      %cond3A_386 = arith.constant 0 : i32
      %cond3A_387 = arith.cmpi ne, %convert_element_type3A_385, %cond3A_386 : i32
      scf.if %cond3A_387 {
        %add3A_430 = arith.constant 6 : i32
        %add3A_431 = arith.addi %mul3A_115, %add3A_430 : i32
        %add3A_432 = arith.constant 3 : i32
        %add3A_433 = arith.addi %add3A_431, %add3A_432 : i32
        %dma_start3A_434 = arith.constant 3 : i32
        %dma_start3A_435 = arith.constant 3 : i32
        %dma_start3A_436 = arith.constant 0 : i32
        %dma_start3A_437 = arith.constant 0 : i32
        %dma_start3A_438 = tpu.memref_slice %arg8[%dma_start3A_434, %dma_start3A_436, %dma_start3A_437] : memref<6x32x128xf32, #tpu.memory_space<vmem>> -> memref<1x32x128xf32, #tpu.memory_space<vmem>>
        %dma_start3A_439 = tpu.memref_squeeze %dma_start3A_438 : memref<1x32x128xf32, #tpu.memory_space<vmem>> -> memref<32x128xf32, #tpu.memory_space<vmem>>
        %dma_start3A_440 = arith.constant 0 : i32
        %dma_start3A_441 = tpu.memref_slice %arg6[%add3A_433, %dma_start3A_440] : memref<324x32xi32, #tpu.memory_space<vmem>> -> memref<1x32xi32, #tpu.memory_space<vmem>>
        %dma_start3A_442 = tpu.memref_squeeze %dma_start3A_441 : memref<1x32xi32, #tpu.memory_space<vmem>> -> memref<32xi32, #tpu.memory_space<vmem>>
        %dma_start3A_443 = arith.constant 0 : i32
        %dma_start3A_444 = arith.constant 0 : i32
        %dma_start3A_445 = tpu.memref_slice %arg2[%dma_start3A_443, %dma_start3A_444] : memref<10112x128xf32, #tpu.memory_space<hbm>> -> memref<10112x128xf32, #tpu.memory_space<hbm>>
        %dma_start3A_446 = tpu.memref_slice %arg11[%dma_start3A_435] : memref<6x!tpu.dma_semaphore, #tpu.memory_space<semaphore_mem>> -> memref<1x!tpu.dma_semaphore, #tpu.memory_space<semaphore_mem>>
        %dma_start3A_447 = tpu.memref_squeeze %dma_start3A_446 : memref<1x!tpu.dma_semaphore, #tpu.memory_space<semaphore_mem>> -> memref<!tpu.dma_semaphore, #tpu.memory_space<semaphore_mem>>
        tpu.enqueue_indirect_dma source(%dma_start3A_445 : memref<10112x128xf32, #tpu.memory_space<hbm>>) target(%dma_start3A_439 : memref<32x128xf32, #tpu.memory_space<vmem>>) offsets(%dma_start3A_442 : memref<32xi32, #tpu.memory_space<vmem>>) semaphore(%dma_start3A_447 : memref<!tpu.dma_semaphore, #tpu.memory_space<semaphore_mem>>)
      } else {
      }
      %add3A_388 = arith.constant 4 : i32
      %add3A_389 = arith.addi %mul3A_115, %add3A_388 : i32
      %dma_wait3A_390 = arith.constant 4 : i32
      %dma_wait3A_391 = arith.constant 4 : i32
      %dma_wait3A_392 = arith.constant 0 : i32
      %dma_wait3A_393 = arith.constant 0 : i32
      %dma_wait3A_394 = tpu.memref_slice %arg8[%dma_wait3A_390, %dma_wait3A_392, %dma_wait3A_393] : memref<6x32x128xf32, #tpu.memory_space<vmem>> -> memref<1x32x128xf32, #tpu.memory_space<vmem>>
      %dma_wait3A_395 = tpu.memref_squeeze %dma_wait3A_394 : memref<1x32x128xf32, #tpu.memory_space<vmem>> -> memref<32x128xf32, #tpu.memory_space<vmem>>
      %dma_wait3A_396 = arith.constant 0 : i32
      %dma_wait3A_397 = tpu.memref_slice %arg7[%add3A_389, %dma_wait3A_396] : memref<324x32xi32, #tpu.memory_space<vmem>> -> memref<1x32xi32, #tpu.memory_space<vmem>>
      %dma_wait3A_398 = tpu.memref_squeeze %dma_wait3A_397 : memref<1x32xi32, #tpu.memory_space<vmem>> -> memref<32xi32, #tpu.memory_space<vmem>>
      %dma_wait3A_399 = arith.constant 0 : i32
      %dma_wait3A_400 = arith.constant 0 : i32
      %dma_wait3A_401 = tpu.memref_slice %arg10[%dma_wait3A_399, %dma_wait3A_400] : memref<10112x128xf32, #tpu.memory_space<vmem_shared>> -> memref<10112x128xf32, #tpu.memory_space<vmem_shared>>
      %dma_wait3A_402 = tpu.memref_slice %arg12[%dma_wait3A_391] : memref<6x!tpu.dma_semaphore, #tpu.memory_space<semaphore_mem>> -> memref<1x!tpu.dma_semaphore, #tpu.memory_space<semaphore_mem>>
      %dma_wait3A_403 = tpu.memref_squeeze %dma_wait3A_402 : memref<1x!tpu.dma_semaphore, #tpu.memory_space<semaphore_mem>> -> memref<!tpu.dma_semaphore, #tpu.memory_space<semaphore_mem>>
      tpu.wait_indirect_dma semaphore(%dma_wait3A_403 : memref<!tpu.dma_semaphore, #tpu.memory_space<semaphore_mem>>) src(%dma_wait3A_395 : memref<32x128xf32, #tpu.memory_space<vmem>>) dst(%dma_wait3A_401 : memref<10112x128xf32, #tpu.memory_space<vmem_shared>>)
      %lt3A_404 = arith.constant 53 : i32
      %lt3A_405 = arith.cmpi slt, %add3A_113, %lt3A_404 : i32
      %convert_element_type3A_406 = arith.extui %lt3A_405 : i1 to i32
      %cond3A_407 = arith.constant 0 : i32
      %cond3A_408 = arith.cmpi ne, %convert_element_type3A_406, %cond3A_407 : i32
      scf.if %cond3A_408 {
        %add3A_430 = arith.constant 6 : i32
        %add3A_431 = arith.addi %mul3A_115, %add3A_430 : i32
        %add3A_432 = arith.constant 4 : i32
        %add3A_433 = arith.addi %add3A_431, %add3A_432 : i32
        %dma_start3A_434 = arith.constant 4 : i32
        %dma_start3A_435 = arith.constant 4 : i32
        %dma_start3A_436 = arith.constant 0 : i32
        %dma_start3A_437 = arith.constant 0 : i32
        %dma_start3A_438 = tpu.memref_slice %arg8[%dma_start3A_434, %dma_start3A_436, %dma_start3A_437] : memref<6x32x128xf32, #tpu.memory_space<vmem>> -> memref<1x32x128xf32, #tpu.memory_space<vmem>>
        %dma_start3A_439 = tpu.memref_squeeze %dma_start3A_438 : memref<1x32x128xf32, #tpu.memory_space<vmem>> -> memref<32x128xf32, #tpu.memory_space<vmem>>
        %dma_start3A_440 = arith.constant 0 : i32
        %dma_start3A_441 = tpu.memref_slice %arg6[%add3A_433, %dma_start3A_440] : memref<324x32xi32, #tpu.memory_space<vmem>> -> memref<1x32xi32, #tpu.memory_space<vmem>>
        %dma_start3A_442 = tpu.memref_squeeze %dma_start3A_441 : memref<1x32xi32, #tpu.memory_space<vmem>> -> memref<32xi32, #tpu.memory_space<vmem>>
        %dma_start3A_443 = arith.constant 0 : i32
        %dma_start3A_444 = arith.constant 0 : i32
        %dma_start3A_445 = tpu.memref_slice %arg2[%dma_start3A_443, %dma_start3A_444] : memref<10112x128xf32, #tpu.memory_space<hbm>> -> memref<10112x128xf32, #tpu.memory_space<hbm>>
        %dma_start3A_446 = tpu.memref_slice %arg11[%dma_start3A_435] : memref<6x!tpu.dma_semaphore, #tpu.memory_space<semaphore_mem>> -> memref<1x!tpu.dma_semaphore, #tpu.memory_space<semaphore_mem>>
        %dma_start3A_447 = tpu.memref_squeeze %dma_start3A_446 : memref<1x!tpu.dma_semaphore, #tpu.memory_space<semaphore_mem>> -> memref<!tpu.dma_semaphore, #tpu.memory_space<semaphore_mem>>
        tpu.enqueue_indirect_dma source(%dma_start3A_445 : memref<10112x128xf32, #tpu.memory_space<hbm>>) target(%dma_start3A_439 : memref<32x128xf32, #tpu.memory_space<vmem>>) offsets(%dma_start3A_442 : memref<32xi32, #tpu.memory_space<vmem>>) semaphore(%dma_start3A_447 : memref<!tpu.dma_semaphore, #tpu.memory_space<semaphore_mem>>)
      } else {
      }
      %add3A_409 = arith.constant 5 : i32
      %add3A_410 = arith.addi %mul3A_115, %add3A_409 : i32
      %dma_wait3A_411 = arith.constant 5 : i32
      %dma_wait3A_412 = arith.constant 5 : i32
      %dma_wait3A_413 = arith.constant 0 : i32
      %dma_wait3A_414 = arith.constant 0 : i32
      %dma_wait3A_415 = tpu.memref_slice %arg8[%dma_wait3A_411, %dma_wait3A_413, %dma_wait3A_414] : memref<6x32x128xf32, #tpu.memory_space<vmem>> -> memref<1x32x128xf32, #tpu.memory_space<vmem>>
      %dma_wait3A_416 = tpu.memref_squeeze %dma_wait3A_415 : memref<1x32x128xf32, #tpu.memory_space<vmem>> -> memref<32x128xf32, #tpu.memory_space<vmem>>
      %dma_wait3A_417 = arith.constant 0 : i32
      %dma_wait3A_418 = tpu.memref_slice %arg7[%add3A_410, %dma_wait3A_417] : memref<324x32xi32, #tpu.memory_space<vmem>> -> memref<1x32xi32, #tpu.memory_space<vmem>>
      %dma_wait3A_419 = tpu.memref_squeeze %dma_wait3A_418 : memref<1x32xi32, #tpu.memory_space<vmem>> -> memref<32xi32, #tpu.memory_space<vmem>>
      %dma_wait3A_420 = arith.constant 0 : i32
      %dma_wait3A_421 = arith.constant 0 : i32
      %dma_wait3A_422 = tpu.memref_slice %arg10[%dma_wait3A_420, %dma_wait3A_421] : memref<10112x128xf32, #tpu.memory_space<vmem_shared>> -> memref<10112x128xf32, #tpu.memory_space<vmem_shared>>
      %dma_wait3A_423 = tpu.memref_slice %arg12[%dma_wait3A_412] : memref<6x!tpu.dma_semaphore, #tpu.memory_space<semaphore_mem>> -> memref<1x!tpu.dma_semaphore, #tpu.memory_space<semaphore_mem>>
      %dma_wait3A_424 = tpu.memref_squeeze %dma_wait3A_423 : memref<1x!tpu.dma_semaphore, #tpu.memory_space<semaphore_mem>> -> memref<!tpu.dma_semaphore, #tpu.memory_space<semaphore_mem>>
      tpu.wait_indirect_dma semaphore(%dma_wait3A_424 : memref<!tpu.dma_semaphore, #tpu.memory_space<semaphore_mem>>) src(%dma_wait3A_416 : memref<32x128xf32, #tpu.memory_space<vmem>>) dst(%dma_wait3A_422 : memref<10112x128xf32, #tpu.memory_space<vmem_shared>>)
      %lt3A_425 = arith.constant 53 : i32
      %lt3A_426 = arith.cmpi slt, %add3A_113, %lt3A_425 : i32
      %convert_element_type3A_427 = arith.extui %lt3A_426 : i1 to i32
      %cond3A_428 = arith.constant 0 : i32
      %cond3A_429 = arith.cmpi ne, %convert_element_type3A_427, %cond3A_428 : i32
      scf.if %cond3A_429 {
        %add3A_430 = arith.constant 6 : i32
        %add3A_431 = arith.addi %mul3A_115, %add3A_430 : i32
        %add3A_432 = arith.constant 5 : i32
        %add3A_433 = arith.addi %add3A_431, %add3A_432 : i32
        %dma_start3A_434 = arith.constant 5 : i32
        %dma_start3A_435 = arith.constant 5 : i32
        %dma_start3A_436 = arith.constant 0 : i32
        %dma_start3A_437 = arith.constant 0 : i32
        %dma_start3A_438 = tpu.memref_slice %arg8[%dma_start3A_434, %dma_start3A_436, %dma_start3A_437] : memref<6x32x128xf32, #tpu.memory_space<vmem>> -> memref<1x32x128xf32, #tpu.memory_space<vmem>>
        %dma_start3A_439 = tpu.memref_squeeze %dma_start3A_438 : memref<1x32x128xf32, #tpu.memory_space<vmem>> -> memref<32x128xf32, #tpu.memory_space<vmem>>
        %dma_start3A_440 = arith.constant 0 : i32
        %dma_start3A_441 = tpu.memref_slice %arg6[%add3A_433, %dma_start3A_440] : memref<324x32xi32, #tpu.memory_space<vmem>> -> memref<1x32xi32, #tpu.memory_space<vmem>>
        %dma_start3A_442 = tpu.memref_squeeze %dma_start3A_441 : memref<1x32xi32, #tpu.memory_space<vmem>> -> memref<32xi32, #tpu.memory_space<vmem>>
        %dma_start3A_443 = arith.constant 0 : i32
        %dma_start3A_444 = arith.constant 0 : i32
        %dma_start3A_445 = tpu.memref_slice %arg2[%dma_start3A_443, %dma_start3A_444] : memref<10112x128xf32, #tpu.memory_space<hbm>> -> memref<10112x128xf32, #tpu.memory_space<hbm>>
        %dma_start3A_446 = tpu.memref_slice %arg11[%dma_start3A_435] : memref<6x!tpu.dma_semaphore, #tpu.memory_space<semaphore_mem>> -> memref<1x!tpu.dma_semaphore, #tpu.memory_space<semaphore_mem>>
        %dma_start3A_447 = tpu.memref_squeeze %dma_start3A_446 : memref<1x!tpu.dma_semaphore, #tpu.memory_space<semaphore_mem>> -> memref<!tpu.dma_semaphore, #tpu.memory_space<semaphore_mem>>
        tpu.enqueue_indirect_dma source(%dma_start3A_445 : memref<10112x128xf32, #tpu.memory_space<hbm>>) target(%dma_start3A_439 : memref<32x128xf32, #tpu.memory_space<vmem>>) offsets(%dma_start3A_442 : memref<32xi32, #tpu.memory_space<vmem>>) semaphore(%dma_start3A_447 : memref<!tpu.dma_semaphore, #tpu.memory_space<semaphore_mem>>)
      } else {
      }
    }
    %scan3A_107 = arith.constant 54 : i32
    %barrier3A_108 = arith.constant 0 : index
    tpu.barrier barrier_id(%barrier3A_108)
    "tpu.region"() ({
      %run_scoped3A = tpu.sem_alloc : memref<!tpu.dma_semaphore, #tpu.memory_space<semaphore_mem>>
      %dma_start3A_109 = arith.constant 0 : i32
      %dma_start3A_110 = tpu.memref_slice %arg5[%arg0, %mul3A_6, %dma_start3A_109] : memref<2x10112x128xf32, #tpu.memory_space<hbm>> -> memref<1x632x128xf32, #tpu.memory_space<hbm>>
      %dma_start3A_111 = tpu.memref_squeeze %dma_start3A_110 : memref<1x632x128xf32, #tpu.memory_space<hbm>> -> memref<632x128xf32, #tpu.memory_space<hbm>>
      %dma_start3A_112 = arith.constant 0 : i32
      %dma_start3A_113 = tpu.memref_slice %arg10[%mul3A_6, %dma_start3A_112] : memref<10112x128xf32, #tpu.memory_space<vmem_shared>> -> memref<632x128xf32, #tpu.memory_space<vmem_shared>>
      tpu.enqueue_dma source(%dma_start3A_113 : memref<632x128xf32, #tpu.memory_space<vmem_shared>>) target(%dma_start3A_111 : memref<632x128xf32, #tpu.memory_space<hbm>>) target_semaphore(%run_scoped3A : memref<!tpu.dma_semaphore, #tpu.memory_space<semaphore_mem>>)
      %dma_wait3A = arith.constant 0 : i32
      %dma_wait3A_114 = tpu.memref_slice %arg5[%arg0, %mul3A_6, %dma_wait3A] : memref<2x10112x128xf32, #tpu.memory_space<hbm>> -> memref<1x632x128xf32, #tpu.memory_space<hbm>>
      %dma_wait3A_115 = tpu.memref_squeeze %dma_wait3A_114 : memref<1x632x128xf32, #tpu.memory_space<hbm>> -> memref<632x128xf32, #tpu.memory_space<hbm>>
      %dma_wait3A_116 = arith.constant 0 : i32
      %dma_wait3A_117 = tpu.memref_slice %arg10[%mul3A_6, %dma_wait3A_116] : memref<10112x128xf32, #tpu.memory_space<vmem_shared>> -> memref<632x128xf32, #tpu.memory_space<vmem_shared>>
      tpu.wait_dma2 semaphore(%run_scoped3A : memref<!tpu.dma_semaphore, #tpu.memory_space<semaphore_mem>>) src(%dma_wait3A_117 : memref<632x128xf32, #tpu.memory_space<vmem_shared>>) dst(%dma_wait3A_115 : memref<632x128xf32, #tpu.memory_space<hbm>>)
      tpu.yield
    }) : () -> ()
    return
  }
}

module attributes {stable_mosaic.version = 14 : i64} {
  func.func @_linear_body(%arg0: i32, %arg1: memref<1264x128xf32, #tpu.memory_space<vmem>>, %arg2: memref<128x128xf32, #tpu.memory_space<vmem>>, %arg3: memref<1x128xf32, #tpu.memory_space<vmem>>, %arg4: memref<1264x128xf32, #tpu.memory_space<vmem>>) attributes {dimension_semantics = [#tpu.dimension_semantics<arbitrary>], iteration_bounds = array<i64: 8>, scalar_prefetch = 0 : i64, scratch_operands = 0 : i64, tpu.core_type = #tpu.core_type<tc>, window_params = [{transform_indices = @transform_0, window_bounds = array<i64: 1264, 128>}, {pipeline_mode = #tpu.pipeline_mode<synchronous>, transform_indices = @transform_1, window_bounds = array<i64: 128, 128>}, {pipeline_mode = #tpu.pipeline_mode<synchronous>, transform_indices = @transform_2, window_bounds = array<i64: 1, 128>}, {transform_indices = @transform_3, window_bounds = array<i64: 1264, 128>}]} {
    %get3A = arith.constant 0 : index
    %get3A_0 = arith.constant 0 : index
    %get3A_1 = vector.load %arg1[%get3A, %get3A_0] : memref<1264x128xf32, #tpu.memory_space<vmem>>, vector<1264x128xf32>
    %get3A_2 = arith.constant 0 : index
    %get3A_3 = arith.constant 0 : index
    %get3A_4 = vector.load %arg2[%get3A_2, %get3A_3] : memref<128x128xf32, #tpu.memory_space<vmem>>, vector<128x128xf32>
    %dot_general3A = arith.constant dense<0.000000e+00> : vector<1264x128xf32>
    %dot_general3A_5 = tpu.matmul %get3A_1, %get3A_4, %dot_general3A {dimension_numbers = #tpu.dot_dimension_numbers<[1], [0], [0], [1], [0, 0, 1, 1], [], []>, transpose_lhs_hint = false} : vector<1264x128xf32>, vector<128x128xf32>, vector<1264x128xf32> -> vector<1264x128xf32>
    %get3A_6 = arith.constant 0 : index
    %get3A_7 = arith.constant 0 : index
    %get3A_8 = vector.load %arg3[%get3A_6, %get3A_7] : memref<1x128xf32, #tpu.memory_space<vmem>>, vector<1x128xf32>
    %add3A = vector.broadcast %get3A_8 : vector<1x128xf32> to vector<1264x128xf32>
    %add3A_9 = arith.addf %dot_general3A_5, %add3A : vector<1264x128xf32>
    %swap3A = arith.constant 0 : index
    %swap3A_10 = arith.constant 0 : index
    %swap3A_11 = vector.load %arg4[%swap3A, %swap3A_10] : memref<1264x128xf32, #tpu.memory_space<vmem>>, vector<1264x128xf32>
    tpu.vector_store %arg4[%swap3A, %swap3A_10], %add3A_9 {strides = array<i32>} : memref<1264x128xf32, #tpu.memory_space<vmem>>, vector<1264x128xf32>,
    return
  }
  func.func @transform_0(%arg0: i32) -> (i32, i32) {
    %c0_i32 = arith.constant 0 : i32
    %c0_i32_0 = arith.constant 0 : i32
    return %arg0, %c0_i32 : i32, i32
  }
  func.func @transform_1(%arg0: i32) -> (i32, i32) {
    %c0_i32 = arith.constant 0 : i32
    %c0_i32_0 = arith.constant 0 : i32
    %c0_i32_1 = arith.constant 0 : i32
    return %c0_i32, %c0_i32_0 : i32, i32
  }
  func.func @transform_2(%arg0: i32) -> (i32, i32) {
    %c0_i32 = arith.constant 0 : i32
    %c0_i32_0 = arith.constant 0 : i32
    %c0_i32_1 = arith.constant 0 : i32
    return %c0_i32, %c0_i32_0 : i32, i32
  }
  func.func @transform_3(%arg0: i32) -> (i32, i32) {
    %c0_i32 = arith.constant 0 : i32
    %c0_i32_0 = arith.constant 0 : i32
    return %arg0, %c0_i32 : i32, i32
  }
}

module attributes {stable_mosaic.version = 14 : i64} {
  func.func @_mid_body(%arg0: i32, %arg1: memref<2x1264x128xf32, #tpu.memory_space<vmem>>, %arg2: memref<2x1264x16xf32, #tpu.memory_space<vmem>>, %arg3: memref<128x128xf32, #tpu.memory_space<vmem>>, %arg4: memref<1x128xf32, #tpu.memory_space<vmem>>, %arg5: memref<1264x128xf32, #tpu.memory_space<vmem>>) attributes {dimension_semantics = [#tpu.dimension_semantics<arbitrary>], iteration_bounds = array<i64: 8>, scalar_prefetch = 0 : i64, scratch_operands = 0 : i64, tpu.core_type = #tpu.core_type<tc>, window_params = [{transform_indices = @transform_0, window_bounds = array<i64: 2, 1264, 128>}, {transform_indices = @transform_1, window_bounds = array<i64: 2, 1264, 16>}, {pipeline_mode = #tpu.pipeline_mode<synchronous>, transform_indices = @transform_2, window_bounds = array<i64: 128, 128>}, {pipeline_mode = #tpu.pipeline_mode<synchronous>, transform_indices = @transform_3, window_bounds = array<i64: 1, 128>}, {transform_indices = @transform_4, window_bounds = array<i64: 1264, 128>}]} {
    %get3A = arith.constant 0 : index
    %get3A_0 = arith.constant 0 : index
    %get3A_1 = arith.constant 0 : index
    %get3A_2 = vector.load %arg1[%get3A, %get3A_0, %get3A_1] : memref<2x1264x128xf32, #tpu.memory_space<vmem>>, vector<1x1264x128xf32>
    %get3A_3 = vector.shape_cast %get3A_2 : vector<1x1264x128xf32> to vector<1264x128xf32>
    %get3A_4 = arith.constant 1 : index
    %get3A_5 = arith.constant 0 : index
    %get3A_6 = arith.constant 0 : index
    %get3A_7 = vector.load %arg1[%get3A_4, %get3A_5, %get3A_6] : memref<2x1264x128xf32, #tpu.memory_space<vmem>>, vector<1x1264x128xf32>
    %get3A_8 = vector.shape_cast %get3A_7 : vector<1x1264x128xf32> to vector<1264x128xf32>
    %add3A = arith.addf %get3A_3, %get3A_8 : vector<1264x128xf32>
    %get3A_9 = arith.constant 0 : index
    %get3A_10 = arith.constant 0 : index
    %get3A_11 = arith.constant 0 : index
    %get3A_12 = vector.load %arg2[%get3A_9, %get3A_10, %get3A_11] : memref<2x1264x16xf32, #tpu.memory_space<vmem>>, vector<1x1264x1xf32>
    %get3A_13 = vector.shape_cast %get3A_12 : vector<1x1264x1xf32> to vector<1264x1xf32>
    %get3A_14 = arith.constant 1 : index
    %get3A_15 = arith.constant 0 : index
    %get3A_16 = arith.constant 0 : index
    %get3A_17 = vector.load %arg2[%get3A_14, %get3A_15, %get3A_16] : memref<2x1264x16xf32, #tpu.memory_space<vmem>>, vector<1x1264x1xf32>
    %get3A_18 = vector.shape_cast %get3A_17 : vector<1x1264x1xf32> to vector<1264x1xf32>
    %add3A_19 = arith.addf %get3A_13, %get3A_18 : vector<1264x1xf32>
    %max3A = arith.constant 1.000000e+00 : f32
    %max3A_20 = vector.broadcast %max3A : f32 to vector<1264x1xf32>
    %max3A_21 = arith.maximumf %add3A_19, %max3A_20 : vector<1264x1xf32>
    %div3A = vector.broadcast %max3A_21 : vector<1264x1xf32> to vector<1264x128xf32>
    %div3A_22 = arith.divf %add3A, %div3A : vector<1264x128xf32>
    %max3A_23 = arith.constant 0.000000e+00 : f32
    %max3A_24 = vector.broadcast %max3A_23 : f32 to vector<1264x128xf32>
    %max3A_25 = arith.maximumf %div3A_22, %max3A_24 : vector<1264x128xf32>
    %get3A_26 = arith.constant 0 : index
    %get3A_27 = arith.constant 0 : index
    %get3A_28 = vector.load %arg3[%get3A_26, %get3A_27] : memref<128x128xf32, #tpu.memory_space<vmem>>, vector<128x128xf32>
    %dot_general3A = arith.constant dense<0.000000e+00> : vector<1264x128xf32>
    %dot_general3A_29 = tpu.matmul %max3A_25, %get3A_28, %dot_general3A {dimension_numbers = #tpu.dot_dimension_numbers<[1], [0], [0], [1], [0, 0, 1, 1], [], []>, transpose_lhs_hint = false} : vector<1264x128xf32>, vector<128x128xf32>, vector<1264x128xf32> -> vector<1264x128xf32>
    %get3A_30 = arith.constant 0 : index
    %get3A_31 = arith.constant 0 : index
    %get3A_32 = vector.load %arg4[%get3A_30, %get3A_31] : memref<1x128xf32, #tpu.memory_space<vmem>>, vector<1x128xf32>
    %add3A_33 = vector.broadcast %get3A_32 : vector<1x128xf32> to vector<1264x128xf32>
    %add3A_34 = arith.addf %dot_general3A_29, %add3A_33 : vector<1264x128xf32>
    %swap3A = arith.constant 0 : index
    %swap3A_35 = arith.constant 0 : index
    %swap3A_36 = vector.load %arg5[%swap3A, %swap3A_35] : memref<1264x128xf32, #tpu.memory_space<vmem>>, vector<1264x128xf32>
    tpu.vector_store %arg5[%swap3A, %swap3A_35], %add3A_34 {strides = array<i32>} : memref<1264x128xf32, #tpu.memory_space<vmem>>, vector<1264x128xf32>,
    return
  }
  func.func @transform_0(%arg0: i32) -> (i32, i32, i32) {
    %c0_i32 = arith.constant 0 : i32
    %c0_i32_0 = arith.constant 0 : i32
    %c0_i32_1 = arith.constant 0 : i32
    return %c0_i32, %arg0, %c0_i32_0 : i32, i32, i32
  }
  func.func @transform_1(%arg0: i32) -> (i32, i32, i32) {
    %c0_i32 = arith.constant 0 : i32
    %c0_i32_0 = arith.constant 0 : i32
    %c0_i32_1 = arith.constant 0 : i32
    return %c0_i32, %arg0, %c0_i32_0 : i32, i32, i32
  }
  func.func @transform_2(%arg0: i32) -> (i32, i32) {
    %c0_i32 = arith.constant 0 : i32
    %c0_i32_0 = arith.constant 0 : i32
    %c0_i32_1 = arith.constant 0 : i32
    return %c0_i32, %c0_i32_0 : i32, i32
  }
  func.func @transform_3(%arg0: i32) -> (i32, i32) {
    %c0_i32 = arith.constant 0 : i32
    %c0_i32_0 = arith.constant 0 : i32
    %c0_i32_1 = arith.constant 0 : i32
    return %c0_i32, %c0_i32_0 : i32, i32
  }
  func.func @transform_4(%arg0: i32) -> (i32, i32) {
    %c0_i32 = arith.constant 0 : i32
    %c0_i32_0 = arith.constant 0 : i32
    return %arg0, %c0_i32 : i32, i32
  }
}

module attributes {stable_mosaic.version = 14 : i64} {
  func.func @_final_body(%arg0: i32, %arg1: memref<2x1000x128xf32, #tpu.memory_space<vmem>>, %arg2: memref<2x1000x16xf32, #tpu.memory_space<vmem>>, %arg3: memref<1000x128xf32, #tpu.memory_space<vmem>>) attributes {dimension_semantics = [#tpu.dimension_semantics<arbitrary>], iteration_bounds = array<i64: 10>, scalar_prefetch = 0 : i64, scratch_operands = 0 : i64, tpu.core_type = #tpu.core_type<tc>, window_params = [{transform_indices = @transform_0, window_bounds = array<i64: 2, 1000, 128>}, {transform_indices = @transform_1, window_bounds = array<i64: 2, 1000, 16>}, {transform_indices = @transform_2, window_bounds = array<i64: 1000, 128>}]} {
    %get3A = arith.constant 0 : index
    %get3A_0 = arith.constant 0 : index
    %get3A_1 = arith.constant 0 : index
    %get3A_2 = vector.load %arg1[%get3A, %get3A_0, %get3A_1] : memref<2x1000x128xf32, #tpu.memory_space<vmem>>, vector<1x1000x128xf32>
    %get3A_3 = vector.shape_cast %get3A_2 : vector<1x1000x128xf32> to vector<1000x128xf32>
    %get3A_4 = arith.constant 1 : index
    %get3A_5 = arith.constant 0 : index
    %get3A_6 = arith.constant 0 : index
    %get3A_7 = vector.load %arg1[%get3A_4, %get3A_5, %get3A_6] : memref<2x1000x128xf32, #tpu.memory_space<vmem>>, vector<1x1000x128xf32>
    %get3A_8 = vector.shape_cast %get3A_7 : vector<1x1000x128xf32> to vector<1000x128xf32>
    %add3A = arith.addf %get3A_3, %get3A_8 : vector<1000x128xf32>
    %get3A_9 = arith.constant 0 : index
    %get3A_10 = arith.constant 0 : index
    %get3A_11 = arith.constant 0 : index
    %get3A_12 = vector.load %arg2[%get3A_9, %get3A_10, %get3A_11] : memref<2x1000x16xf32, #tpu.memory_space<vmem>>, vector<1x1000x1xf32>
    %get3A_13 = vector.shape_cast %get3A_12 : vector<1x1000x1xf32> to vector<1000x1xf32>
    %get3A_14 = arith.constant 1 : index
    %get3A_15 = arith.constant 0 : index
    %get3A_16 = arith.constant 0 : index
    %get3A_17 = vector.load %arg2[%get3A_14, %get3A_15, %get3A_16] : memref<2x1000x16xf32, #tpu.memory_space<vmem>>, vector<1x1000x1xf32>
    %get3A_18 = vector.shape_cast %get3A_17 : vector<1x1000x1xf32> to vector<1000x1xf32>
    %add3A_19 = arith.addf %get3A_13, %get3A_18 : vector<1000x1xf32>
    %max3A = arith.constant 1.000000e+00 : f32
    %max3A_20 = vector.broadcast %max3A : f32 to vector<1000x1xf32>
    %max3A_21 = arith.maximumf %add3A_19, %max3A_20 : vector<1000x1xf32>
    %div3A = vector.broadcast %max3A_21 : vector<1000x1xf32> to vector<1000x128xf32>
    %div3A_22 = arith.divf %add3A, %div3A : vector<1000x128xf32>
    %max3A_23 = arith.constant 0.000000e+00 : f32
    %max3A_24 = vector.broadcast %max3A_23 : f32 to vector<1000x128xf32>
    %max3A_25 = arith.maximumf %div3A_22, %max3A_24 : vector<1000x128xf32>
    %swap3A = arith.constant 0 : index
    %swap3A_26 = arith.constant 0 : index
    %swap3A_27 = vector.load %arg3[%swap3A, %swap3A_26] : memref<1000x128xf32, #tpu.memory_space<vmem>>, vector<1000x128xf32>
    tpu.vector_store %arg3[%swap3A, %swap3A_26], %max3A_25 {strides = array<i32>} : memref<1000x128xf32, #tpu.memory_space<vmem>>, vector<1000x128xf32>,
    return
  }
  func.func @transform_0(%arg0: i32) -> (i32, i32, i32) {
    %c0_i32 = arith.constant 0 : i32
    %c0_i32_0 = arith.constant 0 : i32
    %c0_i32_1 = arith.constant 0 : i32
    return %c0_i32, %arg0, %c0_i32_0 : i32, i32, i32
  }
  func.func @transform_1(%arg0: i32) -> (i32, i32, i32) {
    %c0_i32 = arith.constant 0 : i32
    %c0_i32_0 = arith.constant 0 : i32
    %c0_i32_1 = arith.constant 0 : i32
    return %c0_i32, %arg0, %c0_i32_0 : i32, i32, i32
  }
  func.func @transform_2(%arg0: i32) -> (i32, i32) {
    %c0_i32 = arith.constant 0 : i32
    %c0_i32_0 = arith.constant 0 : i32
    return %arg0, %c0_i32 : i32, i32
  }
}

</mosaic_0001>

<sc_bundles>
// kernel: kernel.11.cloned.1.call-start
scs
__scs_entry_jumppad:
0x0: {  	(pc) =	sbr.rel $0x88, $3  }
0x1: {  	(tag) =	ssettag $0x0;
	lr =	simm.s32 $0x1  }
0x2: {  	[smem:$0x3F9B] =	sst lr;
	_ =	strace $0xD0000000  }
0x3: {  	_ = 	snop  }
0x4: {  	_ = 	snop  }
0x5: {  	_ = 	snop  }
0x6: {  	_ = 	snop  }
0x7: {  	_ = 	snop  }
__scs_overlays_trampoline_lowered:
0x8: {  	[smem:$0x3FAA] =	sst s0  }
0x9: {  	[smem:$0x3FAB] =	sst s1  }
0xa: {  	[smem:$0x3FAC] =	sst s2  }
0xb: {  	[smem:$0x3FAD] =	sst s3  }
0xc: {  	[smem:$0x3FAE] =	sst s4  }
0xd: {  	[smem:$0x3FAF] =	sst s5  }
0xe: {  	[smem:$0x3FB0] =	sst s6  }
0xf: {  	[smem:$0x3FB1] =	sst s7  }
0x10: {  	[smem:$0x3FB2] =	sst s8  }
0x11: {  	[smem:$0x3FB3] =	sst s9;
	s0 =	simm.s32 @!p0 $0x0  }
0x12: {  	s1 =	sld [smem:$0x3F99];
	s0 =	simm.s32 @p0 $0x1  }
0x13: {  	[smem:$0x3FB4] =	sst s0;
	s0 =	simm.s32 @!p1 $0x0  }
0x14: {  	s2 =	sld [smem:$0x3F98];
	s0 =	simm.s32 @p1 $0x1  }
0x15: {  	[smem:$0x3FB5] =	sst s0;
	s0 =	simm.s32 @!p2 $0x0  }
0x16: {  	s3 =	sld [smem:$0x3FDB];
	s0 =	simm.s32 @p2 $0x1  }
0x17: {  	s4 =	simm.s32 $0x1BF5;
	[smem:$0x3FB7] =	sst s0  }
0x18: {  	s0 =	sld [smem:$0x3F9A];
	_ =	swait.ge [sflag:s4], $0x0  }
0x19: {  	s7 =	sld [smem:$0x3F9B]  }
0x1a: {  	s8 =	sadd.s32 $0xFFFFE003, lr  }
0x1b: {  	s9 =	sadd.s32 $0xFFFFFEF7, lr;
	s5 =	simm.s32 $0xFFFFFFFF;
	p2 =	slt.u32 s8, $0xFFFFF086  }
0x1c: {  	p1 =	slt.u32 s9, $0xF7A;
	s5 =	simm.s32 @!p2 $0x0  }
0x1d: {  	s5 =	simm.s32 @p1 $0x1;
	p0 =	seq.s32 s7, s2  }
0x1e: {  	s7 =	smul.u32 @!p0 $0xF7A, s2;
	p2 =	seq.s32 @!p0 s5, $0x0  }
0x1f: {  	s9 =	smul.u32 $0xF7A, s1;
	s8 =	simm.s32 @!p0 $0x1BF5;
	p2 =	por !p2, p0  }
0x20: {  	[sflag:s8] =	ssyncset.s32 @!p0 $0xFFFFF086;
	s6 =	sadd.s32 @!p0 s3, s7;
	s7 =	simm.s32 @!p0 $0x108  }
0x21: {  	s3 =	sadd.s32 s3, s9;
	s6 =	sadd.s32 @!p0 $0x88, s6;
	s7 =	simm.s32 @p2 $0x1082  }
0x22: {  	[simem:s7], [sflag:s8] =	dma.local @!p0 [hbm:s6], $0xF7A  }
0x23: {  	s9 =	sor.u32 $0xD0000000, s2;
	s6 =	simm.s32 $0x108;
	_ =	swait.ge @!p0 [sflag:s8], $0x0  }
0x24: {  	s3 =	sadd.s32 $0x88, s3;
	s6 =	simm.s32 @!p1 $0x1082;
	[sflag:s4] =	ssyncset.s32 $0xFFFFF086  }
0x25: {  	[simem:s6], [sflag:s4] =	dma.local [hbm:s3], $0xF7A  }
0x26: {  	[smem:$0x3F9B] =	sst s1;
	(tag) =	ssettag s2;
	_ =	strace s9  }
0x27: {  	s1 =	sld [smem:$0x3FAB]  }
0x28: {  	s2 =	sld [smem:$0x3FAC]  }
0x29: {  	s4 =	sld [smem:$0x3FAE]  }
0x2a: {  	p0 =	seq.s32 s5, $0x0;
	s5 =	sld [smem:$0x3FAF]  }
0x2b: {  	s6 =	sld [smem:$0x3FB0]  }
0x2c: {  	s7 =	sld [smem:$0x3FB1]  }
0x2d: {  	s3 =	simm.s32 $0x108;
	s8 =	sld [smem:$0x3FB2]  }
0x2e: {  	s3 =	simm.s32 @!p0 $0x1082;
	s9 =	sld [smem:$0x3FB3]  }
0x2f: {  	lr =	sadd.s32 s0, s3;
	s0 =	sld [smem:$0x3FAA]  }
0x30: {  	s3 =	sld [smem:$0x3FAD]  }
0x31: {  	[smem:$0x3FB6] =	sst s10  }
0x32: {  	s10 =	sld [smem:$0x3FB4];
	_ =	sdelay $0x3  }
0x33: {  	p0 =	seq.s32 s10, $0x1;
	s10 =	sld [smem:$0x3FB6];
	_ =	sdelay $0x3  }
0x34: {  	[smem:$0x3FB6] =	sst s10  }
0x35: {  	s10 =	sld [smem:$0x3FB5];
	_ =	sdelay $0x3  }
0x36: {  	p1 =	seq.s32 s10, $0x1;
	s10 =	sld [smem:$0x3FB6];
	_ =	sdelay $0x3  }
0x37: {  	[smem:$0x3FB6] =	sst s10  }
0x38: {  	s10 =	sld [smem:$0x3FB7]  }
0x39: {  	_ = 	snop;
	(pc) =	sbr.ind lr, $3  }
0x3a: {  	_ = 	snop  }
0x3b: {  	_ = 	snop  }
0x3c: {  	p2 =	seq.s32 s10, $0x1;
	s10 =	sld [smem:$0x3FB6]  }
0x3d: {  	_ =	shalt  }
0x3e: {  	_ =	shalt  }
0x3f: {  	_ =	shalt  }
0x40: {  	_ =	shalt  }
0x41: {  	_ =	shalt  }
0x42: {  	_ =	shalt  }
0x43: {  	_ =	shalt  }
0x44: {  	_ =	shalt  }
0x45: {  	_ =	shalt  }
0x46: {  	_ =	shalt  }
0x47: {  	_ =	shalt  }
0x48: {  	_ =	shalt  }
0x49: {  	_ =	shalt  }
0x4a: {  	_ =	shalt  }
0x4b: {  	_ =	shalt  }
0x4c: {  	_ =	shalt  }
0x4d: {  	_ =	shalt  }
0x4e: {  	_ =	shalt  }
0x4f: {  	_ =	shalt  }
0x50: {  	_ =	shalt  }
0x51: {  	_ =	shalt  }
0x52: {  	_ =	shalt  }
0x53: {  	_ =	shalt  }
0x54: {  	_ =	shalt  }
0x55: {  	_ =	shalt  }
0x56: {  	_ =	shalt  }
0x57: {  	_ =	shalt  }
0x58: {  	_ =	shalt  }
0x59: {  	_ =	shalt  }
0x5a: {  	_ =	shalt  }
0x5b: {  	_ =	shalt  }
0x5c: {  	_ =	shalt  }
0x5d: {  	_ =	shalt  }
0x5e: {  	_ =	shalt  }
0x5f: {  	_ =	shalt  }
0x60: {  	_ =	shalt  }
0x61: {  	_ =	shalt  }
0x62: {  	_ =	shalt  }
0x63: {  	_ =	shalt  }
0x64: {  	_ =	shalt  }
0x65: {  	_ =	shalt  }
0x66: {  	_ =	shalt  }
0x67: {  	_ =	shalt  }
0x68: {  	_ =	shalt  }
0x69: {  	_ =	shalt  }
0x6a: {  	_ =	shalt  }
0x6b: {  	_ =	shalt  }
0x6c: {  	_ =	shalt  }
0x6d: {  	_ =	shalt  }
0x6e: {  	_ =	shalt  }
0x6f: {  	_ =	shalt  }
0x70: {  	_ =	shalt  }
0x71: {  	_ =	shalt  }
0x72: {  	_ =	shalt  }
0x73: {  	_ =	shalt  }
0x74: {  	_ =	shalt  }
0x75: {  	_ =	shalt  }
0x76: {  	_ =	shalt  }
0x77: {  	_ =	shalt  }
0x78: {  	_ =	shalt  }
0x79: {  	_ =	shalt  }
0x7a: {  	_ =	shalt  }
0x7b: {  	_ =	shalt  }
0x7c: {  	_ =	shalt  }
0x7d: {  	_ =	shalt  }
0x7e: {  	_ =	shalt  }
0x7f: {  	_ =	shalt  }
0x80: {  	_ =	shalt  }
0x81: {  	_ =	shalt  }
0x82: {  	_ =	shalt  }
0x83: {  	_ =	shalt  }
0x84: {  	_ =	shalt  }
0x85: {  	_ =	shalt  }
0x86: {  	_ =	shalt  }
0x87: {  	_ =	shalt  }
.Lfunc_end0:
.L_simem_size_0:
called_computation.1_lowered:
.L_overlay_start_0:
0x88: {  	s2 =	sld [smem:$0x3FD9]  }
0x89: {  	s3 =	sld [smem:$0x3FFE];
	_ =	sdelay $0x1  }
0x8a: {  	s1 =	srdreg.scid  }
0x8b: {  	s0 =	sand.u32 $0x1, s1  }
0x8c: {  	s17 =	sshll.u32 s0, $0xA;
	s2 =	sadd.s32 s3, s2  }
0x8d: {  	s2 =	sadd.s32 s2, s17  }
0x8e: {  	[smem:$0x3FC2] =	sst s2  }
0x8f: {  	_ = 	snop  }
0x90: {  	s18 =	sld [smem:$0x3FD0];
	(tm) =	ssettm $0x1  }
0x91: {  	s19 =	sld [smem:$0x3FFB];
	_ =	sdelay $0x3  }
0x92: {  	_ =	strace s19  }
0x93: {  	s2 =	sld [smem:$0x3FFC];
	_ =	sdelay $0x3  }
0x94: {  	_ =	strace s2  }
0x95: {  	s2 =	sld [smem:$0x3FFD];
	_ =	sdelay $0x3  }
0x96: {  	_ =	strace s2  }
0x97: {  	_ =	strace $0x8FFFFFFF  }
0x98: {  	s20 =	sld [smem:$0x3FDB];
	_ =	sdelay $0x1  }
0x99: {  	s4 =	simm.s32 $_scs_section_size  }
0x9a: {  	s5 =	simm.s32 $_size__tile_overlayer_lowered;
	s6 =	simm.s32 $_tile_overlayer_lowered  }
0x9b: {  	s7 =	simm.s32 $0x1BFF;
	s21 =	sshll.u32 s6, $0x1;
	s4 =	sadd.s32 s4, s20  }
0x9c: {  	s22 =	simm.s32 $0x0;
	s5 =	sshll.u32 s5, $0x1;
	s6 =	sadd.s32 s21, s4  }
0x9d: {  	[timem:s22], [sflag:s7] =	dma.local [hbm:s6], s5  }
0x9e: {  	_ =	swait.ge [sflag:s7], s5  }
0x9f: {  	s5 =	ssub.s32 $0x0, s5;
	[sflag:s7] =	ssyncset.done $0x0  }
0xa0: {  	[sflag:s7] =	ssyncadd.s32 s5;
	_ =	sdelay $0x1  }
0xa1: {  	s23 =	simm.s32 $0x1B8B  }
0xa2: {  	_ =	swait.ge [sflag:s23], $0x1  }
0xa3: {  	[sflag:s23] =	ssyncset.done $0x0  }
0xa4: {  	[sflag:s23] =	ssyncadd.s32 $0xFFFFFFFF  }
0xa5: {  	s5 =	sld [smem:$0x0]  }
0xa6: {  	s6 =	sand.u32 $0xFFFFFFFE, s1  }
0xa7: {  	p0 =	sne.s32 s1, s6  }
0xa8: {  	s6 =	sshll.u32 @p0 s6, $0xE  }
0xa9: {  	s6 =	sadd.s32 @p0 $0x11B8D, s6;
	s7 =	sshll.u32 @p0 s5, $0x11  }
0xaa: {  	s6 =	sor.u32 @p0 s7, s6  }
0xab: {  	[sflag:s6] =	ssyncadd.remote.s32 @p0 $0x1;
	_ =	sdelay $0x1  }
0xac: {  	s6 =	simm.s32 @p0 $0x1B8D  }
0xad: {  	_ =	swait.eq @p0 [sflag:s6], $0x1  }
0xae: {  	[sflag:s6] =	ssyncadd.s32 @p0 $0xFFFFFFFF  }
0xaf: {  	s7 =	sshll.u32 @!p0 s1, $0xE  }
0xb0: {  	s7 =	sor.u32 @!p0 $0x4000, s7;
	s6 =	simm.s32 @!p0 $0x1B8D  }
0xb1: {  	s5 =	sshll.u32 @!p0 s5, $0x11;
	s7 =	sadd.s32 @!p0 $0x11B8D, s7;
	_ =	swait.eq @!p0 [sflag:s6], $0x1  }
0xb2: {  	s5 =	sor.u32 @!p0 s5, s7;
	[sflag:s6] =	ssyncadd.s32 @!p0 $0xFFFFFFFF  }
0xb3: {  	s25 =	simm.s32 $0x1B8E;
	s24 =	sld [smem:$0x3FFE];
	[sflag:s5] =	ssyncadd.remote.s32 @!p0 $0x1  }
0xb4: {  	s26 =	simm.s32 $execute0_lowered;
	[smem:$0x3FD2] =	sst s25  }
0xb5: {  	s6 =	sshll.u32 s26, $0x1;
	_ =	strace $0x80000049;
	[dreg:$0x1] =	wrdreg $0xFFFFFFFF  }
0xb6: {  	s28 =	simm.s32 $_size_execute0_lowered;
	s4 =	sadd.s32 s4, s6;
	[dreg:$0x0] =	wrdreg $0x0  }
0xb7: {  	s6 =	sshll.u32 s28, $0x1;
	[dreg:$0x2] =	wrdreg s4  }
0xb8: {  	[dreg:$0x3] =	wrdreg s6  }
0xb9: {  	[dreg:$0x4] =	wrdreg $0xC0  }
0xba: {  	_ =	task [dreg:s22], $0x5FFFF  }
0xbb: {  	[dreg:$0x1] =	wrdreg $0xFFFFFFFF  }
0xbc: {  	[dreg:$0x0] =	wrdreg $0x60  }
0xbd: {  	[dreg:$0x2] =	wrdreg s24  }
0xbe: {  	[dreg:$0x3] =	wrdreg s18  }
0xbf: {  	[dreg:$0x4] =	wrdreg $0xC1000  }
0xc0: {  	[dreg:$0x5] =	wrdreg $0xA  }
0xc1: {  	_ =	task.clear_ibuf [dreg:s22], $0x6FFFF;
	_ =	strace $0x90000049  }
0xc2: {  	s29 =	simm.s32 $0xA;
	_ =	strace $0x8000004B  }
0xc3: {  	_ =	swait.ge [sflag:s29], $0x1  }
0xc4: {  	[sflag:s29] =	ssyncadd.s32 $0xFFFFFFFF  }
0xc5: {  	_ =	strace $0x9000004B  }
0xc6: {  	_ =	sfence  }
0xc7: {  	s30 =	sld [smem:$0x0];
	_ =	sdelay $0x2  }
0xc8: {  	s31 =	sshll.u32 s1, $0xD;
	s1 =	sshrl.u32 s1, $0x2  }
0xc9: {  	s4 =	sand.u32 $0x4000, s31;
	s1 =	sadd.s32 s1, s30  }
0xca: {  	s0 =	sor.u32 s4, s0;
	s1 =	sshll.u32 s1, $0x11  }
0xcb: {  	s0 =	sor.u32 s1, s0  }
0xcc: {  	s0 =	sadd.s32 $0x8F2B, s0  }
0xcd: {  	[sflag:s0] =	ssyncadd.remote.s32 $0x1  }
0xce: {  	_ =	sfence.sel $0xFFFF  }
0xcf: {  	[dreg:$0x0] =	wrdreg $0xFFFFFFFF;
	(pc) =	sbr.abs _section_cstart, $3  }
0xd0: {  	[dreg:$0x1] =	wrdreg $0xFFFFFFFF  }
0xd1: {  	_ =	task.clear_ibuf [dreg:s22], $0x2FFFF;
	_ =	strace $0x9FFFFFFF  }
0xd2: {  	(tm) =	ssettm $0x7FFFFFFF  }
0xd3: {  	_ =	shalt  }
tec
execute0_lowered:
.L_overlay_start_1:
0x0: {  	(tag) =	ssettag $0x1  }
0x1: {  	s0 =	rddreg [dreg:$0x0]  }
0x2: {  	s2 =	rddreg [dreg:$0x1]  }
0x3: {  	s1 =	rddreg [dreg:$0x2]  }
0x4: {  	s3 =	srdreg.scid;
	s6 =	stileid.u32  }
0x5: {  	s7 =	simm.s32 $0x0;
	s3 =	sand.u32 $0x1, s3;
	s24 =	smul.u32 $0x13C00, s6  }
0x6: {  	[smem:$0x7FF] =	sst s7;
	s4 =	sshll.u32 s3, $0x4;
	s5 =	smul.u32 $0x13C000, s3  }
0x7: {  	s3 =	ssub.s32 $0x2, s3;
	s4 =	sor.u32 s6, s4;
	s6 =	smul.u32 $0x4F000, s6  }
0x8: {  	_ =	strace $0x8000004A;
	s25 =	sshrl.u32 s3, $0x1;
	s8 =	smul.u32 $0x510, s4  }
0x9: {  	s4 =	sadd.s32 $0x20200, s0;
	s5 =	sadd.s32 s24, s5;
	s3 =	ssub.s32 s3, s25  }
0xa: {  	s5 =	sshrl.u32 s5, $0x3;
	s6 =	sshrl.u32 s6, $0x2;
	s11 =	smax.u32 s3, $0x1  }
0xb: {  	s9 =	sadd.s32 s8, s0;
	s2 =	sadd.s32 s2, s8;
	[dreg:$0x8] =	wrdreg s11  }
0xc: {  	s6 =	sadd.s32 s6, s1;
	s26 =	sadd.s32 $0x2400, s9;
	[dreg:$0x5] =	wrdreg s2  }
0xd: {  	s0 =	sadd.s32 s5, s0;
	s9 =	sadd.s32 $0x13000, s6;
	[dreg:$0x4] =	wrdreg s26  }
0xe: {  	s0 =	sadd.s32 $0x47A00, s0;
	[dreg:$0x6] =	wrdreg s9  }
0xf: {  	s12 =	sadd.s32 $0x1000, s6;
	[dreg:$0x7] =	wrdreg s0  }
0x10: {  	s13 =	sadd.s32 $0x2000, s6;
	[dreg:$0x9] =	wrdreg s12  }
0x11: {  	s14 =	sadd.s32 $0x3000, s6;
	[dreg:$0xa] =	wrdreg s13  }
0x12: {  	s15 =	sadd.s32 $0x4000, s6;
	[dreg:$0xb] =	wrdreg s14  }
0x13: {  	s31 =	simm.s32 $0xD;
	s16 =	sadd.s32 $0x5000, s6;
	[dreg:$0xc] =	wrdreg s15  }
0x14: {  	s7 =	simm.s32 $0x7100;
	s17 =	sadd.s32 $0x6000, s6;
	[dreg:$0xd] =	wrdreg s16  }
0x15: {  	s10 =	sadd.s32 s24, s1;
	s18 =	sadd.s32 $0x7000, s6;
	[dreg:$0xe] =	wrdreg s17  }
0x16: {  	s3 =	simm.s32 $0x5100;
	s19 =	sadd.s32 $0x8000, s6;
	[dreg:$0xf] =	wrdreg s18  }
0x17: {  	s5 =	simm.s32 $0x6100;
	s20 =	sadd.s32 $0x9000, s6;
	[dreg:$0x10] =	wrdreg s19  }
0x18: {  	s8 =	simm.s32 $0x8100;
	s21 =	sadd.s32 $0xA000, s6;
	[dreg:$0x11] =	wrdreg s20  }
0x19: {  	s11 =	simm.s32 $0x1;
	s22 =	sadd.s32 $0xB000, s6;
	[dreg:$0x12] =	wrdreg s21  }
0x1a: {  	s23 =	sadd.s32 $0xC000, s6;
	s24 =	sadd.s32 $0xD000, s6;
	[dreg:$0x13] =	wrdreg s22  }
0x1b: {  	s25 =	sadd.s32 $0xE000, s6;
	s28 =	sadd.s32 $0x10000, s6;
	[dreg:$0x14] =	wrdreg s23  }
0x1c: {  	s29 =	sadd.s32 $0x11000, s6;
	s30 =	sadd.s32 $0x12000, s6;
	[dreg:$0x15] =	wrdreg s24  }
0x1d: {  	s2 =	simm.s32 $0x20;
	[dreg:$0x16] =	wrdreg s25;
	s0 =	sshrl.u32 s10, $0x3  }
0x1e: {  	s26 =	sadd.s32 $0xF000, s6;
	s9 =	simm.s32 $0x9100;
	s10 =	simm.s32 $0xA100  }
0x1f: {  	s12 =	simm.s32 $0x2;
	s13 =	simm.s32 $0x3;
	s14 =	simm.s32 $0x4  }
0x20: {  	s15 =	simm.s32 $0x5;
	s16 =	simm.s32 $0x6;
	s17 =	simm.s32 $0x7  }
0x21: {  	s18 =	simm.s32 $0x8;
	s19 =	simm.s32 $0x9;
	s20 =	simm.s32 $0xA  }
0x22: {  	s21 =	simm.s32 $0xB;
	s22 =	simm.s32 $0xC;
	[dreg:$0x17] =	wrdreg s0  }
0x23: {  	v0 =	vimm.f32 $0.0e+00;
	s23 =	simm.s32 $0x0;
	[dreg:$0x18] =	wrdreg s26;
	s0 =	simm.s32 $0xB100  }
.LBB2_1:
0x24: {  	s24 =	simm.s32 $0x0;
	s25 =	rddreg [dreg:$0x4]  }
0x25: {  	[tilespmem:s24], [sflag:$0xD] =	stream.linear.gather [hbm4b:s25+s24], $0x2880, $0x38;
	[tilespmem:$0x1FD00] =	vst v63  }
0x26: {  	_ =	swait.ge [sflag:s31], $0x2880  }
0x27: {  	[sflag:s31] =	ssyncset.done $0x0  }
0x28: {  	s26 =	simm.s32 $0x2880;
	s25 =	rddreg [dreg:$0x5];
	[sflag:s31] =	ssyncadd.s32 $0xFFFFD780  }
0x29: {  	[tilespmem:s26], [sflag:$0xD] =	stream.linear.gather [hbm4b:s25+s24], $0x2880, $0x38;
	[tilespmem:$0x1FD00] =	vst v63  }
0x2a: {  	_ =	swait.ge [sflag:s31], $0x2880  }
0x2b: {  	[sflag:s31] =	ssyncset.done $0x0  }
0x2c: {  	s24 =	simm.s32 $0x0;
	s25 =	simm.s32 $0x200;
	[sflag:s31] =	ssyncadd.s32 $0xFFFFD780  }
.LBB2_2:
0x2d: {  	p0 =	sne.s32 s25, $0x3E00;
	[tilespmem:s24+$0xB170] =	vst v0  }
0x2e: {  	[tilespmem:s24+$0xB100] =	vst v0  }
0x2f: {  	[tilespmem:s24+$0xB110] =	vst v0  }
.Ltmp0:
0x30: {  	[tilespmem:s24+$0xB120] =	vst v0;
	(pc) =	sbr.rel @p0 .LBB2_2-.Ltmp0, $4  }
0x31: {  	[tilespmem:s24+$0xB130] =	vst v0  }
0x32: {  	[tilespmem:s24+$0xB140] =	vst v0  }
0x33: {  	[tilespmem:s24+$0xB150] =	vst v0  }
0x34: {  	[tilespmem:s24+$0xB160] =	vst v0;
	s24 =	sshra.s32 s25, $0x2;
	s25 =	sadd.s32 $0x200, s25  }
0x35: {  	[tilespmem:s24+$0xB170] =	vst v0  }
0x36: {  	[tilespmem:s24+$0xB100] =	vst v0  }
0x37: {  	[tilespmem:s24+$0xB110] =	vst v0  }
0x38: {  	[tilespmem:s24+$0xB120] =	vst v0  }
0x39: {  	[tilespmem:s24+$0xB130] =	vst v0  }
0x3a: {  	[tilespmem:s24+$0xB140] =	vst v0  }
0x3b: {  	[tilespmem:s24+$0xB150] =	vst v0  }
0x3c: {  	[tilespmem:s24+$0xB160] =	vst v0  }
0x3d: {  	[spmem:s6] =	stream.linear.scatter [tilespmem:s0], [sflag:$0xD], $0x1000, $0x38;
	[tilespmem:$0x1FD00] =	vst v63  }
0x3e: {  	_ =	swait.ge [sflag:s31], $0x1000  }
0x3f: {  	[sflag:s31] =	ssyncset.done $0x0  }
0x40: {  	s25 =	rddreg [dreg:$0x9];
	[sflag:s31] =	ssyncadd.s32 $0xFFFFF000  }
0x41: {  	[spmem:s25] =	stream.linear.scatter [tilespmem:s0], [sflag:$0xD], $0x1000, $0x38;
	[tilespmem:$0x1FD00] =	vst v63  }
0x42: {  	_ =	swait.ge [sflag:s31], $0x1000  }
0x43: {  	[sflag:s31] =	ssyncset.done $0x0  }
0x44: {  	s26 =	rddreg [dreg:$0xa];
	[sflag:s31] =	ssyncadd.s32 $0xFFFFF000  }
0x45: {  	[spmem:s26] =	stream.linear.scatter [tilespmem:s0], [sflag:$0xD], $0x1000, $0x38;
	[tilespmem:$0x1FD00] =	vst v63  }
0x46: {  	_ =	swait.ge [sflag:s31], $0x1000  }
0x47: {  	[sflag:s31] =	ssyncset.done $0x0  }
0x48: {  	s25 =	rddreg [dreg:$0xb];
	[sflag:s31] =	ssyncadd.s32 $0xFFFFF000  }
0x49: {  	[spmem:s25] =	stream.linear.scatter [tilespmem:s0], [sflag:$0xD], $0x1000, $0x38;
	[tilespmem:$0x1FD00] =	vst v63  }
0x4a: {  	_ =	swait.ge [sflag:s31], $0x1000  }
0x4b: {  	[sflag:s31] =	ssyncset.done $0x0  }
0x4c: {  	s26 =	rddreg [dreg:$0xc];
	[sflag:s31] =	ssyncadd.s32 $0xFFFFF000  }
0x4d: {  	[spmem:s26] =	stream.linear.scatter [tilespmem:s0], [sflag:$0xD], $0x1000, $0x38;
	[tilespmem:$0x1FD00] =	vst v63  }
0x4e: {  	_ =	swait.ge [sflag:s31], $0x1000  }
0x4f: {  	[sflag:s31] =	ssyncset.done $0x0  }
0x50: {  	s25 =	rddreg [dreg:$0xd];
	[sflag:s31] =	ssyncadd.s32 $0xFFFFF000  }
0x51: {  	[spmem:s25] =	stream.linear.scatter [tilespmem:s0], [sflag:$0xD], $0x1000, $0x38;
	[tilespmem:$0x1FD00] =	vst v63  }
0x52: {  	_ =	swait.ge [sflag:s31], $0x1000  }
0x53: {  	[sflag:s31] =	ssyncset.done $0x0  }
0x54: {  	s26 =	rddreg [dreg:$0xe];
	[sflag:s31] =	ssyncadd.s32 $0xFFFFF000  }
0x55: {  	[spmem:s26] =	stream.linear.scatter [tilespmem:s0], [sflag:$0xD], $0x1000, $0x38;
	[tilespmem:$0x1FD00] =	vst v63  }
0x56: {  	_ =	swait.ge [sflag:s31], $0x1000  }
0x57: {  	[sflag:s31] =	ssyncset.done $0x0  }
0x58: {  	s25 =	rddreg [dreg:$0xf];
	[sflag:s31] =	ssyncadd.s32 $0xFFFFF000  }
0x59: {  	[spmem:s25] =	stream.linear.scatter [tilespmem:s0], [sflag:$0xD], $0x1000, $0x38;
	[tilespmem:$0x1FD00] =	vst v63  }
0x5a: {  	_ =	swait.ge [sflag:s31], $0x1000  }
0x5b: {  	[sflag:s31] =	ssyncset.done $0x0  }
0x5c: {  	s26 =	rddreg [dreg:$0x10];
	[sflag:s31] =	ssyncadd.s32 $0xFFFFF000  }
0x5d: {  	[spmem:s26] =	stream.linear.scatter [tilespmem:s0], [sflag:$0xD], $0x1000, $0x38;
	[tilespmem:$0x1FD00] =	vst v63  }
0x5e: {  	_ =	swait.ge [sflag:s31], $0x1000  }
0x5f: {  	[sflag:s31] =	ssyncset.done $0x0  }
0x60: {  	s25 =	rddreg [dreg:$0x11];
	[sflag:s31] =	ssyncadd.s32 $0xFFFFF000  }
0x61: {  	[spmem:s25] =	stream.linear.scatter [tilespmem:s0], [sflag:$0xD], $0x1000, $0x38;
	[tilespmem:$0x1FD00] =	vst v63  }
0x62: {  	_ =	swait.ge [sflag:s31], $0x1000  }
0x63: {  	[sflag:s31] =	ssyncset.done $0x0  }
0x64: {  	s26 =	rddreg [dreg:$0x12];
	[sflag:s31] =	ssyncadd.s32 $0xFFFFF000  }
0x65: {  	[spmem:s26] =	stream.linear.scatter [tilespmem:s0], [sflag:$0xD], $0x1000, $0x38;
	[tilespmem:$0x1FD00] =	vst v63  }
0x66: {  	_ =	swait.ge [sflag:s31], $0x1000  }
0x67: {  	[sflag:s31] =	ssyncset.done $0x0  }
0x68: {  	s25 =	rddreg [dreg:$0x13];
	[sflag:s31] =	ssyncadd.s32 $0xFFFFF000  }
0x69: {  	[spmem:s25] =	stream.linear.scatter [tilespmem:s0], [sflag:$0xD], $0x1000, $0x38;
	[tilespmem:$0x1FD00] =	vst v63  }
0x6a: {  	_ =	swait.ge [sflag:s31], $0x1000  }
0x6b: {  	[sflag:s31] =	ssyncset.done $0x0  }
0x6c: {  	s26 =	rddreg [dreg:$0x14];
	[sflag:s31] =	ssyncadd.s32 $0xFFFFF000  }
0x6d: {  	[spmem:s26] =	stream.linear.scatter [tilespmem:s0], [sflag:$0xD], $0x1000, $0x38;
	[tilespmem:$0x1FD00] =	vst v63  }
0x6e: {  	_ =	swait.ge [sflag:s31], $0x1000  }
0x6f: {  	[sflag:s31] =	ssyncset.done $0x0  }
0x70: {  	s25 =	rddreg [dreg:$0x15];
	[sflag:s31] =	ssyncadd.s32 $0xFFFFF000  }
0x71: {  	[spmem:s25] =	stream.linear.scatter [tilespmem:s0], [sflag:$0xD], $0x1000, $0x38;
	[tilespmem:$0x1FD00] =	vst v63  }
0x72: {  	_ =	swait.ge [sflag:s31], $0x1000  }
0x73: {  	[sflag:s31] =	ssyncset.done $0x0  }
0x74: {  	s26 =	rddreg [dreg:$0x16];
	[sflag:s31] =	ssyncadd.s32 $0xFFFFF000  }
0x75: {  	[spmem:s26] =	stream.linear.scatter [tilespmem:s0], [sflag:$0xD], $0x1000, $0x38;
	[tilespmem:$0x1FD00] =	vst v63  }
0x76: {  	_ =	swait.ge [sflag:s31], $0x1000  }
0x77: {  	[sflag:s31] =	ssyncset.done $0x0  }
0x78: {  	s25 =	rddreg [dreg:$0x18];
	[sflag:s31] =	ssyncadd.s32 $0xFFFFF000  }
0x79: {  	[spmem:s25] =	stream.linear.scatter [tilespmem:s0], [sflag:$0xD], $0x1000, $0x38;
	[tilespmem:$0x1FD00] =	vst v63  }
0x7a: {  	_ =	swait.ge [sflag:s31], $0x1000  }
0x7b: {  	[sflag:s31] =	ssyncset.done $0x0  }
0x7c: {  	[sflag:s31] =	ssyncadd.s32 $0xFFFFF000  }
0x7d: {  	[spmem:s28] =	stream.linear.scatter [tilespmem:s0], [sflag:$0xD], $0x1000, $0x38;
	[tilespmem:$0x1FD00] =	vst v63  }
0x7e: {  	_ =	swait.ge [sflag:s31], $0x1000  }
0x7f: {  	[sflag:s31] =	ssyncset.done $0x0  }
0x80: {  	[sflag:s31] =	ssyncadd.s32 $0xFFFFF000  }
0x81: {  	[spmem:s29] =	stream.linear.scatter [tilespmem:s0], [sflag:$0xD], $0x1000, $0x38;
	[tilespmem:$0x1FD00] =	vst v63  }
0x82: {  	_ =	swait.ge [sflag:s31], $0x1000  }
0x83: {  	[sflag:s31] =	ssyncset.done $0x0  }
0x84: {  	[sflag:s31] =	ssyncadd.s32 $0xFFFFF000  }
0x85: {  	[spmem:s30] =	stream.linear.scatter [tilespmem:s0], [sflag:$0xD], $0x1000, $0x38;
	[tilespmem:$0x1FD00] =	vst v63  }
0x86: {  	_ =	swait.ge [sflag:s31], $0x1000  }
0x87: {  	[sflag:s31] =	ssyncset.done $0x0  }
0x88: {  	s26 =	rddreg [dreg:$0x6];
	[sflag:s31] =	ssyncadd.s32 $0xFFFFF000  }
0x89: {  	[spmem:s26] =	stream.linear.scatter [tilespmem:s0], [sflag:$0xD], $0xC00, $0x38;
	[tilespmem:$0x1FD00] =	vst v63  }
0x8a: {  	_ =	swait.ge [sflag:s31], $0xC00  }
0x8b: {  	[sflag:s31] =	ssyncset.done $0x0  }
0x8c: {  	[sflag:s31] =	ssyncadd.s32 $0xFFFFF400  }
0x8d: {  	s25 =	simm.s32 $0x0;
	[bflag:$0x0] =	sbarrier.arrive $0xFFFF  }
0x8e: {  	[tilespmem:s3], [sflag:$0x1] =	stream.indirect.gather [hbm4b:s4+s2], $0x80, s25, s2, $0xb8;
	[tilespmem:$0x1FD00] =	vst v63  }
0x8f: {  	_ = 	snop  }
0x90: {  	[tilespmem:s5], [sflag:$0x2] =	stream.indirect.gather [hbm4b:s4+s2], $0x80, s2, s2, $0xb8;
	[tilespmem:$0x1FD00] =	vst v63  }
0x91: {  	s26 =	simm.s32 $0x40  }
0x92: {  	[tilespmem:s7], [sflag:$0x3] =	stream.indirect.gather [hbm4b:s4+s2], $0x80, s26, s2, $0xb8;
	[tilespmem:$0x1FD00] =	vst v63  }
0x93: {  	s25 =	simm.s32 $0x60  }
0x94: {  	[tilespmem:s8], [sflag:$0x4] =	stream.indirect.gather [hbm4b:s4+s2], $0x80, s25, s2, $0xb8;
	[tilespmem:$0x1FD00] =	vst v63  }
0x95: {  	s26 =	simm.s32 $0x80  }
0x96: {  	[tilespmem:s9], [sflag:$0x5] =	stream.indirect.gather [hbm4b:s4+s2], $0x80, s26, s2, $0xb8;
	[tilespmem:$0x1FD00] =	vst v63  }
0x97: {  	s25 =	simm.s32 $0xA0  }
0x98: {  	[tilespmem:s10], [sflag:$0x6] =	stream.indirect.gather [hbm4b:s4+s2], $0x80, s25, s2, $0xb8;
	[tilespmem:$0x1FD00] =	vst v63  }
0x99: {  	_ =	swait.ge [sflag:s11], $0x1000  }
0x9a: {  	[sflag:s11] =	ssyncset.done $0x0  }
0x9b: {  	s26 =	simm.s32 $0x2880;
	[sflag:s11] =	ssyncadd.s32 $0xFFFFF000  }
0x9c: {  	[spmem:s1] =	stream.indirect.scatter.add.f32 [tilespmem:s3], [sflag:$0x7], $0x80, s26, s2, $0xb8;
	[tilespmem:$0x1FD00] =	vst v63  }
0x9d: {  	_ =	swait.ge [sflag:s12], $0x1000  }
0x9e: {  	[sflag:s12] =	ssyncset.done $0x0  }
0x9f: {  	s25 =	simm.s32 $0x28A0;
	[sflag:s12] =	ssyncadd.s32 $0xFFFFF000  }
0xa0: {  	[spmem:s1] =	stream.indirect.scatter.add.f32 [tilespmem:s5], [sflag:$0x8], $0x80, s25, s2, $0xb8;
	[tilespmem:$0x1FD00] =	vst v63  }
0xa1: {  	_ =	swait.ge [sflag:s13], $0x1000  }
0xa2: {  	[sflag:s13] =	ssyncset.done $0x0  }
0xa3: {  	s26 =	simm.s32 $0x28C0;
	[sflag:s13] =	ssyncadd.s32 $0xFFFFF000  }
0xa4: {  	[spmem:s1] =	stream.indirect.scatter.add.f32 [tilespmem:s7], [sflag:$0x9], $0x80, s26, s2, $0xb8;
	[tilespmem:$0x1FD00] =	vst v63  }
0xa5: {  	_ =	swait.ge [sflag:s14], $0x1000  }
0xa6: {  	[sflag:s14] =	ssyncset.done $0x0  }
0xa7: {  	s25 =	simm.s32 $0x28E0;
	[sflag:s14] =	ssyncadd.s32 $0xFFFFF000  }
0xa8: {  	[spmem:s1] =	stream.indirect.scatter.add.f32 [tilespmem:s8], [sflag:$0xA], $0x80, s25, s2, $0xb8;
	[tilespmem:$0x1FD00] =	vst v63  }
0xa9: {  	_ =	swait.ge [sflag:s15], $0x1000  }
0xaa: {  	[sflag:s15] =	ssyncset.done $0x0  }
0xab: {  	s26 =	simm.s32 $0x2900;
	[sflag:s15] =	ssyncadd.s32 $0xFFFFF000  }
0xac: {  	[spmem:s1] =	stream.indirect.scatter.add.f32 [tilespmem:s9], [sflag:$0xB], $0x80, s26, s2, $0xb8;
	[tilespmem:$0x1FD00] =	vst v63  }
0xad: {  	_ =	swait.ge [sflag:s16], $0x1000  }
0xae: {  	[sflag:s16] =	ssyncset.done $0x0  }
0xaf: {  	s25 =	simm.s32 $0x2920;
	[sflag:s16] =	ssyncadd.s32 $0xFFFFF000  }
0xb0: {  	[spmem:s1] =	stream.indirect.scatter.add.f32 [tilespmem:s10], [sflag:$0xC], $0x80, s25, s2, $0xb8;
	[tilespmem:$0x1FD00] =	vst v63  }
0xb1: {  	_ =	swait.ge [sflag:s17], $0x1000  }
0xb2: {  	[sflag:s17] =	ssyncset.done $0x0  }
0xb3: {  	s26 =	simm.s32 $0xC0;
	[sflag:s17] =	ssyncadd.s32 $0xFFFFF000  }
0xb4: {  	[tilespmem:s3], [sflag:$0x1] =	stream.indirect.gather [hbm4b:s4+s2], $0x80, s26, s2, $0xb8;
	[tilespmem:$0x1FD00] =	vst v63  }
0xb5: {  	_ =	swait.ge [sflag:s18], $0x1000  }
0xb6: {  	[sflag:s18] =	ssyncset.done $0x0  }
0xb7: {  	s25 =	simm.s32 $0xE0;
	[sflag:s18] =	ssyncadd.s32 $0xFFFFF000  }
0xb8: {  	[tilespmem:s5], [sflag:$0x2] =	stream.indirect.gather [hbm4b:s4+s2], $0x80, s25, s2, $0xb8;
	[tilespmem:$0x1FD00] =	vst v63  }
0xb9: {  	_ =	swait.ge [sflag:s19], $0x1000  }
0xba: {  	[sflag:s19] =	ssyncset.done $0x0  }
0xbb: {  	s26 =	simm.s32 $0x100;
	[sflag:s19] =	ssyncadd.s32 $0xFFFFF000  }
0xbc: {  	[tilespmem:s7], [sflag:$0x3] =	stream.indirect.gather [hbm4b:s4+s2], $0x80, s26, s2, $0xb8;
	[tilespmem:$0x1FD00] =	vst v63  }
0xbd: {  	_ =	swait.ge [sflag:s20], $0x1000  }
0xbe: {  	[sflag:s20] =	ssyncset.done $0x0  }
0xbf: {  	s25 =	simm.s32 $0x120;
	[sflag:s20] =	ssyncadd.s32 $0xFFFFF000  }
0xc0: {  	[tilespmem:s8], [sflag:$0x4] =	stream.indirect.gather [hbm4b:s4+s2], $0x80, s25, s2, $0xb8;
	[tilespmem:$0x1FD00] =	vst v63  }
0xc1: {  	_ =	swait.ge [sflag:s21], $0x1000  }
0xc2: {  	[sflag:s21] =	ssyncset.done $0x0  }
0xc3: {  	s26 =	simm.s32 $0x140;
	[sflag:s21] =	ssyncadd.s32 $0xFFFFF000  }
0xc4: {  	[tilespmem:s9], [sflag:$0x5] =	stream.indirect.gather [hbm4b:s4+s2], $0x80, s26, s2, $0xb8;
	[tilespmem:$0x1FD00] =	vst v63  }
0xc5: {  	_ =	swait.ge [sflag:s22], $0x1000  }
0xc6: {  	[sflag:s22] =	ssyncset.done $0x0  }
0xc7: {  	s24 =	simm.s32 $0x300;
	s25 =	simm.s32 $0x160;
	[sflag:s22] =	ssyncadd.s32 $0xFFFFF000  }
.LBB2_4:
0xc8: {  	[tilespmem:s10], [sflag:$0x6] =	stream.indirect.gather [hbm4b:s4+s2], $0x80, s25, s2, $0xb8;
	[tilespmem:$0x1FD00] =	vst v63  }
0xc9: {  	s25 =	smov.u32 s24  }
0xca: {  	p0 =	sne.s32 s24, $0x9C00;
	s24 =	sadd.s32 $0x300, s24;
	_ =	swait.ge [sflag:s11], $0x1000  }
0xcb: {  	s25 =	sshra.s32 s25, $0x2;
	[sflag:s11] =	ssyncset.done $0x0  }
0xcc: {  	s26 =	sadd.s32 $0x2880, s25;
	[sflag:s11] =	ssyncadd.s32 $0xFFFFF000  }
0xcd: {  	[spmem:s1] =	stream.indirect.scatter.add.f32 [tilespmem:s3], [sflag:$0x7], $0x80, s26, s2, $0xb8;
	[tilespmem:$0x1FD00] =	vst v63  }
0xce: {  	_ =	swait.ge [sflag:s12], $0x1000  }
0xcf: {  	[sflag:s12] =	ssyncset.done $0x0  }
0xd0: {  	s26 =	sadd.s32 $0x28A0, s25;
	[sflag:s12] =	ssyncadd.s32 $0xFFFFF000  }
0xd1: {  	[spmem:s1] =	stream.indirect.scatter.add.f32 [tilespmem:s5], [sflag:$0x8], $0x80, s26, s2, $0xb8;
	[tilespmem:$0x1FD00] =	vst v63  }
0xd2: {  	_ =	swait.ge [sflag:s13], $0x1000  }
0xd3: {  	[sflag:s13] =	ssyncset.done $0x0  }
0xd4: {  	s26 =	sadd.s32 $0x28C0, s25;
	[sflag:s13] =	ssyncadd.s32 $0xFFFFF000  }
0xd5: {  	[spmem:s1] =	stream.indirect.scatter.add.f32 [tilespmem:s7], [sflag:$0x9], $0x80, s26, s2, $0xb8;
	[tilespmem:$0x1FD00] =	vst v63  }
0xd6: {  	_ =	swait.ge [sflag:s14], $0x1000  }
0xd7: {  	[sflag:s14] =	ssyncset.done $0x0  }
0xd8: {  	s26 =	sadd.s32 $0x28E0, s25;
	[sflag:s14] =	ssyncadd.s32 $0xFFFFF000  }
0xd9: {  	[spmem:s1] =	stream.indirect.scatter.add.f32 [tilespmem:s8], [sflag:$0xA], $0x80, s26, s2, $0xb8;
	[tilespmem:$0x1FD00] =	vst v63  }
0xda: {  	_ =	swait.ge [sflag:s15], $0x1000  }
0xdb: {  	[sflag:s15] =	ssyncset.done $0x0  }
0xdc: {  	s26 =	sadd.s32 $0x2900, s25;
	[sflag:s15] =	ssyncadd.s32 $0xFFFFF000  }
0xdd: {  	[spmem:s1] =	stream.indirect.scatter.add.f32 [tilespmem:s9], [sflag:$0xB], $0x80, s26, s2, $0xb8;
	[tilespmem:$0x1FD00] =	vst v63  }
0xde: {  	_ =	swait.ge [sflag:s16], $0x1000  }
0xdf: {  	[sflag:s16] =	ssyncset.done $0x0  }
0xe0: {  	s26 =	sadd.s32 $0x2920, s25;
	[sflag:s16] =	ssyncadd.s32 $0xFFFFF000  }
0xe1: {  	[spmem:s1] =	stream.indirect.scatter.add.f32 [tilespmem:s10], [sflag:$0xC], $0x80, s26, s2, $0xb8;
	[tilespmem:$0x1FD00] =	vst v63  }
0xe2: {  	_ =	swait.ge [sflag:s17], $0x1000  }
0xe3: {  	[sflag:s17] =	ssyncset.done $0x0  }
0xe4: {  	s26 =	sadd.s32 $0xC0, s25;
	[sflag:s17] =	ssyncadd.s32 $0xFFFFF000  }
0xe5: {  	[tilespmem:s3], [sflag:$0x1] =	stream.indirect.gather [hbm4b:s4+s2], $0x80, s26, s2, $0xb8;
	[tilespmem:$0x1FD00] =	vst v63  }
0xe6: {  	_ =	swait.ge [sflag:s18], $0x1000  }
0xe7: {  	[sflag:s18] =	ssyncset.done $0x0  }
0xe8: {  	s26 =	sadd.s32 $0xE0, s25;
	[sflag:s18] =	ssyncadd.s32 $0xFFFFF000  }
0xe9: {  	[tilespmem:s5], [sflag:$0x2] =	stream.indirect.gather [hbm4b:s4+s2], $0x80, s26, s2, $0xb8;
	[tilespmem:$0x1FD00] =	vst v63  }
0xea: {  	_ =	swait.ge [sflag:s19], $0x1000  }
0xeb: {  	[sflag:s19] =	ssyncset.done $0x0  }
0xec: {  	s26 =	sadd.s32 $0x100, s25;
	[sflag:s19] =	ssyncadd.s32 $0xFFFFF000  }
0xed: {  	[tilespmem:s7], [sflag:$0x3] =	stream.indirect.gather [hbm4b:s4+s2], $0x80, s26, s2, $0xb8;
	[tilespmem:$0x1FD00] =	vst v63  }
0xee: {  	_ =	swait.ge [sflag:s20], $0x1000  }
0xef: {  	[sflag:s20] =	ssyncset.done $0x0  }
0xf0: {  	s26 =	sadd.s32 $0x120, s25;
	[sflag:s20] =	ssyncadd.s32 $0xFFFFF000  }
0xf1: {  	[tilespmem:s8], [sflag:$0x4] =	stream.indirect.gather [hbm4b:s4+s2], $0x80, s26, s2, $0xb8;
	[tilespmem:$0x1FD00] =	vst v63  }
0xf2: {  	_ =	swait.ge [sflag:s21], $0x1000  }
0xf3: {  	[sflag:s21] =	ssyncset.done $0x0  }
.Ltmp1:
0xf4: {  	s26 =	sadd.s32 $0x140, s25;
	[sflag:s21] =	ssyncadd.s32 $0xFFFFF000;
	(pc) =	sbr.rel @p0 .LBB2_4-.Ltmp1, $4  }
0xf5: {  	[tilespmem:s9], [sflag:$0x5] =	stream.indirect.gather [hbm4b:s4+s2], $0x80, s26, s2, $0xb8;
	[tilespmem:$0x1FD00] =	vst v63  }
0xf6: {  	_ =	swait.ge [sflag:s22], $0x1000  }
0xf7: {  	[sflag:s22] =	ssyncset.done $0x0  }
0xf8: {  	s25 =	sadd.s32 $0x160, s25;
	[sflag:s22] =	ssyncadd.s32 $0xFFFFF000  }
0xf9: {  	[tilespmem:s10], [sflag:$0x6] =	stream.indirect.gather [hbm4b:s4+s2], $0x80, s25, s2, $0xb8;
	[tilespmem:$0x1FD00] =	vst v63  }
0xfa: {  	_ =	swait.ge [sflag:s11], $0x1000  }
0xfb: {  	[sflag:s11] =	ssyncset.done $0x0  }
0xfc: {  	s24 =	simm.s32 $0x5040;
	[sflag:s11] =	ssyncadd.s32 $0xFFFFF000  }
0xfd: {  	[spmem:s1] =	stream.indirect.scatter.add.f32 [tilespmem:s3], [sflag:$0x7], $0x80, s24, s2, $0xb8;
	[tilespmem:$0x1FD00] =	vst v63  }
0xfe: {  	_ =	swait.ge [sflag:s12], $0x1000  }
0xff: {  	[sflag:s12] =	ssyncset.done $0x0  }
0x100: {  	s26 =	simm.s32 $0x5060;
	[sflag:s12] =	ssyncadd.s32 $0xFFFFF000  }
0x101: {  	[spmem:s1] =	stream.indirect.scatter.add.f32 [tilespmem:s5], [sflag:$0x8], $0x80, s26, s2, $0xb8;
	[tilespmem:$0x1FD00] =	vst v63  }
0x102: {  	_ =	swait.ge [sflag:s13], $0x1000  }
0x103: {  	[sflag:s13] =	ssyncset.done $0x0  }
0x104: {  	s25 =	simm.s32 $0x5080;
	[sflag:s13] =	ssyncadd.s32 $0xFFFFF000  }
0x105: {  	[spmem:s1] =	stream.indirect.scatter.add.f32 [tilespmem:s7], [sflag:$0x9], $0x80, s25, s2, $0xb8;
	[tilespmem:$0x1FD00] =	vst v63  }
0x106: {  	_ =	swait.ge [sflag:s14], $0x1000  }
0x107: {  	[sflag:s14] =	ssyncset.done $0x0  }
0x108: {  	s26 =	simm.s32 $0x50A0;
	[sflag:s14] =	ssyncadd.s32 $0xFFFFF000  }
0x109: {  	[spmem:s1] =	stream.indirect.scatter.add.f32 [tilespmem:s8], [sflag:$0xA], $0x80, s26, s2, $0xb8;
	[tilespmem:$0x1FD00] =	vst v63  }
0x10a: {  	_ =	swait.ge [sflag:s15], $0x1000  }
0x10b: {  	[sflag:s15] =	ssyncset.done $0x0  }
0x10c: {  	s25 =	simm.s32 $0x50C0;
	[sflag:s15] =	ssyncadd.s32 $0xFFFFF000  }
0x10d: {  	[spmem:s1] =	stream.indirect.scatter.add.f32 [tilespmem:s9], [sflag:$0xB], $0x80, s25, s2, $0xb8;
	[tilespmem:$0x1FD00] =	vst v63  }
0x10e: {  	_ =	swait.ge [sflag:s16], $0x1000  }
0x10f: {  	[sflag:s16] =	ssyncset.done $0x0  }
0x110: {  	s26 =	simm.s32 $0x50E0;
	[sflag:s16] =	ssyncadd.s32 $0xFFFFF000  }
0x111: {  	[spmem:s1] =	stream.indirect.scatter.add.f32 [tilespmem:s10], [sflag:$0xC], $0x80, s26, s2, $0xb8;
	[tilespmem:$0x1FD00] =	vst v63  }
0x112: {  	_ =	swait.ge [sflag:s17], $0x1000  }
0x113: {  	[sflag:s17] =	ssyncset.done $0x0  }
0x114: {  	[sflag:s17] =	ssyncadd.s32 $0xFFFFF000  }
0x115: {  	_ =	swait.ge [sflag:s18], $0x1000  }
0x116: {  	[sflag:s18] =	ssyncset.done $0x0  }
0x117: {  	[sflag:s18] =	ssyncadd.s32 $0xFFFFF000  }
0x118: {  	_ =	swait.ge [sflag:s19], $0x1000  }
0x119: {  	[sflag:s19] =	ssyncset.done $0x0  }
0x11a: {  	[sflag:s19] =	ssyncadd.s32 $0xFFFFF000  }
0x11b: {  	_ =	swait.ge [sflag:s20], $0x1000  }
0x11c: {  	[sflag:s20] =	ssyncset.done $0x0  }
0x11d: {  	[sflag:s20] =	ssyncadd.s32 $0xFFFFF000  }
0x11e: {  	_ =	swait.ge [sflag:s21], $0x1000  }
0x11f: {  	[sflag:s21] =	ssyncset.done $0x0  }
0x120: {  	[sflag:s21] =	ssyncadd.s32 $0xFFFFF000  }
0x121: {  	_ =	swait.ge [sflag:s22], $0x1000  }
0x122: {  	[sflag:s22] =	ssyncset.done $0x0  }
0x123: {  	[sflag:s22] =	ssyncadd.s32 $0xFFFFF000  }
0x124: {  	s25 =	stileid.u32;
	[bflag:$0x0] =	sbarrier.arrive $0xFFFF  }
0x125: {  	s24 =	sshll.u32 s25, $0x6;
	s25 =	rddreg [dreg:$0x7]  }
0x126: {  	s24 =	sor.u32 $0x1C0D, s24;
	s26 =	rddreg [dreg:$0x17]  }
0x127: {  	[hbm:s25], [sflag:s24] =	dma.local [spmem:s26], $0x2780  }
0x128: {  	_ =	swait.ge [sflag:s31], $0x2780  }
0x129: {  	s23 =	sadd.s32 $0x1, s23;
	s26 =	rddreg [dreg:$0x8]  }
0x12a: {  	p0 =	sne.s32 s23, s26  }
.Ltmp2:
0x12b: {  	_ = 	snop;
	(pc) =	sbr.rel @p0 .LBB2_1-.Ltmp2, $3  }
0x12c: {  	_ =	sdelay $0x1  }
0x12d: {  	[sflag:s31] =	ssyncset.done $0x0  }
0x12e: {  	[sflag:s31] =	ssyncadd.s32 $0xFFFFD880  }
0x12f: {  	_ =	sfence.sel $0x180000  }
0x130: {  	[bflag:$0x0] =	sbarrier.arrive $0xFFFF  }
0x131: {  	_ =	strace $0x9000004A  }
0x132: {  	s0 =	stileid.u32;
	[bflag:$0x2] =	sbarrier.arrive $0xFFFF  }
0x133: {  	p0 =	sne.s32 s0, $0x0;
	s0 =	rddreg [dreg:$0x3]  }
0x134: {  	s0 =	sadd.s32 @!p0 $0x100000, s0  }
0x135: {  	[sflag:s0] =	ssyncadd.tile.s32 @!p0 $0x1;
	_ =	shalt  }
.Lfunc_end2:
_tile_overlayer_lowered:
.L_overlay_start_2:
0x136: {  	(tag) =	ssettag $0x2  }
0x137: {  	s0 =	rddreg [dreg:$0x0];
	s2 =	stileid.u32  }
0x138: {  	s1 =	rddreg [dreg:$0x1];
	p0 =	sne.s32 s2, $0x0  }
0x139: {  	s3 =	rddreg [dreg:$0x2];
	[bflag:$0x3] =	sbarrier.arrive $0xFFFF;
	s2 =	simm.s32 @!p0 $0x1C0D  }
0x13a: {  	[timem:s3], [sflag:s2] =	dma.local @!p0 [hbm:s0], s1  }
0x13b: {  	s0 =	simm.s32 @!p0 $0xD  }
0x13c: {  	_ =	swait.ge @!p0 [sflag:s0], s1  }
0x13d: {  	s1 =	ssub.s32 @!p0 $0x0, s1;
	[sflag:s0] =	ssyncset.done @!p0 $0x0  }
0x13e: {  	[sflag:s0] =	ssyncadd.s32 @!p0 s1  }
0x13f: {  	[bflag:$0x3] =	sbarrier.arrive $0xFFFF  }
0x140: {  	_ =	shalt  }

// kernel: kernel.14.cloned.1.call-start
scs
__scs_entry_jumppad:
0x0: {  	(pc) =	sbr.rel $0x88, $3  }
0x1: {  	(tag) =	ssettag $0x0;
	lr =	simm.s32 $0x1  }
0x2: {  	[smem:$0x3F9B] =	sst lr;
	_ =	strace $0xD0000000  }
0x3: {  	_ = 	snop  }
0x4: {  	_ = 	snop  }
0x5: {  	_ = 	snop  }
0x6: {  	_ = 	snop  }
0x7: {  	_ = 	snop  }
__scs_overlays_trampoline_lowered:
0x8: {  	[smem:$0x3FAA] =	sst s0  }
0x9: {  	[smem:$0x3FAB] =	sst s1  }
0xa: {  	[smem:$0x3FAC] =	sst s2  }
0xb: {  	[smem:$0x3FAD] =	sst s3  }
0xc: {  	[smem:$0x3FAE] =	sst s4  }
0xd: {  	[smem:$0x3FAF] =	sst s5  }
0xe: {  	[smem:$0x3FB0] =	sst s6  }
0xf: {  	[smem:$0x3FB1] =	sst s7  }
0x10: {  	[smem:$0x3FB2] =	sst s8  }
0x11: {  	[smem:$0x3FB3] =	sst s9;
	s0 =	simm.s32 @!p0 $0x0  }
0x12: {  	s1 =	sld [smem:$0x3F99];
	s0 =	simm.s32 @p0 $0x1  }
0x13: {  	[smem:$0x3FB4] =	sst s0;
	s0 =	simm.s32 @!p1 $0x0  }
0x14: {  	s2 =	sld [smem:$0x3F98];
	s0 =	simm.s32 @p1 $0x1  }
0x15: {  	[smem:$0x3FB5] =	sst s0;
	s0 =	simm.s32 @!p2 $0x0  }
0x16: {  	s3 =	sld [smem:$0x3FDB];
	s0 =	simm.s32 @p2 $0x1  }
0x17: {  	s4 =	simm.s32 $0x1BF5;
	[smem:$0x3FB7] =	sst s0  }
0x18: {  	s0 =	sld [smem:$0x3F9A];
	_ =	swait.ge [sflag:s4], $0x0  }
0x19: {  	s7 =	sld [smem:$0x3F9B]  }
0x1a: {  	s8 =	sadd.s32 $0xFFFFE003, lr  }
0x1b: {  	s9 =	sadd.s32 $0xFFFFFEF7, lr;
	s5 =	simm.s32 $0xFFFFFFFF;
	p2 =	slt.u32 s8, $0xFFFFF086  }
0x1c: {  	p1 =	slt.u32 s9, $0xF7A;
	s5 =	simm.s32 @!p2 $0x0  }
0x1d: {  	s5 =	simm.s32 @p1 $0x1;
	p0 =	seq.s32 s7, s2  }
0x1e: {  	s7 =	smul.u32 @!p0 $0xF7A, s2;
	p2 =	seq.s32 @!p0 s5, $0x0  }
0x1f: {  	s9 =	smul.u32 $0xF7A, s1;
	s8 =	simm.s32 @!p0 $0x1BF5;
	p2 =	por !p2, p0  }
0x20: {  	[sflag:s8] =	ssyncset.s32 @!p0 $0xFFFFF086;
	s6 =	sadd.s32 @!p0 s3, s7;
	s7 =	simm.s32 @!p0 $0x108  }
0x21: {  	s3 =	sadd.s32 s3, s9;
	s6 =	sadd.s32 @!p0 $0x88, s6;
	s7 =	simm.s32 @p2 $0x1082  }
0x22: {  	[simem:s7], [sflag:s8] =	dma.local @!p0 [hbm:s6], $0xF7A  }
0x23: {  	s9 =	sor.u32 $0xD0000000, s2;
	s6 =	simm.s32 $0x108;
	_ =	swait.ge @!p0 [sflag:s8], $0x0  }
0x24: {  	s3 =	sadd.s32 $0x88, s3;
	s6 =	simm.s32 @!p1 $0x1082;
	[sflag:s4] =	ssyncset.s32 $0xFFFFF086  }
0x25: {  	[simem:s6], [sflag:s4] =	dma.local [hbm:s3], $0xF7A  }
0x26: {  	[smem:$0x3F9B] =	sst s1;
	(tag) =	ssettag s2;
	_ =	strace s9  }
0x27: {  	s1 =	sld [smem:$0x3FAB]  }
0x28: {  	s2 =	sld [smem:$0x3FAC]  }
0x29: {  	s4 =	sld [smem:$0x3FAE]  }
0x2a: {  	p0 =	seq.s32 s5, $0x0;
	s5 =	sld [smem:$0x3FAF]  }
0x2b: {  	s6 =	sld [smem:$0x3FB0]  }
0x2c: {  	s7 =	sld [smem:$0x3FB1]  }
0x2d: {  	s3 =	simm.s32 $0x108;
	s8 =	sld [smem:$0x3FB2]  }
0x2e: {  	s3 =	simm.s32 @!p0 $0x1082;
	s9 =	sld [smem:$0x3FB3]  }
0x2f: {  	lr =	sadd.s32 s0, s3;
	s0 =	sld [smem:$0x3FAA]  }
0x30: {  	s3 =	sld [smem:$0x3FAD]  }
0x31: {  	[smem:$0x3FB6] =	sst s10  }
0x32: {  	s10 =	sld [smem:$0x3FB4];
	_ =	sdelay $0x3  }
0x33: {  	p0 =	seq.s32 s10, $0x1;
	s10 =	sld [smem:$0x3FB6];
	_ =	sdelay $0x3  }
0x34: {  	[smem:$0x3FB6] =	sst s10  }
0x35: {  	s10 =	sld [smem:$0x3FB5];
	_ =	sdelay $0x3  }
0x36: {  	p1 =	seq.s32 s10, $0x1;
	s10 =	sld [smem:$0x3FB6];
	_ =	sdelay $0x3  }
0x37: {  	[smem:$0x3FB6] =	sst s10  }
0x38: {  	s10 =	sld [smem:$0x3FB7]  }
0x39: {  	_ = 	snop;
	(pc) =	sbr.ind lr, $3  }
0x3a: {  	_ = 	snop  }
0x3b: {  	_ = 	snop  }
0x3c: {  	p2 =	seq.s32 s10, $0x1;
	s10 =	sld [smem:$0x3FB6]  }
0x3d: {  	_ =	shalt  }
0x3e: {  	_ =	shalt  }
0x3f: {  	_ =	shalt  }
0x40: {  	_ =	shalt  }
0x41: {  	_ =	shalt  }
0x42: {  	_ =	shalt  }
0x43: {  	_ =	shalt  }
0x44: {  	_ =	shalt  }
0x45: {  	_ =	shalt  }
0x46: {  	_ =	shalt  }
0x47: {  	_ =	shalt  }
0x48: {  	_ =	shalt  }
0x49: {  	_ =	shalt  }
0x4a: {  	_ =	shalt  }
0x4b: {  	_ =	shalt  }
0x4c: {  	_ =	shalt  }
0x4d: {  	_ =	shalt  }
0x4e: {  	_ =	shalt  }
0x4f: {  	_ =	shalt  }
0x50: {  	_ =	shalt  }
0x51: {  	_ =	shalt  }
0x52: {  	_ =	shalt  }
0x53: {  	_ =	shalt  }
0x54: {  	_ =	shalt  }
0x55: {  	_ =	shalt  }
0x56: {  	_ =	shalt  }
0x57: {  	_ =	shalt  }
0x58: {  	_ =	shalt  }
0x59: {  	_ =	shalt  }
0x5a: {  	_ =	shalt  }
0x5b: {  	_ =	shalt  }
0x5c: {  	_ =	shalt  }
0x5d: {  	_ =	shalt  }
0x5e: {  	_ =	shalt  }
0x5f: {  	_ =	shalt  }
0x60: {  	_ =	shalt  }
0x61: {  	_ =	shalt  }
0x62: {  	_ =	shalt  }
0x63: {  	_ =	shalt  }
0x64: {  	_ =	shalt  }
0x65: {  	_ =	shalt  }
0x66: {  	_ =	shalt  }
0x67: {  	_ =	shalt  }
0x68: {  	_ =	shalt  }
0x69: {  	_ =	shalt  }
0x6a: {  	_ =	shalt  }
0x6b: {  	_ =	shalt  }
0x6c: {  	_ =	shalt  }
0x6d: {  	_ =	shalt  }
0x6e: {  	_ =	shalt  }
0x6f: {  	_ =	shalt  }
0x70: {  	_ =	shalt  }
0x71: {  	_ =	shalt  }
0x72: {  	_ =	shalt  }
0x73: {  	_ =	shalt  }
0x74: {  	_ =	shalt  }
0x75: {  	_ =	shalt  }
0x76: {  	_ =	shalt  }
0x77: {  	_ =	shalt  }
0x78: {  	_ =	shalt  }
0x79: {  	_ =	shalt  }
0x7a: {  	_ =	shalt  }
0x7b: {  	_ =	shalt  }
0x7c: {  	_ =	shalt  }
0x7d: {  	_ =	shalt  }
0x7e: {  	_ =	shalt  }
0x7f: {  	_ =	shalt  }
0x80: {  	_ =	shalt  }
0x81: {  	_ =	shalt  }
0x82: {  	_ =	shalt  }
0x83: {  	_ =	shalt  }
0x84: {  	_ =	shalt  }
0x85: {  	_ =	shalt  }
0x86: {  	_ =	shalt  }
0x87: {  	_ =	shalt  }
.Lfunc_end0:
.L_simem_size_0:
called_computation.2_lowered:
.L_overlay_start_0:
0x88: {  	s2 =	sld [smem:$0x3FD9]  }
0x89: {  	s3 =	sld [smem:$0x3FFE];
	_ =	sdelay $0x1  }
0x8a: {  	s1 =	srdreg.scid  }
0x8b: {  	s0 =	sand.u32 $0x1, s1  }
0x8c: {  	s17 =	sshll.u32 s0, $0xA;
	s2 =	sadd.s32 s3, s2  }
0x8d: {  	s2 =	sadd.s32 s2, s17  }
0x8e: {  	[smem:$0x3FC2] =	sst s2  }
0x8f: {  	_ = 	snop  }
0x90: {  	s2 =	sld [smem:$0x3FD0];
	(tm) =	ssettm $0x1  }
0x91: {  	s18 =	sld [smem:$0x3FFB];
	_ =	sdelay $0x3  }
0x92: {  	_ =	strace s18  }
0x93: {  	s3 =	sld [smem:$0x3FFC];
	_ =	sdelay $0x3  }
0x94: {  	_ =	strace s3  }
0x95: {  	s3 =	sld [smem:$0x3FFD];
	_ =	sdelay $0x3  }
0x96: {  	_ =	strace s3  }
0x97: {  	_ =	strace $0x8FFFFFFF  }
0x98: {  	s19 =	sld [smem:$0x3FDB];
	_ =	sdelay $0x1  }
0x99: {  	s4 =	simm.s32 $_scs_section_size  }
0x9a: {  	s5 =	simm.s32 $_size__tile_overlayer_lowered;
	s6 =	simm.s32 $_tile_overlayer_lowered  }
0x9b: {  	s22 =	simm.s32 $0x1BFF;
	s21 =	sshll.u32 s6, $0x1;
	s3 =	sadd.s32 s4, s19  }
0x9c: {  	s7 =	simm.s32 $0x0;
	s20 =	sshll.u32 s5, $0x1;
	s5 =	sadd.s32 s21, s3  }
0x9d: {  	[timem:s7], [sflag:s22] =	dma.local [hbm:s5], s20  }
0x9e: {  	_ =	swait.ge [sflag:s22], s20  }
0x9f: {  	s4 =	ssub.s32 $0x0, s20;
	[sflag:s22] =	ssyncset.done $0x0  }
0xa0: {  	[sflag:s22] =	ssyncadd.s32 s4;
	_ =	sdelay $0x1  }
0xa1: {  	s23 =	simm.s32 $0x1B8B  }
0xa2: {  	_ =	swait.ge [sflag:s23], $0x1  }
0xa3: {  	[sflag:s23] =	ssyncset.done $0x0  }
0xa4: {  	s25 =	simm.s32 $0x1B8E;
	s24 =	sld [smem:$0x3FFE];
	[sflag:s23] =	ssyncadd.s32 $0xFFFFFFFF  }
0xa5: {  	s26 =	simm.s32 $execute0_lowered;
	[smem:$0x3FD2] =	sst s25  }
0xa6: {  	s5 =	sshll.u32 s26, $0x1;
	_ =	strace $0x8000004C;
	[dreg:$0x1] =	wrdreg $0xFFFFFFFF  }
0xa7: {  	s28 =	simm.s32 $_size_execute0_lowered;
	s3 =	sadd.s32 s3, s5;
	[dreg:$0x0] =	wrdreg $0x0  }
0xa8: {  	s5 =	sshll.u32 s28, $0x1;
	[dreg:$0x2] =	wrdreg s3  }
0xa9: {  	[dreg:$0x3] =	wrdreg s5  }
0xaa: {  	[dreg:$0x4] =	wrdreg $0xC0  }
0xab: {  	_ =	task [dreg:s7], $0x5FFFF  }
0xac: {  	[dreg:$0x1] =	wrdreg $0xFFFFFFFF  }
0xad: {  	[dreg:$0x0] =	wrdreg $0x60  }
0xae: {  	[dreg:$0x2] =	wrdreg s24  }
0xaf: {  	[dreg:$0x3] =	wrdreg s2  }
0xb0: {  	[dreg:$0x4] =	wrdreg $0xC1000  }
0xb1: {  	[dreg:$0x5] =	wrdreg $0x9  }
0xb2: {  	_ =	task.clear_ibuf [dreg:s7], $0x6FFFF;
	_ =	strace $0x9000004C  }
0xb3: {  	s29 =	simm.s32 $0x9;
	_ =	strace $0x8000004E  }
0xb4: {  	_ =	swait.ge [sflag:s29], $0x1  }
0xb5: {  	[sflag:s29] =	ssyncadd.s32 $0xFFFFFFFF  }
0xb6: {  	_ =	strace $0x9000004E  }
0xb7: {  	_ =	sfence  }
0xb8: {  	s30 =	sld [smem:$0x0];
	_ =	sdelay $0x2  }
0xb9: {  	s31 =	sshll.u32 s1, $0xD;
	s1 =	sshrl.u32 s1, $0x2  }
0xba: {  	s3 =	sand.u32 $0x4000, s31;
	s1 =	sadd.s32 s1, s30  }
0xbb: {  	s0 =	sor.u32 s3, s0;
	s1 =	sshll.u32 s1, $0x11  }
0xbc: {  	s0 =	sor.u32 s1, s0  }
0xbd: {  	s0 =	sadd.s32 $0x8F2B, s0  }
0xbe: {  	[sflag:s0] =	ssyncadd.remote.s32 $0x1  }
0xbf: {  	_ =	sfence.sel $0xFFFF  }
0xc0: {  	[dreg:$0x0] =	wrdreg $0xFFFFFFFF;
	(pc) =	sbr.abs _section_cstart, $3  }
0xc1: {  	[dreg:$0x1] =	wrdreg $0xFFFFFFFF  }
0xc2: {  	_ =	task.clear_ibuf [dreg:s7], $0x2FFFF;
	_ =	strace $0x9FFFFFFF  }
0xc3: {  	(tm) =	ssettm $0x7FFFFFFF  }
tec
execute0_lowered:
.L_overlay_start_1:
0x0: {  	(tag) =	ssettag $0x1  }
0x1: {  	s0 =	rddreg [dreg:$0x0]  }
0x2: {  	s2 =	rddreg [dreg:$0x1]  }
0x3: {  	s1 =	rddreg [dreg:$0x2]  }
0x4: {  	s3 =	srdreg.scid;
	s8 =	stileid.u32  }
0x5: {  	s6 =	simm.s32 $0x0;
	s3 =	sand.u32 $0x1, s3;
	s7 =	smul.u32 $0x13C00, s8  }
0x6: {  	[smem:$0x7FF] =	sst s6;
	s4 =	sshll.u32 s3, $0x4;
	s5 =	smul.u32 $0x13C000, s3  }
0x7: {  	s3 =	ssub.s32 $0x2, s3;
	s4 =	sor.u32 s8, s4;
	s8 =	smul.u32 $0x4F000, s8  }
0x8: {  	_ =	strace $0x8000004D;
	s26 =	sshrl.u32 s3, $0x1;
	s25 =	smul.u32 $0x510, s4  }
0x9: {  	s4 =	sadd.s32 $0x20200, s0;
	s5 =	sadd.s32 s7, s5;
	s3 =	ssub.s32 s3, s26  }
0xa: {  	s5 =	sshrl.u32 s5, $0x3;
	s8 =	sshrl.u32 s8, $0x2;
	s11 =	smax.u32 s3, $0x1  }
0xb: {  	s9 =	sadd.s32 s25, s0;
	s2 =	sadd.s32 s2, s25;
	[dreg:$0x8] =	wrdreg s11  }
0xc: {  	s6 =	sadd.s32 s8, s1;
	[dreg:$0x4] =	wrdreg s2;
	s8 =	sadd.s32 $0x2400, s9  }
0xd: {  	s0 =	sadd.s32 s5, s0;
	s9 =	sadd.s32 $0x13000, s6;
	[dreg:$0x5] =	wrdreg s8  }
0xe: {  	s0 =	sadd.s32 $0x47A00, s0;
	[dreg:$0x6] =	wrdreg s9  }
0xf: {  	s12 =	sadd.s32 $0x1000, s6;
	[dreg:$0x7] =	wrdreg s0  }
0x10: {  	s13 =	sadd.s32 $0x2000, s6;
	[dreg:$0x9] =	wrdreg s12  }
0x11: {  	s14 =	sadd.s32 $0x3000, s6;
	[dreg:$0xa] =	wrdreg s13  }
0x12: {  	s15 =	sadd.s32 $0x4000, s6;
	[dreg:$0xb] =	wrdreg s14  }
0x13: {  	s31 =	simm.s32 $0xD;
	s16 =	sadd.s32 $0x5000, s6;
	[dreg:$0xc] =	wrdreg s15  }
0x14: {  	s10 =	sadd.s32 s7, s1;
	s17 =	sadd.s32 $0x6000, s6;
	[dreg:$0xd] =	wrdreg s16  }
0x15: {  	s7 =	simm.s32 $0x7100;
	s18 =	sadd.s32 $0x7000, s6;
	[dreg:$0xe] =	wrdreg s17  }
0x16: {  	s3 =	simm.s32 $0x5100;
	s19 =	sadd.s32 $0x8000, s6;
	[dreg:$0xf] =	wrdreg s18  }
0x17: {  	s5 =	simm.s32 $0x6100;
	s20 =	sadd.s32 $0x9000, s6;
	[dreg:$0x10] =	wrdreg s19  }
0x18: {  	s11 =	simm.s32 $0x1;
	s21 =	sadd.s32 $0xA000, s6;
	[dreg:$0x11] =	wrdreg s20  }
0x19: {  	s22 =	sadd.s32 $0xB000, s6;
	s23 =	sadd.s32 $0xC000, s6;
	[dreg:$0x12] =	wrdreg s21  }
0x1a: {  	s24 =	sadd.s32 $0xD000, s6;
	s25 =	sadd.s32 $0xE000, s6;
	[dreg:$0x13] =	wrdreg s22  }
0x1b: {  	s26 =	sadd.s32 $0xF000, s6;
	s28 =	sadd.s32 $0x10000, s6;
	[dreg:$0x14] =	wrdreg s23  }
0x1c: {  	s29 =	sadd.s32 $0x11000, s6;
	s30 =	sadd.s32 $0x12000, s6;
	[dreg:$0x15] =	wrdreg s24  }
0x1d: {  	s2 =	simm.s32 $0x20;
	[dreg:$0x16] =	wrdreg s25;
	s0 =	sshrl.u32 s10, $0x3  }
0x1e: {  	[dreg:$0x18] =	wrdreg s26;
	s8 =	simm.s32 $0x8100;
	s9 =	simm.s32 $0x9100  }
0x1f: {  	s10 =	simm.s32 $0xA100;
	s12 =	simm.s32 $0x2;
	s13 =	simm.s32 $0x3  }
0x20: {  	s14 =	simm.s32 $0x4;
	s15 =	simm.s32 $0x5;
	s16 =	simm.s32 $0x6  }
0x21: {  	s17 =	simm.s32 $0x7;
	s18 =	simm.s32 $0x8;
	s19 =	simm.s32 $0x9  }
0x22: {  	s20 =	simm.s32 $0xA;
	s21 =	simm.s32 $0xB;
	s22 =	simm.s32 $0xC  }
0x23: {  	v0 =	vimm.f32 $0.0e+00;
	s23 =	simm.s32 $0x0;
	[dreg:$0x17] =	wrdreg s0;
	s0 =	simm.s32 $0xB100  }
.LBB2_1:
0x24: {  	s24 =	simm.s32 $0x0;
	s25 =	rddreg [dreg:$0x4]  }
0x25: {  	[tilespmem:s24], [sflag:$0xD] =	stream.linear.gather [hbm4b:s25+s24], $0x2880, $0x38;
	[tilespmem:$0x1FD00] =	vst v63  }
0x26: {  	_ =	swait.ge [sflag:s31], $0x2880  }
0x27: {  	[sflag:s31] =	ssyncset.done $0x0  }
0x28: {  	s26 =	simm.s32 $0x2880;
	s25 =	rddreg [dreg:$0x5];
	[sflag:s31] =	ssyncadd.s32 $0xFFFFD780  }
0x29: {  	[tilespmem:s26], [sflag:$0xD] =	stream.linear.gather [hbm4b:s25+s24], $0x2880, $0x38;
	[tilespmem:$0x1FD00] =	vst v63  }
0x2a: {  	_ =	swait.ge [sflag:s31], $0x2880  }
0x2b: {  	[sflag:s31] =	ssyncset.done $0x0  }
0x2c: {  	s24 =	simm.s32 $0x0;
	s25 =	simm.s32 $0x200;
	[sflag:s31] =	ssyncadd.s32 $0xFFFFD780  }
.LBB2_2:
0x2d: {  	p0 =	sne.s32 s25, $0x3E00;
	[tilespmem:s24+$0xB170] =	vst v0  }
0x2e: {  	[tilespmem:s24+$0xB100] =	vst v0  }
0x2f: {  	[tilespmem:s24+$0xB110] =	vst v0  }
.Ltmp0:
0x30: {  	[tilespmem:s24+$0xB120] =	vst v0;
	(pc) =	sbr.rel @p0 .LBB2_2-.Ltmp0, $4  }
0x31: {  	[tilespmem:s24+$0xB130] =	vst v0  }
0x32: {  	[tilespmem:s24+$0xB140] =	vst v0  }
0x33: {  	[tilespmem:s24+$0xB150] =	vst v0  }
0x34: {  	[tilespmem:s24+$0xB160] =	vst v0;
	s24 =	sshra.s32 s25, $0x2;
	s25 =	sadd.s32 $0x200, s25  }
0x35: {  	[tilespmem:s24+$0xB170] =	vst v0  }
0x36: {  	[tilespmem:s24+$0xB100] =	vst v0  }
0x37: {  	[tilespmem:s24+$0xB110] =	vst v0  }
0x38: {  	[tilespmem:s24+$0xB120] =	vst v0  }
0x39: {  	[tilespmem:s24+$0xB130] =	vst v0  }
0x3a: {  	[tilespmem:s24+$0xB140] =	vst v0  }
0x3b: {  	[tilespmem:s24+$0xB150] =	vst v0  }
0x3c: {  	[tilespmem:s24+$0xB160] =	vst v0  }
0x3d: {  	[spmem:s6] =	stream.linear.scatter [tilespmem:s0], [sflag:$0xD], $0x1000, $0x38;
	[tilespmem:$0x1FD00] =	vst v63  }
0x3e: {  	_ =	swait.ge [sflag:s31], $0x1000  }
0x3f: {  	[sflag:s31] =	ssyncset.done $0x0  }
0x40: {  	s25 =	rddreg [dreg:$0x9];
	[sflag:s31] =	ssyncadd.s32 $0xFFFFF000  }
0x41: {  	[spmem:s25] =	stream.linear.scatter [tilespmem:s0], [sflag:$0xD], $0x1000, $0x38;
	[tilespmem:$0x1FD00] =	vst v63  }
0x42: {  	_ =	swait.ge [sflag:s31], $0x1000  }
0x43: {  	[sflag:s31] =	ssyncset.done $0x0  }
0x44: {  	s26 =	rddreg [dreg:$0xa];
	[sflag:s31] =	ssyncadd.s32 $0xFFFFF000  }
0x45: {  	[spmem:s26] =	stream.linear.scatter [tilespmem:s0], [sflag:$0xD], $0x1000, $0x38;
	[tilespmem:$0x1FD00] =	vst v63  }
0x46: {  	_ =	swait.ge [sflag:s31], $0x1000  }
0x47: {  	[sflag:s31] =	ssyncset.done $0x0  }
0x48: {  	s25 =	rddreg [dreg:$0xb];
	[sflag:s31] =	ssyncadd.s32 $0xFFFFF000  }
0x49: {  	[spmem:s25] =	stream.linear.scatter [tilespmem:s0], [sflag:$0xD], $0x1000, $0x38;
	[tilespmem:$0x1FD00] =	vst v63  }
0x4a: {  	_ =	swait.ge [sflag:s31], $0x1000  }
0x4b: {  	[sflag:s31] =	ssyncset.done $0x0  }
0x4c: {  	s26 =	rddreg [dreg:$0xc];
	[sflag:s31] =	ssyncadd.s32 $0xFFFFF000  }
0x4d: {  	[spmem:s26] =	stream.linear.scatter [tilespmem:s0], [sflag:$0xD], $0x1000, $0x38;
	[tilespmem:$0x1FD00] =	vst v63  }
0x4e: {  	_ =	swait.ge [sflag:s31], $0x1000  }
0x4f: {  	[sflag:s31] =	ssyncset.done $0x0  }
0x50: {  	s25 =	rddreg [dreg:$0xd];
	[sflag:s31] =	ssyncadd.s32 $0xFFFFF000  }
0x51: {  	[spmem:s25] =	stream.linear.scatter [tilespmem:s0], [sflag:$0xD], $0x1000, $0x38;
	[tilespmem:$0x1FD00] =	vst v63  }
0x52: {  	_ =	swait.ge [sflag:s31], $0x1000  }
0x53: {  	[sflag:s31] =	ssyncset.done $0x0  }
0x54: {  	s26 =	rddreg [dreg:$0xe];
	[sflag:s31] =	ssyncadd.s32 $0xFFFFF000  }
0x55: {  	[spmem:s26] =	stream.linear.scatter [tilespmem:s0], [sflag:$0xD], $0x1000, $0x38;
	[tilespmem:$0x1FD00] =	vst v63  }
0x56: {  	_ =	swait.ge [sflag:s31], $0x1000  }
0x57: {  	[sflag:s31] =	ssyncset.done $0x0  }
0x58: {  	s25 =	rddreg [dreg:$0xf];
	[sflag:s31] =	ssyncadd.s32 $0xFFFFF000  }
0x59: {  	[spmem:s25] =	stream.linear.scatter [tilespmem:s0], [sflag:$0xD], $0x1000, $0x38;
	[tilespmem:$0x1FD00] =	vst v63  }
0x5a: {  	_ =	swait.ge [sflag:s31], $0x1000  }
0x5b: {  	[sflag:s31] =	ssyncset.done $0x0  }
0x5c: {  	s26 =	rddreg [dreg:$0x10];
	[sflag:s31] =	ssyncadd.s32 $0xFFFFF000  }
0x5d: {  	[spmem:s26] =	stream.linear.scatter [tilespmem:s0], [sflag:$0xD], $0x1000, $0x38;
	[tilespmem:$0x1FD00] =	vst v63  }
0x5e: {  	_ =	swait.ge [sflag:s31], $0x1000  }
0x5f: {  	[sflag:s31] =	ssyncset.done $0x0  }
0x60: {  	s25 =	rddreg [dreg:$0x11];
	[sflag:s31] =	ssyncadd.s32 $0xFFFFF000  }
0x61: {  	[spmem:s25] =	stream.linear.scatter [tilespmem:s0], [sflag:$0xD], $0x1000, $0x38;
	[tilespmem:$0x1FD00] =	vst v63  }
0x62: {  	_ =	swait.ge [sflag:s31], $0x1000  }
0x63: {  	[sflag:s31] =	ssyncset.done $0x0  }
0x64: {  	s26 =	rddreg [dreg:$0x12];
	[sflag:s31] =	ssyncadd.s32 $0xFFFFF000  }
0x65: {  	[spmem:s26] =	stream.linear.scatter [tilespmem:s0], [sflag:$0xD], $0x1000, $0x38;
	[tilespmem:$0x1FD00] =	vst v63  }
0x66: {  	_ =	swait.ge [sflag:s31], $0x1000  }
0x67: {  	[sflag:s31] =	ssyncset.done $0x0  }
0x68: {  	s25 =	rddreg [dreg:$0x13];
	[sflag:s31] =	ssyncadd.s32 $0xFFFFF000  }
0x69: {  	[spmem:s25] =	stream.linear.scatter [tilespmem:s0], [sflag:$0xD], $0x1000, $0x38;
	[tilespmem:$0x1FD00] =	vst v63  }
0x6a: {  	_ =	swait.ge [sflag:s31], $0x1000  }
0x6b: {  	[sflag:s31] =	ssyncset.done $0x0  }
0x6c: {  	s26 =	rddreg [dreg:$0x14];
	[sflag:s31] =	ssyncadd.s32 $0xFFFFF000  }
0x6d: {  	[spmem:s26] =	stream.linear.scatter [tilespmem:s0], [sflag:$0xD], $0x1000, $0x38;
	[tilespmem:$0x1FD00] =	vst v63  }
0x6e: {  	_ =	swait.ge [sflag:s31], $0x1000  }
0x6f: {  	[sflag:s31] =	ssyncset.done $0x0  }
0x70: {  	s25 =	rddreg [dreg:$0x15];
	[sflag:s31] =	ssyncadd.s32 $0xFFFFF000  }
0x71: {  	[spmem:s25] =	stream.linear.scatter [tilespmem:s0], [sflag:$0xD], $0x1000, $0x38;
	[tilespmem:$0x1FD00] =	vst v63  }
0x72: {  	_ =	swait.ge [sflag:s31], $0x1000  }
0x73: {  	[sflag:s31] =	ssyncset.done $0x0  }
0x74: {  	s26 =	rddreg [dreg:$0x16];
	[sflag:s31] =	ssyncadd.s32 $0xFFFFF000  }
0x75: {  	[spmem:s26] =	stream.linear.scatter [tilespmem:s0], [sflag:$0xD], $0x1000, $0x38;
	[tilespmem:$0x1FD00] =	vst v63  }
0x76: {  	_ =	swait.ge [sflag:s31], $0x1000  }
0x77: {  	[sflag:s31] =	ssyncset.done $0x0  }
0x78: {  	s25 =	rddreg [dreg:$0x18];
	[sflag:s31] =	ssyncadd.s32 $0xFFFFF000  }
0x79: {  	[spmem:s25] =	stream.linear.scatter [tilespmem:s0], [sflag:$0xD], $0x1000, $0x38;
	[tilespmem:$0x1FD00] =	vst v63  }
0x7a: {  	_ =	swait.ge [sflag:s31], $0x1000  }
0x7b: {  	[sflag:s31] =	ssyncset.done $0x0  }
0x7c: {  	[sflag:s31] =	ssyncadd.s32 $0xFFFFF000  }
0x7d: {  	[spmem:s28] =	stream.linear.scatter [tilespmem:s0], [sflag:$0xD], $0x1000, $0x38;
	[tilespmem:$0x1FD00] =	vst v63  }
0x7e: {  	_ =	swait.ge [sflag:s31], $0x1000  }
0x7f: {  	[sflag:s31] =	ssyncset.done $0x0  }
0x80: {  	[sflag:s31] =	ssyncadd.s32 $0xFFFFF000  }
0x81: {  	[spmem:s29] =	stream.linear.scatter [tilespmem:s0], [sflag:$0xD], $0x1000, $0x38;
	[tilespmem:$0x1FD00] =	vst v63  }
0x82: {  	_ =	swait.ge [sflag:s31], $0x1000  }
0x83: {  	[sflag:s31] =	ssyncset.done $0x0  }
0x84: {  	[sflag:s31] =	ssyncadd.s32 $0xFFFFF000  }
0x85: {  	[spmem:s30] =	stream.linear.scatter [tilespmem:s0], [sflag:$0xD], $0x1000, $0x38;
	[tilespmem:$0x1FD00] =	vst v63  }
0x86: {  	_ =	swait.ge [sflag:s31], $0x1000  }
0x87: {  	[sflag:s31] =	ssyncset.done $0x0  }
0x88: {  	s26 =	rddreg [dreg:$0x6];
	[sflag:s31] =	ssyncadd.s32 $0xFFFFF000  }
0x89: {  	[spmem:s26] =	stream.linear.scatter [tilespmem:s0], [sflag:$0xD], $0xC00, $0x38;
	[tilespmem:$0x1FD00] =	vst v63  }
0x8a: {  	_ =	swait.ge [sflag:s31], $0xC00  }
0x8b: {  	[sflag:s31] =	ssyncset.done $0x0  }
0x8c: {  	[sflag:s31] =	ssyncadd.s32 $0xFFFFF400  }
0x8d: {  	s25 =	simm.s32 $0x0;
	[bflag:$0x0] =	sbarrier.arrive $0xFFFF  }
0x8e: {  	[tilespmem:s3], [sflag:$0x1] =	stream.indirect.gather [hbm4b:s4+s2], $0x80, s25, s2, $0xb8;
	[tilespmem:$0x1FD00] =	vst v63  }
0x8f: {  	_ = 	snop  }
0x90: {  	[tilespmem:s5], [sflag:$0x2] =	stream.indirect.gather [hbm4b:s4+s2], $0x80, s2, s2, $0xb8;
	[tilespmem:$0x1FD00] =	vst v63  }
0x91: {  	s26 =	simm.s32 $0x40  }
0x92: {  	[tilespmem:s7], [sflag:$0x3] =	stream.indirect.gather [hbm4b:s4+s2], $0x80, s26, s2, $0xb8;
	[tilespmem:$0x1FD00] =	vst v63  }
0x93: {  	s25 =	simm.s32 $0x60  }
0x94: {  	[tilespmem:s8], [sflag:$0x4] =	stream.indirect.gather [hbm4b:s4+s2], $0x80, s25, s2, $0xb8;
	[tilespmem:$0x1FD00] =	vst v63  }
0x95: {  	s26 =	simm.s32 $0x80  }
0x96: {  	[tilespmem:s9], [sflag:$0x5] =	stream.indirect.gather [hbm4b:s4+s2], $0x80, s26, s2, $0xb8;
	[tilespmem:$0x1FD00] =	vst v63  }
0x97: {  	s25 =	simm.s32 $0xA0  }
0x98: {  	[tilespmem:s10], [sflag:$0x6] =	stream.indirect.gather [hbm4b:s4+s2], $0x80, s25, s2, $0xb8;
	[tilespmem:$0x1FD00] =	vst v63  }
0x99: {  	_ =	swait.ge [sflag:s11], $0x1000  }
0x9a: {  	[sflag:s11] =	ssyncset.done $0x0  }
0x9b: {  	s26 =	simm.s32 $0x2880;
	[sflag:s11] =	ssyncadd.s32 $0xFFFFF000  }
0x9c: {  	[spmem:s1] =	stream.indirect.scatter.add.f32 [tilespmem:s3], [sflag:$0x7], $0x80, s26, s2, $0xb8;
	[tilespmem:$0x1FD00] =	vst v63  }
0x9d: {  	_ =	swait.ge [sflag:s12], $0x1000  }
0x9e: {  	[sflag:s12] =	ssyncset.done $0x0  }
0x9f: {  	s25 =	simm.s32 $0x28A0;
	[sflag:s12] =	ssyncadd.s32 $0xFFFFF000  }
0xa0: {  	[spmem:s1] =	stream.indirect.scatter.add.f32 [tilespmem:s5], [sflag:$0x8], $0x80, s25, s2, $0xb8;
	[tilespmem:$0x1FD00] =	vst v63  }
0xa1: {  	_ =	swait.ge [sflag:s13], $0x1000  }
0xa2: {  	[sflag:s13] =	ssyncset.done $0x0  }
0xa3: {  	s26 =	simm.s32 $0x28C0;
	[sflag:s13] =	ssyncadd.s32 $0xFFFFF000  }
0xa4: {  	[spmem:s1] =	stream.indirect.scatter.add.f32 [tilespmem:s7], [sflag:$0x9], $0x80, s26, s2, $0xb8;
	[tilespmem:$0x1FD00] =	vst v63  }
0xa5: {  	_ =	swait.ge [sflag:s14], $0x1000  }
0xa6: {  	[sflag:s14] =	ssyncset.done $0x0  }
0xa7: {  	s25 =	simm.s32 $0x28E0;
	[sflag:s14] =	ssyncadd.s32 $0xFFFFF000  }
0xa8: {  	[spmem:s1] =	stream.indirect.scatter.add.f32 [tilespmem:s8], [sflag:$0xA], $0x80, s25, s2, $0xb8;
	[tilespmem:$0x1FD00] =	vst v63  }
0xa9: {  	_ =	swait.ge [sflag:s15], $0x1000  }
0xaa: {  	[sflag:s15] =	ssyncset.done $0x0  }
0xab: {  	s26 =	simm.s32 $0x2900;
	[sflag:s15] =	ssyncadd.s32 $0xFFFFF000  }
0xac: {  	[spmem:s1] =	stream.indirect.scatter.add.f32 [tilespmem:s9], [sflag:$0xB], $0x80, s26, s2, $0xb8;
	[tilespmem:$0x1FD00] =	vst v63  }
0xad: {  	_ =	swait.ge [sflag:s16], $0x1000  }
0xae: {  	[sflag:s16] =	ssyncset.done $0x0  }
0xaf: {  	s25 =	simm.s32 $0x2920;
	[sflag:s16] =	ssyncadd.s32 $0xFFFFF000  }
0xb0: {  	[spmem:s1] =	stream.indirect.scatter.add.f32 [tilespmem:s10], [sflag:$0xC], $0x80, s25, s2, $0xb8;
	[tilespmem:$0x1FD00] =	vst v63  }
0xb1: {  	_ =	swait.ge [sflag:s17], $0x1000  }
0xb2: {  	[sflag:s17] =	ssyncset.done $0x0  }
0xb3: {  	s26 =	simm.s32 $0xC0;
	[sflag:s17] =	ssyncadd.s32 $0xFFFFF000  }
0xb4: {  	[tilespmem:s3], [sflag:$0x1] =	stream.indirect.gather [hbm4b:s4+s2], $0x80, s26, s2, $0xb8;
	[tilespmem:$0x1FD00] =	vst v63  }
0xb5: {  	_ =	swait.ge [sflag:s18], $0x1000  }
0xb6: {  	[sflag:s18] =	ssyncset.done $0x0  }
0xb7: {  	s25 =	simm.s32 $0xE0;
	[sflag:s18] =	ssyncadd.s32 $0xFFFFF000  }
0xb8: {  	[tilespmem:s5], [sflag:$0x2] =	stream.indirect.gather [hbm4b:s4+s2], $0x80, s25, s2, $0xb8;
	[tilespmem:$0x1FD00] =	vst v63  }
0xb9: {  	_ =	swait.ge [sflag:s19], $0x1000  }
0xba: {  	[sflag:s19] =	ssyncset.done $0x0  }
0xbb: {  	s26 =	simm.s32 $0x100;
	[sflag:s19] =	ssyncadd.s32 $0xFFFFF000  }
0xbc: {  	[tilespmem:s7], [sflag:$0x3] =	stream.indirect.gather [hbm4b:s4+s2], $0x80, s26, s2, $0xb8;
	[tilespmem:$0x1FD00] =	vst v63  }
0xbd: {  	_ =	swait.ge [sflag:s20], $0x1000  }
0xbe: {  	[sflag:s20] =	ssyncset.done $0x0  }
0xbf: {  	s25 =	simm.s32 $0x120;
	[sflag:s20] =	ssyncadd.s32 $0xFFFFF000  }
0xc0: {  	[tilespmem:s8], [sflag:$0x4] =	stream.indirect.gather [hbm4b:s4+s2], $0x80, s25, s2, $0xb8;
	[tilespmem:$0x1FD00] =	vst v63  }
0xc1: {  	_ =	swait.ge [sflag:s21], $0x1000  }
0xc2: {  	[sflag:s21] =	ssyncset.done $0x0  }
0xc3: {  	s26 =	simm.s32 $0x140;
	[sflag:s21] =	ssyncadd.s32 $0xFFFFF000  }
0xc4: {  	[tilespmem:s9], [sflag:$0x5] =	stream.indirect.gather [hbm4b:s4+s2], $0x80, s26, s2, $0xb8;
	[tilespmem:$0x1FD00] =	vst v63  }
0xc5: {  	_ =	swait.ge [sflag:s22], $0x1000  }
0xc6: {  	[sflag:s22] =	ssyncset.done $0x0  }
0xc7: {  	s24 =	simm.s32 $0x300;
	s25 =	simm.s32 $0x160;
	[sflag:s22] =	ssyncadd.s32 $0xFFFFF000  }
.LBB2_4:
0xc8: {  	[tilespmem:s10], [sflag:$0x6] =	stream.indirect.gather [hbm4b:s4+s2], $0x80, s25, s2, $0xb8;
	[tilespmem:$0x1FD00] =	vst v63  }
0xc9: {  	s25 =	smov.u32 s24  }
0xca: {  	p0 =	sne.s32 s24, $0x9C00;
	s24 =	sadd.s32 $0x300, s24;
	_ =	swait.ge [sflag:s11], $0x1000  }
0xcb: {  	s25 =	sshra.s32 s25, $0x2;
	[sflag:s11] =	ssyncset.done $0x0  }
0xcc: {  	s26 =	sadd.s32 $0x2880, s25;
	[sflag:s11] =	ssyncadd.s32 $0xFFFFF000  }
0xcd: {  	[spmem:s1] =	stream.indirect.scatter.add.f32 [tilespmem:s3], [sflag:$0x7], $0x80, s26, s2, $0xb8;
	[tilespmem:$0x1FD00] =	vst v63  }
0xce: {  	_ =	swait.ge [sflag:s12], $0x1000  }
0xcf: {  	[sflag:s12] =	ssyncset.done $0x0  }
0xd0: {  	s26 =	sadd.s32 $0x28A0, s25;
	[sflag:s12] =	ssyncadd.s32 $0xFFFFF000  }
0xd1: {  	[spmem:s1] =	stream.indirect.scatter.add.f32 [tilespmem:s5], [sflag:$0x8], $0x80, s26, s2, $0xb8;
	[tilespmem:$0x1FD00] =	vst v63  }
0xd2: {  	_ =	swait.ge [sflag:s13], $0x1000  }
0xd3: {  	[sflag:s13] =	ssyncset.done $0x0  }
0xd4: {  	s26 =	sadd.s32 $0x28C0, s25;
	[sflag:s13] =	ssyncadd.s32 $0xFFFFF000  }
0xd5: {  	[spmem:s1] =	stream.indirect.scatter.add.f32 [tilespmem:s7], [sflag:$0x9], $0x80, s26, s2, $0xb8;
	[tilespmem:$0x1FD00] =	vst v63  }
0xd6: {  	_ =	swait.ge [sflag:s14], $0x1000  }
0xd7: {  	[sflag:s14] =	ssyncset.done $0x0  }
0xd8: {  	s26 =	sadd.s32 $0x28E0, s25;
	[sflag:s14] =	ssyncadd.s32 $0xFFFFF000  }
0xd9: {  	[spmem:s1] =	stream.indirect.scatter.add.f32 [tilespmem:s8], [sflag:$0xA], $0x80, s26, s2, $0xb8;
	[tilespmem:$0x1FD00] =	vst v63  }
0xda: {  	_ =	swait.ge [sflag:s15], $0x1000  }
0xdb: {  	[sflag:s15] =	ssyncset.done $0x0  }
0xdc: {  	s26 =	sadd.s32 $0x2900, s25;
	[sflag:s15] =	ssyncadd.s32 $0xFFFFF000  }
0xdd: {  	[spmem:s1] =	stream.indirect.scatter.add.f32 [tilespmem:s9], [sflag:$0xB], $0x80, s26, s2, $0xb8;
	[tilespmem:$0x1FD00] =	vst v63  }
0xde: {  	_ =	swait.ge [sflag:s16], $0x1000  }
0xdf: {  	[sflag:s16] =	ssyncset.done $0x0  }
0xe0: {  	s26 =	sadd.s32 $0x2920, s25;
	[sflag:s16] =	ssyncadd.s32 $0xFFFFF000  }
0xe1: {  	[spmem:s1] =	stream.indirect.scatter.add.f32 [tilespmem:s10], [sflag:$0xC], $0x80, s26, s2, $0xb8;
	[tilespmem:$0x1FD00] =	vst v63  }
0xe2: {  	_ =	swait.ge [sflag:s17], $0x1000  }
0xe3: {  	[sflag:s17] =	ssyncset.done $0x0  }
0xe4: {  	s26 =	sadd.s32 $0xC0, s25;
	[sflag:s17] =	ssyncadd.s32 $0xFFFFF000  }
0xe5: {  	[tilespmem:s3], [sflag:$0x1] =	stream.indirect.gather [hbm4b:s4+s2], $0x80, s26, s2, $0xb8;
	[tilespmem:$0x1FD00] =	vst v63  }
0xe6: {  	_ =	swait.ge [sflag:s18], $0x1000  }
0xe7: {  	[sflag:s18] =	ssyncset.done $0x0  }
0xe8: {  	s26 =	sadd.s32 $0xE0, s25;
	[sflag:s18] =	ssyncadd.s32 $0xFFFFF000  }
0xe9: {  	[tilespmem:s5], [sflag:$0x2] =	stream.indirect.gather [hbm4b:s4+s2], $0x80, s26, s2, $0xb8;
	[tilespmem:$0x1FD00] =	vst v63  }
0xea: {  	_ =	swait.ge [sflag:s19], $0x1000  }
0xeb: {  	[sflag:s19] =	ssyncset.done $0x0  }
0xec: {  	s26 =	sadd.s32 $0x100, s25;
	[sflag:s19] =	ssyncadd.s32 $0xFFFFF000  }
0xed: {  	[tilespmem:s7], [sflag:$0x3] =	stream.indirect.gather [hbm4b:s4+s2], $0x80, s26, s2, $0xb8;
	[tilespmem:$0x1FD00] =	vst v63  }
0xee: {  	_ =	swait.ge [sflag:s20], $0x1000  }
0xef: {  	[sflag:s20] =	ssyncset.done $0x0  }
0xf0: {  	s26 =	sadd.s32 $0x120, s25;
	[sflag:s20] =	ssyncadd.s32 $0xFFFFF000  }
0xf1: {  	[tilespmem:s8], [sflag:$0x4] =	stream.indirect.gather [hbm4b:s4+s2], $0x80, s26, s2, $0xb8;
	[tilespmem:$0x1FD00] =	vst v63  }
0xf2: {  	_ =	swait.ge [sflag:s21], $0x1000  }
0xf3: {  	[sflag:s21] =	ssyncset.done $0x0  }
.Ltmp1:
0xf4: {  	s26 =	sadd.s32 $0x140, s25;
	[sflag:s21] =	ssyncadd.s32 $0xFFFFF000;
	(pc) =	sbr.rel @p0 .LBB2_4-.Ltmp1, $4  }
0xf5: {  	[tilespmem:s9], [sflag:$0x5] =	stream.indirect.gather [hbm4b:s4+s2], $0x80, s26, s2, $0xb8;
	[tilespmem:$0x1FD00] =	vst v63  }
0xf6: {  	_ =	swait.ge [sflag:s22], $0x1000  }
0xf7: {  	[sflag:s22] =	ssyncset.done $0x0  }
0xf8: {  	s25 =	sadd.s32 $0x160, s25;
	[sflag:s22] =	ssyncadd.s32 $0xFFFFF000  }
0xf9: {  	[tilespmem:s10], [sflag:$0x6] =	stream.indirect.gather [hbm4b:s4+s2], $0x80, s25, s2, $0xb8;
	[tilespmem:$0x1FD00] =	vst v63  }
0xfa: {  	_ =	swait.ge [sflag:s11], $0x1000  }
0xfb: {  	[sflag:s11] =	ssyncset.done $0x0  }
0xfc: {  	s24 =	simm.s32 $0x5040;
	[sflag:s11] =	ssyncadd.s32 $0xFFFFF000  }
0xfd: {  	[spmem:s1] =	stream.indirect.scatter.add.f32 [tilespmem:s3], [sflag:$0x7], $0x80, s24, s2, $0xb8;
	[tilespmem:$0x1FD00] =	vst v63  }
0xfe: {  	_ =	swait.ge [sflag:s12], $0x1000  }
0xff: {  	[sflag:s12] =	ssyncset.done $0x0  }
0x100: {  	s26 =	simm.s32 $0x5060;
	[sflag:s12] =	ssyncadd.s32 $0xFFFFF000  }
0x101: {  	[spmem:s1] =	stream.indirect.scatter.add.f32 [tilespmem:s5], [sflag:$0x8], $0x80, s26, s2, $0xb8;
	[tilespmem:$0x1FD00] =	vst v63  }
0x102: {  	_ =	swait.ge [sflag:s13], $0x1000  }
0x103: {  	[sflag:s13] =	ssyncset.done $0x0  }
0x104: {  	s25 =	simm.s32 $0x5080;
	[sflag:s13] =	ssyncadd.s32 $0xFFFFF000  }
0x105: {  	[spmem:s1] =	stream.indirect.scatter.add.f32 [tilespmem:s7], [sflag:$0x9], $0x80, s25, s2, $0xb8;
	[tilespmem:$0x1FD00] =	vst v63  }
0x106: {  	_ =	swait.ge [sflag:s14], $0x1000  }
0x107: {  	[sflag:s14] =	ssyncset.done $0x0  }
0x108: {  	s26 =	simm.s32 $0x50A0;
	[sflag:s14] =	ssyncadd.s32 $0xFFFFF000  }
0x109: {  	[spmem:s1] =	stream.indirect.scatter.add.f32 [tilespmem:s8], [sflag:$0xA], $0x80, s26, s2, $0xb8;
	[tilespmem:$0x1FD00] =	vst v63  }
0x10a: {  	_ =	swait.ge [sflag:s15], $0x1000  }
0x10b: {  	[sflag:s15] =	ssyncset.done $0x0  }
0x10c: {  	s25 =	simm.s32 $0x50C0;
	[sflag:s15] =	ssyncadd.s32 $0xFFFFF000  }
0x10d: {  	[spmem:s1] =	stream.indirect.scatter.add.f32 [tilespmem:s9], [sflag:$0xB], $0x80, s25, s2, $0xb8;
	[tilespmem:$0x1FD00] =	vst v63  }
0x10e: {  	_ =	swait.ge [sflag:s16], $0x1000  }
0x10f: {  	[sflag:s16] =	ssyncset.done $0x0  }
0x110: {  	s26 =	simm.s32 $0x50E0;
	[sflag:s16] =	ssyncadd.s32 $0xFFFFF000  }
0x111: {  	[spmem:s1] =	stream.indirect.scatter.add.f32 [tilespmem:s10], [sflag:$0xC], $0x80, s26, s2, $0xb8;
	[tilespmem:$0x1FD00] =	vst v63  }
0x112: {  	_ =	swait.ge [sflag:s17], $0x1000  }
0x113: {  	[sflag:s17] =	ssyncset.done $0x0  }
0x114: {  	[sflag:s17] =	ssyncadd.s32 $0xFFFFF000  }
0x115: {  	_ =	swait.ge [sflag:s18], $0x1000  }
0x116: {  	[sflag:s18] =	ssyncset.done $0x0  }
0x117: {  	[sflag:s18] =	ssyncadd.s32 $0xFFFFF000  }
0x118: {  	_ =	swait.ge [sflag:s19], $0x1000  }
0x119: {  	[sflag:s19] =	ssyncset.done $0x0  }
0x11a: {  	[sflag:s19] =	ssyncadd.s32 $0xFFFFF000  }
0x11b: {  	_ =	swait.ge [sflag:s20], $0x1000  }
0x11c: {  	[sflag:s20] =	ssyncset.done $0x0  }
0x11d: {  	[sflag:s20] =	ssyncadd.s32 $0xFFFFF000  }
0x11e: {  	_ =	swait.ge [sflag:s21], $0x1000  }
0x11f: {  	[sflag:s21] =	ssyncset.done $0x0  }
0x120: {  	[sflag:s21] =	ssyncadd.s32 $0xFFFFF000  }
0x121: {  	_ =	swait.ge [sflag:s22], $0x1000  }
0x122: {  	[sflag:s22] =	ssyncset.done $0x0  }
0x123: {  	[sflag:s22] =	ssyncadd.s32 $0xFFFFF000  }
0x124: {  	s25 =	stileid.u32;
	[bflag:$0x0] =	sbarrier.arrive $0xFFFF  }
0x125: {  	s24 =	sshll.u32 s25, $0x6;
	s25 =	rddreg [dreg:$0x7]  }
0x126: {  	s24 =	sor.u32 $0x1C0D, s24;
	s26 =	rddreg [dreg:$0x17]  }
0x127: {  	[hbm:s25], [sflag:s24] =	dma.local [spmem:s26], $0x2780  }
0x128: {  	_ =	swait.ge [sflag:s31], $0x2780  }
0x129: {  	s23 =	sadd.s32 $0x1, s23;
	s26 =	rddreg [dreg:$0x8]  }
0x12a: {  	p0 =	sne.s32 s23, s26  }
.Ltmp2:
0x12b: {  	_ = 	snop;
	(pc) =	sbr.rel @p0 .LBB2_1-.Ltmp2, $3  }
0x12c: {  	_ =	sdelay $0x1  }
0x12d: {  	[sflag:s31] =	ssyncset.done $0x0  }
0x12e: {  	[sflag:s31] =	ssyncadd.s32 $0xFFFFD880  }
0x12f: {  	_ =	sfence.sel $0x180000  }
0x130: {  	[bflag:$0x0] =	sbarrier.arrive $0xFFFF  }
0x131: {  	_ =	strace $0x9000004D  }
0x132: {  	s0 =	stileid.u32;
	[bflag:$0x2] =	sbarrier.arrive $0xFFFF  }
0x133: {  	p0 =	sne.s32 s0, $0x0;
	s0 =	rddreg [dreg:$0x3]  }
0x134: {  	s0 =	sadd.s32 @!p0 $0x100000, s0  }
0x135: {  	[sflag:s0] =	ssyncadd.tile.s32 @!p0 $0x1;
	_ =	shalt  }
.Lfunc_end2:
_tile_overlayer_lowered:
.L_overlay_start_2:
0x136: {  	(tag) =	ssettag $0x2  }
0x137: {  	s0 =	rddreg [dreg:$0x0];
	s2 =	stileid.u32  }
0x138: {  	s1 =	rddreg [dreg:$0x1];
	p0 =	sne.s32 s2, $0x0  }
0x139: {  	s3 =	rddreg [dreg:$0x2];
	[bflag:$0x3] =	sbarrier.arrive $0xFFFF;
	s2 =	simm.s32 @!p0 $0x1C0D  }
0x13a: {  	[timem:s3], [sflag:s2] =	dma.local @!p0 [hbm:s0], s1  }
0x13b: {  	s0 =	simm.s32 @!p0 $0xD  }
0x13c: {  	_ =	swait.ge @!p0 [sflag:s0], s1  }
0x13d: {  	s1 =	ssub.s32 @!p0 $0x0, s1;
	[sflag:s0] =	ssyncset.done @!p0 $0x0  }
0x13e: {  	[sflag:s0] =	ssyncadd.s32 @!p0 s1  }
0x13f: {  	[bflag:$0x3] =	sbarrier.arrive $0xFFFF  }
0x140: {  	_ =	shalt  }

// kernel: kernel.8.cloned.1.call-start
scs
__scs_entry_jumppad:
0x0: {  	(pc) =	sbr.rel $0x88, $3  }
0x1: {  	(tag) =	ssettag $0x0;
	lr =	simm.s32 $0x1  }
0x2: {  	[smem:$0x3F9B] =	sst lr;
	_ =	strace $0xD0000000  }
0x3: {  	_ = 	snop  }
0x4: {  	_ = 	snop  }
0x5: {  	_ = 	snop  }
0x6: {  	_ = 	snop  }
0x7: {  	_ = 	snop  }
__scs_overlays_trampoline_lowered:
0x8: {  	[smem:$0x3FAA] =	sst s0  }
0x9: {  	[smem:$0x3FAB] =	sst s1  }
0xa: {  	[smem:$0x3FAC] =	sst s2  }
0xb: {  	[smem:$0x3FAD] =	sst s3  }
0xc: {  	[smem:$0x3FAE] =	sst s4  }
0xd: {  	[smem:$0x3FAF] =	sst s5  }
0xe: {  	[smem:$0x3FB0] =	sst s6  }
0xf: {  	[smem:$0x3FB1] =	sst s7  }
0x10: {  	[smem:$0x3FB2] =	sst s8  }
0x11: {  	[smem:$0x3FB3] =	sst s9;
	s0 =	simm.s32 @!p0 $0x0  }
0x12: {  	s1 =	sld [smem:$0x3F99];
	s0 =	simm.s32 @p0 $0x1  }
0x13: {  	[smem:$0x3FB4] =	sst s0;
	s0 =	simm.s32 @!p1 $0x0  }
0x14: {  	s2 =	sld [smem:$0x3F98];
	s0 =	simm.s32 @p1 $0x1  }
0x15: {  	[smem:$0x3FB5] =	sst s0;
	s0 =	simm.s32 @!p2 $0x0  }
0x16: {  	s3 =	sld [smem:$0x3FDB];
	s0 =	simm.s32 @p2 $0x1  }
0x17: {  	s4 =	simm.s32 $0x1BF5;
	[smem:$0x3FB7] =	sst s0  }
0x18: {  	s0 =	sld [smem:$0x3F9A];
	_ =	swait.ge [sflag:s4], $0x0  }
0x19: {  	s7 =	sld [smem:$0x3F9B]  }
0x1a: {  	s8 =	sadd.s32 $0xFFFFE003, lr  }
0x1b: {  	s9 =	sadd.s32 $0xFFFFFEF7, lr;
	s5 =	simm.s32 $0xFFFFFFFF;
	p2 =	slt.u32 s8, $0xFFFFF086  }
0x1c: {  	p1 =	slt.u32 s9, $0xF7A;
	s5 =	simm.s32 @!p2 $0x0  }
0x1d: {  	s5 =	simm.s32 @p1 $0x1;
	p0 =	seq.s32 s7, s2  }
0x1e: {  	s7 =	smul.u32 @!p0 $0xF7A, s2;
	p2 =	seq.s32 @!p0 s5, $0x0  }
0x1f: {  	s9 =	smul.u32 $0xF7A, s1;
	s8 =	simm.s32 @!p0 $0x1BF5;
	p2 =	por !p2, p0  }
0x20: {  	[sflag:s8] =	ssyncset.s32 @!p0 $0xFFFFF086;
	s6 =	sadd.s32 @!p0 s3, s7;
	s7 =	simm.s32 @!p0 $0x108  }
0x21: {  	s3 =	sadd.s32 s3, s9;
	s6 =	sadd.s32 @!p0 $0x88, s6;
	s7 =	simm.s32 @p2 $0x1082  }
0x22: {  	[simem:s7], [sflag:s8] =	dma.local @!p0 [hbm:s6], $0xF7A  }
0x23: {  	s9 =	sor.u32 $0xD0000000, s2;
	s6 =	simm.s32 $0x108;
	_ =	swait.ge @!p0 [sflag:s8], $0x0  }
0x24: {  	s3 =	sadd.s32 $0x88, s3;
	s6 =	simm.s32 @!p1 $0x1082;
	[sflag:s4] =	ssyncset.s32 $0xFFFFF086  }
0x25: {  	[simem:s6], [sflag:s4] =	dma.local [hbm:s3], $0xF7A  }
0x26: {  	[smem:$0x3F9B] =	sst s1;
	(tag) =	ssettag s2;
	_ =	strace s9  }
0x27: {  	s1 =	sld [smem:$0x3FAB]  }
0x28: {  	s2 =	sld [smem:$0x3FAC]  }
0x29: {  	s4 =	sld [smem:$0x3FAE]  }
0x2a: {  	p0 =	seq.s32 s5, $0x0;
	s5 =	sld [smem:$0x3FAF]  }
0x2b: {  	s6 =	sld [smem:$0x3FB0]  }
0x2c: {  	s7 =	sld [smem:$0x3FB1]  }
0x2d: {  	s3 =	simm.s32 $0x108;
	s8 =	sld [smem:$0x3FB2]  }
0x2e: {  	s3 =	simm.s32 @!p0 $0x1082;
	s9 =	sld [smem:$0x3FB3]  }
0x2f: {  	lr =	sadd.s32 s0, s3;
	s0 =	sld [smem:$0x3FAA]  }
0x30: {  	s3 =	sld [smem:$0x3FAD]  }
0x31: {  	[smem:$0x3FB6] =	sst s10  }
0x32: {  	s10 =	sld [smem:$0x3FB4];
	_ =	sdelay $0x3  }
0x33: {  	p0 =	seq.s32 s10, $0x1;
	s10 =	sld [smem:$0x3FB6];
	_ =	sdelay $0x3  }
0x34: {  	[smem:$0x3FB6] =	sst s10  }
0x35: {  	s10 =	sld [smem:$0x3FB5];
	_ =	sdelay $0x3  }
0x36: {  	p1 =	seq.s32 s10, $0x1;
	s10 =	sld [smem:$0x3FB6];
	_ =	sdelay $0x3  }
0x37: {  	[smem:$0x3FB6] =	sst s10  }
0x38: {  	s10 =	sld [smem:$0x3FB7]  }
0x39: {  	_ = 	snop;
	(pc) =	sbr.ind lr, $3  }
0x3a: {  	_ = 	snop  }
0x3b: {  	_ = 	snop  }
0x3c: {  	p2 =	seq.s32 s10, $0x1;
	s10 =	sld [smem:$0x3FB6]  }
0x3d: {  	_ =	shalt  }
0x3e: {  	_ =	shalt  }
0x3f: {  	_ =	shalt  }
0x40: {  	_ =	shalt  }
0x41: {  	_ =	shalt  }
0x42: {  	_ =	shalt  }
0x43: {  	_ =	shalt  }
0x44: {  	_ =	shalt  }
0x45: {  	_ =	shalt  }
0x46: {  	_ =	shalt  }
0x47: {  	_ =	shalt  }
0x48: {  	_ =	shalt  }
0x49: {  	_ =	shalt  }
0x4a: {  	_ =	shalt  }
0x4b: {  	_ =	shalt  }
0x4c: {  	_ =	shalt  }
0x4d: {  	_ =	shalt  }
0x4e: {  	_ =	shalt  }
0x4f: {  	_ =	shalt  }
0x50: {  	_ =	shalt  }
0x51: {  	_ =	shalt  }
0x52: {  	_ =	shalt  }
0x53: {  	_ =	shalt  }
0x54: {  	_ =	shalt  }
0x55: {  	_ =	shalt  }
0x56: {  	_ =	shalt  }
0x57: {  	_ =	shalt  }
0x58: {  	_ =	shalt  }
0x59: {  	_ =	shalt  }
0x5a: {  	_ =	shalt  }
0x5b: {  	_ =	shalt  }
0x5c: {  	_ =	shalt  }
0x5d: {  	_ =	shalt  }
0x5e: {  	_ =	shalt  }
0x5f: {  	_ =	shalt  }
0x60: {  	_ =	shalt  }
0x61: {  	_ =	shalt  }
0x62: {  	_ =	shalt  }
0x63: {  	_ =	shalt  }
0x64: {  	_ =	shalt  }
0x65: {  	_ =	shalt  }
0x66: {  	_ =	shalt  }
0x67: {  	_ =	shalt  }
0x68: {  	_ =	shalt  }
0x69: {  	_ =	shalt  }
0x6a: {  	_ =	shalt  }
0x6b: {  	_ =	shalt  }
0x6c: {  	_ =	shalt  }
0x6d: {  	_ =	shalt  }
0x6e: {  	_ =	shalt  }
0x6f: {  	_ =	shalt  }
0x70: {  	_ =	shalt  }
0x71: {  	_ =	shalt  }
0x72: {  	_ =	shalt  }
0x73: {  	_ =	shalt  }
0x74: {  	_ =	shalt  }
0x75: {  	_ =	shalt  }
0x76: {  	_ =	shalt  }
0x77: {  	_ =	shalt  }
0x78: {  	_ =	shalt  }
0x79: {  	_ =	shalt  }
0x7a: {  	_ =	shalt  }
0x7b: {  	_ =	shalt  }
0x7c: {  	_ =	shalt  }
0x7d: {  	_ =	shalt  }
0x7e: {  	_ =	shalt  }
0x7f: {  	_ =	shalt  }
0x80: {  	_ =	shalt  }
0x81: {  	_ =	shalt  }
0x82: {  	_ =	shalt  }
0x83: {  	_ =	shalt  }
0x84: {  	_ =	shalt  }
0x85: {  	_ =	shalt  }
0x86: {  	_ =	shalt  }
0x87: {  	_ =	shalt  }
.Lfunc_end0:
.L_simem_size_0:
called_computation_lowered:
.L_overlay_start_0:
0x88: {  	s2 =	sld [smem:$0x3FD9]  }
0x89: {  	s3 =	sld [smem:$0x3FFE];
	_ =	sdelay $0x1  }
0x8a: {  	s1 =	srdreg.scid  }
0x8b: {  	s0 =	sand.u32 $0x1, s1  }
0x8c: {  	s17 =	sshll.u32 s0, $0xA;
	s2 =	sadd.s32 s3, s2  }
0x8d: {  	s2 =	sadd.s32 s2, s17  }
0x8e: {  	[smem:$0x3FC2] =	sst s2  }
0x8f: {  	_ = 	snop  }
0x90: {  	s2 =	sld [smem:$0x3FD0];
	(tm) =	ssettm $0x1  }
0x91: {  	s18 =	sld [smem:$0x3FFB];
	_ =	sdelay $0x3  }
0x92: {  	_ =	strace s18  }
0x93: {  	s3 =	sld [smem:$0x3FFC];
	_ =	sdelay $0x3  }
0x94: {  	_ =	strace s3  }
0x95: {  	s3 =	sld [smem:$0x3FFD];
	_ =	sdelay $0x3  }
0x96: {  	_ =	strace s3  }
0x97: {  	_ =	strace $0x8FFFFFFF  }
0x98: {  	s19 =	sld [smem:$0x3FDB];
	_ =	sdelay $0x1  }
0x99: {  	s4 =	simm.s32 $_scs_section_size  }
0x9a: {  	s5 =	simm.s32 $_size__tile_overlayer_lowered;
	s6 =	simm.s32 $_tile_overlayer_lowered  }
0x9b: {  	s22 =	simm.s32 $0x1BFF;
	s21 =	sshll.u32 s6, $0x1;
	s3 =	sadd.s32 s4, s19  }
0x9c: {  	s7 =	simm.s32 $0x0;
	s20 =	sshll.u32 s5, $0x1;
	s5 =	sadd.s32 s21, s3  }
0x9d: {  	[timem:s7], [sflag:s22] =	dma.local [hbm:s5], s20  }
0x9e: {  	_ =	swait.ge [sflag:s22], s20  }
0x9f: {  	s4 =	ssub.s32 $0x0, s20;
	[sflag:s22] =	ssyncset.done $0x0  }
0xa0: {  	[sflag:s22] =	ssyncadd.s32 s4;
	_ =	sdelay $0x1  }
0xa1: {  	s23 =	simm.s32 $0x1B8B  }
0xa2: {  	_ =	swait.ge [sflag:s23], $0x1  }
0xa3: {  	[sflag:s23] =	ssyncset.done $0x0  }
0xa4: {  	s25 =	simm.s32 $0x1B8E;
	s24 =	sld [smem:$0x3FFE];
	[sflag:s23] =	ssyncadd.s32 $0xFFFFFFFF  }
0xa5: {  	s26 =	simm.s32 $execute0_lowered;
	[smem:$0x3FD2] =	sst s25  }
0xa6: {  	s5 =	sshll.u32 s26, $0x1;
	_ =	strace $0x80000046;
	[dreg:$0x1] =	wrdreg $0xFFFFFFFF  }
0xa7: {  	s28 =	simm.s32 $_size_execute0_lowered;
	s3 =	sadd.s32 s3, s5;
	[dreg:$0x0] =	wrdreg $0x0  }
0xa8: {  	s5 =	sshll.u32 s28, $0x1;
	[dreg:$0x2] =	wrdreg s3  }
0xa9: {  	[dreg:$0x3] =	wrdreg s5  }
0xaa: {  	[dreg:$0x4] =	wrdreg $0xC0  }
0xab: {  	_ =	task [dreg:s7], $0x5FFFF  }
0xac: {  	[dreg:$0x1] =	wrdreg $0xFFFFFFFF  }
0xad: {  	[dreg:$0x0] =	wrdreg $0x60  }
0xae: {  	[dreg:$0x2] =	wrdreg s24  }
0xaf: {  	[dreg:$0x3] =	wrdreg s2  }
0xb0: {  	[dreg:$0x4] =	wrdreg $0x7A800  }
0xb1: {  	[dreg:$0x5] =	wrdreg $0xA2000  }
0xb2: {  	[dreg:$0x6] =	wrdreg $0x9  }
0xb3: {  	_ =	task.clear_ibuf [dreg:s7], $0x7FFFF;
	_ =	strace $0x90000046  }
0xb4: {  	s29 =	simm.s32 $0x9;
	_ =	strace $0x80000048  }
0xb5: {  	_ =	swait.ge [sflag:s29], $0x1  }
0xb6: {  	[sflag:s29] =	ssyncadd.s32 $0xFFFFFFFF  }
0xb7: {  	_ =	strace $0x90000048  }
0xb8: {  	_ =	sfence  }
0xb9: {  	s30 =	sld [smem:$0x0];
	_ =	sdelay $0x2  }
0xba: {  	s31 =	sshll.u32 s1, $0xD;
	s1 =	sshrl.u32 s1, $0x2  }
0xbb: {  	s3 =	sand.u32 $0x4000, s31;
	s1 =	sadd.s32 s1, s30  }
0xbc: {  	s0 =	sor.u32 s3, s0;
	s1 =	sshll.u32 s1, $0x11  }
0xbd: {  	s0 =	sor.u32 s1, s0  }
0xbe: {  	s0 =	sadd.s32 $0x8F2B, s0  }
0xbf: {  	[sflag:s0] =	ssyncadd.remote.s32 $0x1  }
0xc0: {  	_ =	sfence.sel $0xFFFF  }
0xc1: {  	[dreg:$0x0] =	wrdreg $0xFFFFFFFF;
	(pc) =	sbr.abs _section_cstart, $3  }
0xc2: {  	[dreg:$0x1] =	wrdreg $0xFFFFFFFF  }
0xc3: {  	_ =	task.clear_ibuf [dreg:s7], $0x2FFFF;
	_ =	strace $0x9FFFFFFF  }
0xc4: {  	(tm) =	ssettm $0x7FFFFFFF  }
0xc5: {  	_ =	shalt  }
tec
execute0_lowered:
.L_overlay_start_1:
0x0: {  	(tag) =	ssettag $0x1  }
0x1: {  	s5 =	rddreg [dreg:$0x0]  }
0x2: {  	s6 =	rddreg [dreg:$0x1]  }
0x3: {  	s1 =	srdreg.scid;
	s2 =	rddreg [dreg:$0x2]  }
0x4: {  	s0 =	stileid.u32;
	s3 =	rddreg [dreg:$0x3];
	s4 =	simm.s32 $0x0  }
0x5: {  	s13 =	simm.s32 $0x2880;
	s14 =	simm.s32 $0x5300;
	s15 =	simm.s32 $0x20  }
0x6: {  	s16 =	simm.s32 $0x5100;
	s17 =	simm.s32 $0x1;
	s18 =	simm.s32 $0x0  }
0x7: {  	s7 =	sand.u32 $0x1, s1;
	s8 =	smul.u32 $0x2780, s0;
	s1 =	rddreg [dreg:$0x4]  }
0x8: {  	[smem:$0x7FF] =	sst s4;
	s9 =	sshll.u32 s7, $0x4;
	s10 =	smul.u32 $0x27800, s7  }
0x9: {  	_ =	strace $0x80000047;
	s7 =	ssub.s32 $0x2, s7;
	s9 =	sor.u32 s0, s9  }
0xa: {  	s31 =	sshrl.u32 s7, $0x1;
	s9 =	smul.u32 $0x510, s9;
	s10 =	sadd.s32 s8, s10  }
0xb: {  	s12 =	ssub.s32 s7, s31;
	s7 =	sadd.s32 s8, s2;
	s10 =	sshrl.u32 s10, $0x3  }
0xc: {  	s8 =	sadd.s32 s8, s3;
	s11 =	sadd.s32 s9, s5;
	s10 =	sadd.s32 s10, s5  }
0xd: {  	s6 =	sadd.s32 s6, s9;
	s5 =	sadd.s32 $0x2400, s11;
	s9 =	sadd.s32 $0xC600, s10  }
0xe: {  	v0 =	vimm.f32 $1.000000000e+00;
	v1 =	vimm.f32 $0.0e+00;
	s10 =	sadd.s32 $0x16400, s10;
	s11 =	smax.u32 s12, $0x1;
	s12 =	simm.s32 $0x2  }
.LBB2_1:
0xf: {  	[tilespmem:s4], [sflag:$0x2] =	stream.linear.gather [hbm4b:s5+s4], $0x2880, $0x38;
	[tilespmem:$0xC980] =	vst v63  }
0x10: {  	_ =	swait.ge [sflag:s12], $0x2880  }
0x11: {  	[sflag:s12] =	ssyncset.done $0x0  }
0x12: {  	[sflag:s12] =	ssyncadd.s32 $0xFFFFD780  }
0x13: {  	[tilespmem:s13], [sflag:$0x2] =	stream.linear.gather [hbm4b:s6+s4], $0x2880, $0x38;
	[tilespmem:$0xC980] =	vst v63  }
0x14: {  	_ =	swait.ge [sflag:s12], $0x2880  }
0x15: {  	[sflag:s12] =	ssyncset.done $0x0  }
0x16: {  	[sflag:s12] =	ssyncadd.s32 $0xFFFFD780  }
0x17: {  	[tilespmem:$0x5100] =	vst v0  }
0x18: {  	[tilespmem:$0x5110] =	vst v0  }
0x19: {  	[tilespmem:$0x5120] =	vst v0  }
0x1a: {  	[tilespmem:$0x5130] =	vst v0  }
0x1b: {  	[tilespmem:$0x5140] =	vst v0  }
0x1c: {  	[tilespmem:$0x5150] =	vst v0  }
0x1d: {  	[tilespmem:$0x5160] =	vst v0  }
0x1e: {  	[tilespmem:$0x5170] =	vst v0  }
0x1f: {  	[tilespmem:$0x5180] =	vst v0  }
0x20: {  	[tilespmem:$0x5190] =	vst v0  }
0x21: {  	[tilespmem:$0x51A0] =	vst v0  }
0x22: {  	[tilespmem:$0x51B0] =	vst v0  }
0x23: {  	[tilespmem:$0x51C0] =	vst v0  }
0x24: {  	[tilespmem:$0x51D0] =	vst v0  }
0x25: {  	[tilespmem:$0x51E0] =	vst v0  }
0x26: {  	[tilespmem:$0x51F0] =	vst v0  }
0x27: {  	[tilespmem:$0x5200] =	vst v0  }
0x28: {  	[tilespmem:$0x5210] =	vst v0  }
0x29: {  	[tilespmem:$0x5220] =	vst v0  }
0x2a: {  	[tilespmem:$0x5230] =	vst v0  }
0x2b: {  	[tilespmem:$0x5240] =	vst v0  }
0x2c: {  	[tilespmem:$0x5250] =	vst v0  }
0x2d: {  	[tilespmem:$0x5260] =	vst v0  }
0x2e: {  	[tilespmem:$0x5270] =	vst v0  }
0x2f: {  	[tilespmem:$0x5280] =	vst v0  }
0x30: {  	[tilespmem:$0x5290] =	vst v0  }
0x31: {  	[tilespmem:$0x52A0] =	vst v0  }
0x32: {  	[tilespmem:$0x52B0] =	vst v0  }
0x33: {  	[tilespmem:$0x52C0] =	vst v0  }
0x34: {  	[tilespmem:$0x52D0] =	vst v0  }
0x35: {  	[tilespmem:$0x52E0] =	vst v0  }
0x36: {  	s19 =	simm.s32 $0x40;
	s20 =	simm.s32 $0x0;
	[tilespmem:$0x52F0] =	vst v0  }
.LBB2_2:
0x37: {  	p0 =	sne.s32 s19, $0x9DC0;
	[tilespmem:s20+$0x5300] =	vst v1;
	s20 =	smov.u32 s19;
	s19 =	sadd.s32 $0x40, s19  }
.Ltmp0:
0x38: {  	(pc) =	sbr.rel @p0 .LBB2_2-.Ltmp0, $2  }
0x39: {  	_ =	sdelay $0x2  }
0x3a: {  	s20 =	sshra.s32 s20, $0x2  }
0x3b: {  	[tilespmem:s20+$0x5300] =	vst v1  }
0x3c: {  	[spmem:s7] =	stream.linear.scatter [tilespmem:s14], [sflag:$0x2], $0x2780, $0x38;
	[tilespmem:$0xC980] =	vst v63  }
0x3d: {  	_ =	swait.ge [sflag:s12], $0x2780  }
0x3e: {  	[sflag:s12] =	ssyncset.done $0x0  }
0x3f: {  	[sflag:s12] =	ssyncadd.s32 $0xFFFFD880  }
0x40: {  	[spmem:s8] =	stream.linear.scatter [tilespmem:s14], [sflag:$0x2], $0x2780, $0x38;
	[tilespmem:$0xC980] =	vst v63  }
0x41: {  	_ =	swait.ge [sflag:s12], $0x2780  }
0x42: {  	[sflag:s12] =	ssyncset.done $0x0  }
0x43: {  	[sflag:s12] =	ssyncadd.s32 $0xFFFFD880  }
0x44: {  	s19 =	simm.s32 $0x2880;
	[bflag:$0x0] =	sbarrier.arrive $0xFFFF  }
0x45: {  	[spmem:s2] =	stream.indirect.scatter.add.f32 [tilespmem:s16], [sflag:$0x1], $0x10, s19, s15, $0xb8;
	[tilespmem:$0xC980] =	vst v63  }
0x46: {  	s20 =	simm.s32 $0x0;
	s19 =	simm.s32 $0x80  }
.LBB2_4:
0x47: {  	[spmem:s3] =	stream.indirect.scatter.add.f32 [tilespmem:s16], [sflag:$0x1], $0x10, s20, s15, $0xb8;
	[tilespmem:$0xC980] =	vst v63  }
0x48: {  	p0 =	sne.s32 s19, $0xA180  }
.Ltmp1:
0x49: {  	s20 =	smov.u32 s19;
	(pc) =	sbr.rel @p0 .LBB2_4-.Ltmp1, $4  }
0x4a: {  	s19 =	sadd.s32 $0x80, s19  }
0x4b: {  	s20 =	sshra.s32 s20, $0x2  }
0x4c: {  	s21 =	sadd.s32 $0x2880, s20  }
0x4d: {  	[spmem:s2] =	stream.indirect.scatter.add.f32 [tilespmem:s16], [sflag:$0x1], $0x10, s21, s15, $0xb8;
	[tilespmem:$0xC980] =	vst v63  }
0x4e: {  	[spmem:s3] =	stream.indirect.scatter.add.f32 [tilespmem:s16], [sflag:$0x1], $0x10, s20, s15, $0xb8;
	[tilespmem:$0xC980] =	vst v63  }
0x4f: {  	_ =	swait.ge [sflag:s17], $0x200  }
0x50: {  	[sflag:s17] =	ssyncset.done $0x0  }
0x51: {  	[sflag:s17] =	ssyncadd.s32 $0xFFFFFE00  }
0x52: {  	_ =	swait.ge [sflag:s17], $0x200  }
0x53: {  	s19 =	simm.s32 $0x143;
	[sflag:s17] =	ssyncset.done $0x0  }
.LBB2_6:
0x54: {  	p0 =	sne.s32 s19, $0x1;
	s19 =	sadd.s32 $0xFFFFFFFF, s19;
	[sflag:s17] =	ssyncadd.s32 $0xFFFFFE00  }
.Ltmp2:
0x55: {  	_ =	swait.ge [sflag:s17], $0x200;
	(pc) =	sbr.rel @p0 .LBB2_6-.Ltmp2, $4  }
0x56: {  	[sflag:s17] =	ssyncset.done $0x0  }
0x57: {  	[sflag:s17] =	ssyncadd.s32 $0xFFFFFE00  }
0x58: {  	_ =	swait.ge [sflag:s17], $0x200  }
0x59: {  	[sflag:s17] =	ssyncset.done $0x0  }
0x5a: {  	[sflag:s17] =	ssyncadd.s32 $0xFFFFFE00;
	s19 =	sshll.u32 s0, $0x6  }
0x5b: {  	s20 =	sshrl.u32 s7, $0x3;
	[bflag:$0x0] =	sbarrier.arrive $0xFFFF;
	s19 =	sor.u32 $0x1C02, s19  }
0x5c: {  	[hbm:s9], [sflag:s19] =	dma.local [spmem:s20], $0x4F0  }
0x5d: {  	s18 =	sadd.s32 $0x1, s18;
	_ =	swait.ge [sflag:s12], $0x4F0  }
0x5e: {  	p0 =	sne.s32 s18, s11;
	[sflag:s12] =	ssyncset.done $0x0  }
.Ltmp3:
0x5f: {  	s31 =	sshrl.u32 s8, $0x3;
	[sflag:s12] =	ssyncadd.s32 $0xFFFFFB10;
	(pc) =	sbr.rel @p0 .LBB2_1-.Ltmp3, $4  }
0x60: {  	[hbm:s10], [sflag:s19] =	dma.local [spmem:s31], $0x4F0  }
0x61: {  	_ =	swait.ge [sflag:s12], $0x4F0  }
0x62: {  	[sflag:s12] =	ssyncset.done $0x0  }
0x63: {  	[sflag:s12] =	ssyncadd.s32 $0xFFFFFB10  }
0x64: {  	_ =	sfence.sel $0x180000  }
0x65: {  	[bflag:$0x0] =	sbarrier.arrive $0xFFFF  }
0x66: {  	p0 =	sne.s32 s0, $0x0;
	_ =	strace $0x90000047  }
0x67: {  	s0 =	sadd.s32 @!p0 $0x100000, s1;
	[bflag:$0x2] =	sbarrier.arrive $0xFFFF  }
0x68: {  	[sflag:s0] =	ssyncadd.tile.s32 @!p0 $0x1;
	_ =	shalt  }
.Lfunc_end2:
_tile_overlayer_lowered:
.L_overlay_start_2:
0x69: {  	(tag) =	ssettag $0x2  }
0x6a: {  	s0 =	rddreg [dreg:$0x0];
	s2 =	stileid.u32  }
0x6b: {  	s1 =	rddreg [dreg:$0x1];
	p0 =	sne.s32 s2, $0x0  }
0x6c: {  	s3 =	rddreg [dreg:$0x2];
	[bflag:$0x3] =	sbarrier.arrive $0xFFFF;
	s2 =	simm.s32 @!p0 $0x1C02  }
0x6d: {  	[timem:s3], [sflag:s2] =	dma.local @!p0 [hbm:s0], s1  }
0x6e: {  	s0 =	simm.s32 @!p0 $0x2  }
0x6f: {  	_ =	swait.ge @!p0 [sflag:s0], s1  }
0x70: {  	s1 =	ssub.s32 @!p0 $0x0, s1;
	[sflag:s0] =	ssyncset.done @!p0 $0x0  }
0x71: {  	[sflag:s0] =	ssyncadd.s32 @!p0 s1  }
0x72: {  	[bflag:$0x3] =	sbarrier.arrive $0xFFFF  }
0x73: {  	_ =	shalt  }

</sc_bundles>
